<compile_context>
chip_gen: v7x
topology: tpu7x:2x2x1
jax: 0.10.2.dev20260603
libtpu: 0.0.44.dev20260713+nightly
codegen_flags: <defaults>
</compile_context>

<pallas_src>
import functools

import jax
import jax.numpy as jnp
from jax import lax
from jax.experimental import pallas as pl
from jax.experimental.pallas import tpu as pltpu
from jax.experimental.pallas import tpu_sc as plsc

VOCAB = 100000
DIM = 128
NC = 2
NS = 16
NW = NC * NS
ROWS_PER_W = VOCAB // NW
CHUNK = 125
NCHUNK = ROWS_PER_W // CHUNK
NLG = DIM // 16
RUNROLL = 5

_mesh = plsc.VectorSubcoreMesh(
    core_axis_name="c", subcore_axis_name="s", num_cores=NC, num_subcores=NS
)


@functools.partial(
    pl.kernel,
    out_type=jax.ShapeDtypeStruct((4, NW, DIM), jnp.float32),
    mesh=_mesh,
    scratch_types=[
        pltpu.VMEM((2, CHUNK, DIM), jnp.float32),
        pltpu.VMEM((4, DIM), jnp.float32),
        pltpu.SemaphoreType.DMA((2,)),
    ],
    compiler_params=pltpu.CompilerParams(use_tc_tiling_on_sc=False),
)
def _colsums(t0, t1, t2, t3, out_hbm, buf, acc, sems):
    wid = lax.axis_index("s") * NC + lax.axis_index("c")
    base = wid * ROWS_PER_W

    for t, tref in enumerate((t0, t1, t2, t3)):
        pltpu.make_async_copy(
            tref.at[pl.ds(base, CHUNK)], buf.at[0], sems.at[0]
        ).start()

        def chunk_body(i, accs, tref=tref):
            parity = lax.rem(i, 2)
            nxt = 1 - parity
            pltpu.make_async_copy(
                tref.at[pl.ds(base + i * CHUNK, CHUNK)],
                buf.at[parity],
                sems.at[parity],
            ).wait()

            @pl.when(i + 1 < NCHUNK)
            def _():
                pltpu.make_async_copy(
                    tref.at[pl.ds(base + (i + 1) * CHUNK, CHUNK)],
                    buf.at[nxt],
                    sems.at[nxt],
                ).start()

            def row_body(r, accs):
                r0 = r * RUNROLL
                accs = list(accs)
                for u in range(RUNROLL):
                    for k in range(NLG):
                        accs[k] = accs[k] + buf[parity, r0 + u, pl.ds(k * 16, 16)]
                return tuple(accs)

            return lax.fori_loop(0, CHUNK // RUNROLL, row_body, accs)

        accs = tuple(jnp.zeros((16,), jnp.float32) for _ in range(NLG))
        accs = lax.fori_loop(0, NCHUNK, chunk_body, accs)
        for k in range(NLG):
            acc[t, pl.ds(k * 16, 16)] = accs[k]

    for t in range(4):
        pltpu.sync_copy(acc.at[t], out_hbm.at[t, wid])


def _finish_body(p_ref, r0_ref, w_ref, lmd_ref, out_ref):
    p = p_ref[...]
    r0 = r0_ref[...]
    inv = 1.0 / (VOCAB - 1)
    s = [
        jnp.sum(p[t * NW:(t + 1) * NW], axis=0, keepdims=True)
        - r0[t:t + 1]
        for t in range(4)
    ]
    du = (s[0] - s[2]) * inv
    dh = (s[1] - s[3]) * inv
    vec_sum = jnp.sum(du * du + dh * dh)
    w = w_ref[...]
    eye = (
        lax.broadcasted_iota(jnp.int32, (DIM, DIM), 0)
        == lax.broadcasted_iota(jnp.int32, (DIM, DIM), 1)
    ).astype(jnp.float32)
    wi = w - eye
    total = jnp.sum(wi * wi) + DIM * lmd_ref[0, 0] * vec_sum
    out_ref[...] = jnp.broadcast_to(total, (1, 1))


_finish = pl.pallas_call(
    _finish_body,
    out_shape=jax.ShapeDtypeStruct((1, 1), jnp.float32),
)


def kernel(emb1_u, emb1_h, emb2_u, emb2_h, W, lmd):
    partials = _colsums(emb1_u, emb1_h, emb2_u, emb2_h)
    row0 = jnp.stack([emb1_u[0], emb1_h[0], emb2_u[0], emb2_h[0]])
    lmd_arr = jnp.asarray(lmd, jnp.float32).reshape(1, 1)
    out = _finish(partials.reshape(4 * NW, DIM), row0, W, lmd_arr)
    return out[0, 0]

# --- scband reference (transcript-rebuilt; emitter-appended) ---
"""Pipeline reference for scband-rkhs-model-3925600109025 (READ-ONLY COPY).

The authoritative reference and input builder live on the scoring server;
editing this copy changes nothing except your own understanding.
"""

import jax, jax.numpy as jnp
import numpy as np

VOCAB = 100000
DIM = 128

def setup_inputs(seed: int = 0) -> dict:
    key = jax.random.key(seed)
    k1, k2, k3, k4, k5 = jax.random.split(key, 5)
    emb1_u = jax.random.normal(k1, (VOCAB, DIM), dtype=jnp.float32)
    emb1_h = jax.random.normal(k2, (VOCAB, DIM), dtype=jnp.float32)
    emb2_u = jax.random.normal(k3, (VOCAB, DIM), dtype=jnp.float32)
    emb2_h = jax.random.normal(k4, (VOCAB, DIM), dtype=jnp.float32)
    W = jax.random.normal(k5, (DIM, DIM), dtype=jnp.float32) * 0.02 + jnp.eye(DIM, dtype=jnp.float32)
    return {"emb1_u": emb1_u, "emb1_h": emb1_h, "emb2_u": emb2_u, "emb2_h": emb2_h, "W": W, "lmd": 0.1}

def reference(emb1_u, emb1_h, emb2_u, emb2_h, W, lmd):
    # getEmbeddingSet(net_id=1): gather nodes range(1, dict_length) from both tables
    vocab, dim = emb1_u.shape
    nodes = jnp.arange(1, vocab)
    e1u = jnp.take(emb1_u, nodes, axis=0)
    e1h = jnp.take(emb1_h, nodes, axis=0)
    e2u = jnp.take(emb2_u, nodes, axis=0)
    e2h = jnp.take(emb2_h, nodes, axis=0)
    # per-table means over nodes
    m1u = jnp.mean(e1u, axis=0)
    m1h = jnp.mean(e1h, axis=0)
    m2u = jnp.mean(e2u, axis=0)
    m2h = jnp.mean(e2h, axis=0)
    # loss: (W - I)^2 [dim,dim] broadcast-added with lmd * ((m1u-m2u)^2 + (m1h-m2h)^2) [dim]
    loss = jnp.power(W - jnp.eye(dim, dtype=W.dtype), 2) + lmd * (jnp.power(m1u - m2u, 2) + jnp.power(m1h - m2h, 2))
    return loss.sum()

if __name__ == "__main__":
    import jax
    _d = setup_inputs()
    print(jax.jit(kernel)(*tuple(_d.values())))

</pallas_src>

<mosaic_0001>
#map = affine_map<(d0, d1) -> (0, 0)>
#map1 = affine_map<(d0, d1) -> (0, 0, 0)>
module attributes {stable_mosaic.version = 14 : i64} {
  func.func @_colsums(%arg0: i32, %arg1: i32, %arg2: memref<100000x128xf32, #tpu.memory_space<hbm>>, %arg3: memref<100000x128xf32, #tpu.memory_space<hbm>>, %arg4: memref<100000x128xf32, #tpu.memory_space<hbm>>, %arg5: memref<100000x128xf32, #tpu.memory_space<hbm>>, %arg6: memref<4x32x128xf32, #tpu.memory_space<hbm>>, %arg7: memref<2x125x128xf32, #tpu.memory_space<vmem>>, %arg8: memref<4x128xf32, #tpu.memory_space<vmem>>, %arg9: memref<2x!tpu.dma_semaphore, #tpu.memory_space<semaphore_mem>>) attributes {dimension_semantics = [#tpu.dimension_semantics<core_parallel>, #tpu.dimension_semantics<subcore_parallel>], iteration_bounds = array<i64: 2, 16>, scalar_prefetch = 0 : i64, scratch_operands = 3 : i64, tpu.core_type = #tpu.core_type<sc_vector_subcore>, window_params = [{transform_indices = #map}, {transform_indices = #map}, {transform_indices = #map}, {transform_indices = #map}, {transform_indices = #map1}]} {
    %mul3A = arith.constant 2 : i32
    %mul3A_0 = arith.muli %arg1, %mul3A : i32
    %add3A = arith.addi %mul3A_0, %arg0 : i32
    %mul3A_1 = arith.constant 3125 : i32
    %mul3A_2 = arith.muli %add3A, %mul3A_1 : i32
    %dma_start3A = arith.constant 0 : i32
    %dma_start3A_3 = arith.constant 0 : i32
    %dma_start3A_4 = arith.constant 0 : i32
    %dma_start3A_5 = arith.constant 0 : i32
    %dma_start3A_6 = tpu.memref_slice %arg7[%dma_start3A, %dma_start3A_4, %dma_start3A_5] : memref<2x125x128xf32, #tpu.memory_space<vmem>> -> memref<1x125x128xf32, #tpu.memory_space<vmem>>
    %dma_start3A_7 = tpu.memref_squeeze %dma_start3A_6 : memref<1x125x128xf32, #tpu.memory_space<vmem>> -> memref<125x128xf32, #tpu.memory_space<vmem>>
    %dma_start3A_8 = arith.constant 0 : i32
    %dma_start3A_9 = tpu.memref_slice %arg2[%mul3A_2, %dma_start3A_8] : memref<100000x128xf32, #tpu.memory_space<hbm>> -> memref<125x128xf32, #tpu.memory_space<hbm>>
    %dma_start3A_10 = tpu.memref_slice %arg9[%dma_start3A_3] : memref<2x!tpu.dma_semaphore, #tpu.memory_space<semaphore_mem>> -> memref<1x!tpu.dma_semaphore, #tpu.memory_space<semaphore_mem>>
    %dma_start3A_11 = tpu.memref_squeeze %dma_start3A_10 : memref<1x!tpu.dma_semaphore, #tpu.memory_space<semaphore_mem>> -> memref<!tpu.dma_semaphore, #tpu.memory_space<semaphore_mem>>
    %dma_start3A_12 = arith.constant 0 : i32
    %dma_start3A_13 = arith.constant 0 : i32
    %dma_start3A_14 = tpu.memref_slice %arg7[%dma_start3A, %dma_start3A_12, %dma_start3A_13] : memref<2x125x128xf32, #tpu.memory_space<vmem>> -> memref<1x125x128xf32, #tpu.memory_space<vmem>>
    %dma_start3A_15 = tpu.memref_squeeze %dma_start3A_14 : memref<1x125x128xf32, #tpu.memory_space<vmem>> -> memref<125x128xf32, #tpu.memory_space<vmem>>
    %dma_start3A_16 = arith.constant 0 : i32
    %dma_start3A_17 = tpu.memref_slice %arg2[%mul3A_2, %dma_start3A_16] : memref<100000x128xf32, #tpu.memory_space<hbm>> -> memref<125x128xf32, #tpu.memory_space<hbm>>
    tpu.enqueue_dma source(%dma_start3A_17 : memref<125x128xf32, #tpu.memory_space<hbm>>) target(%dma_start3A_15 : memref<125x128xf32, #tpu.memory_space<vmem>>) target_semaphore(%dma_start3A_11 : memref<!tpu.dma_semaphore, #tpu.memory_space<semaphore_mem>>)
    %broadcast_in_dim3A = arith.constant 0.000000e+00 : f32
    %broadcast_in_dim3A_18 = vector.broadcast %broadcast_in_dim3A : f32 to vector<16xf32>
    %broadcast_in_dim3A_19 = arith.constant 0.000000e+00 : f32
    %broadcast_in_dim3A_20 = vector.broadcast %broadcast_in_dim3A_19 : f32 to vector<16xf32>
    %broadcast_in_dim3A_21 = arith.constant 0.000000e+00 : f32
    %broadcast_in_dim3A_22 = vector.broadcast %broadcast_in_dim3A_21 : f32 to vector<16xf32>
    %broadcast_in_dim3A_23 = arith.constant 0.000000e+00 : f32
    %broadcast_in_dim3A_24 = vector.broadcast %broadcast_in_dim3A_23 : f32 to vector<16xf32>
    %broadcast_in_dim3A_25 = arith.constant 0.000000e+00 : f32
    %broadcast_in_dim3A_26 = vector.broadcast %broadcast_in_dim3A_25 : f32 to vector<16xf32>
    %broadcast_in_dim3A_27 = arith.constant 0.000000e+00 : f32
    %broadcast_in_dim3A_28 = vector.broadcast %broadcast_in_dim3A_27 : f32 to vector<16xf32>
    %broadcast_in_dim3A_29 = arith.constant 0.000000e+00 : f32
    %broadcast_in_dim3A_30 = vector.broadcast %broadcast_in_dim3A_29 : f32 to vector<16xf32>
    %broadcast_in_dim3A_31 = arith.constant 0.000000e+00 : f32
    %broadcast_in_dim3A_32 = vector.broadcast %broadcast_in_dim3A_31 : f32 to vector<16xf32>
    %scan3A = arith.constant 0 : i32
    %scan3A_33 = arith.constant 25 : i32
    %scan3A_34 = arith.addi %scan3A, %scan3A_33 : i32
    %scan3A_35 = arith.constant 1 : i32
    %scan3A_36:8 = scf.for %scan3A_350 = %scan3A to %scan3A_34 step %scan3A_35 iter_args(%scan3A_351 = %broadcast_in_dim3A_18, %scan3A_352 = %broadcast_in_dim3A_20, %scan3A_353 = %broadcast_in_dim3A_22, %scan3A_354 = %broadcast_in_dim3A_24, %scan3A_355 = %broadcast_in_dim3A_26, %scan3A_356 = %broadcast_in_dim3A_28, %scan3A_357 = %broadcast_in_dim3A_30, %scan3A_358 = %broadcast_in_dim3A_32) -> (vector<16xf32>, vector<16xf32>, vector<16xf32>, vector<16xf32>, vector<16xf32>, vector<16xf32>, vector<16xf32>, vector<16xf32>)  : i32 {
      %rem3A = arith.constant 2 : i32
      %rem3A_359 = arith.remsi %scan3A_350, %rem3A : i32
      %sub3A = arith.constant 1 : i32
      %sub3A_360 = arith.subi %sub3A, %rem3A_359 : i32
      %mul3A_361 = arith.constant 125 : i32
      %mul3A_362 = arith.muli %scan3A_350, %mul3A_361 : i32
      %add3A_363 = arith.addi %mul3A_2, %mul3A_362 : i32
      %dma_wait3A = arith.constant 0 : i32
      %dma_wait3A_364 = arith.constant 0 : i32
      %dma_wait3A_365 = tpu.memref_slice %arg7[%rem3A_359, %dma_wait3A, %dma_wait3A_364] : memref<2x125x128xf32, #tpu.memory_space<vmem>> -> memref<1x125x128xf32, #tpu.memory_space<vmem>>
      %dma_wait3A_366 = tpu.memref_squeeze %dma_wait3A_365 : memref<1x125x128xf32, #tpu.memory_space<vmem>> -> memref<125x128xf32, #tpu.memory_space<vmem>>
      %dma_wait3A_367 = arith.constant 0 : i32
      %dma_wait3A_368 = tpu.memref_slice %arg2[%add3A_363, %dma_wait3A_367] : memref<100000x128xf32, #tpu.memory_space<hbm>> -> memref<125x128xf32, #tpu.memory_space<hbm>>
      %dma_wait3A_369 = tpu.memref_slice %arg9[%rem3A_359] : memref<2x!tpu.dma_semaphore, #tpu.memory_space<semaphore_mem>> -> memref<1x!tpu.dma_semaphore, #tpu.memory_space<semaphore_mem>>
      %dma_wait3A_370 = tpu.memref_squeeze %dma_wait3A_369 : memref<1x!tpu.dma_semaphore, #tpu.memory_space<semaphore_mem>> -> memref<!tpu.dma_semaphore, #tpu.memory_space<semaphore_mem>>
      %dma_wait3A_371 = arith.constant 0 : i32
      %dma_wait3A_372 = arith.constant 0 : i32
      %dma_wait3A_373 = tpu.memref_slice %arg7[%rem3A_359, %dma_wait3A_371, %dma_wait3A_372] : memref<2x125x128xf32, #tpu.memory_space<vmem>> -> memref<1x125x128xf32, #tpu.memory_space<vmem>>
      %dma_wait3A_374 = tpu.memref_squeeze %dma_wait3A_373 : memref<1x125x128xf32, #tpu.memory_space<vmem>> -> memref<125x128xf32, #tpu.memory_space<vmem>>
      %dma_wait3A_375 = arith.constant 0 : i32
      %dma_wait3A_376 = tpu.memref_slice %arg2[%add3A_363, %dma_wait3A_375] : memref<100000x128xf32, #tpu.memory_space<hbm>> -> memref<125x128xf32, #tpu.memory_space<hbm>>
      tpu.wait_dma2 semaphore(%dma_wait3A_370 : memref<!tpu.dma_semaphore, #tpu.memory_space<semaphore_mem>>) src(%dma_wait3A_376 : memref<125x128xf32, #tpu.memory_space<hbm>>) dst(%dma_wait3A_374 : memref<125x128xf32, #tpu.memory_space<vmem>>)
      %add3A_377 = arith.constant 1 : i32
      %add3A_378 = arith.addi %scan3A_350, %add3A_377 : i32
      %lt3A = arith.constant 25 : i32
      %lt3A_379 = arith.cmpi slt, %add3A_378, %lt3A : i32
      %convert_element_type3A = arith.extui %lt3A_379 : i1 to i32
      %cond3A = arith.constant 0 : i32
      %cond3A_380 = arith.cmpi ne, %convert_element_type3A, %cond3A : i32
      scf.if %cond3A_380 {
        %add3A_387 = arith.constant 1 : i32
        %add3A_388 = arith.addi %scan3A_350, %add3A_387 : i32
        %mul3A_389 = arith.constant 125 : i32
        %mul3A_390 = arith.muli %add3A_388, %mul3A_389 : i32
        %add3A_391 = arith.addi %mul3A_2, %mul3A_390 : i32
        %dma_start3A_392 = arith.constant 0 : i32
        %dma_start3A_393 = arith.constant 0 : i32
        %dma_start3A_394 = tpu.memref_slice %arg7[%sub3A_360, %dma_start3A_392, %dma_start3A_393] : memref<2x125x128xf32, #tpu.memory_space<vmem>> -> memref<1x125x128xf32, #tpu.memory_space<vmem>>
        %dma_start3A_395 = tpu.memref_squeeze %dma_start3A_394 : memref<1x125x128xf32, #tpu.memory_space<vmem>> -> memref<125x128xf32, #tpu.memory_space<vmem>>
        %dma_start3A_396 = arith.constant 0 : i32
        %dma_start3A_397 = tpu.memref_slice %arg2[%add3A_391, %dma_start3A_396] : memref<100000x128xf32, #tpu.memory_space<hbm>> -> memref<125x128xf32, #tpu.memory_space<hbm>>
        %dma_start3A_398 = tpu.memref_slice %arg9[%sub3A_360] : memref<2x!tpu.dma_semaphore, #tpu.memory_space<semaphore_mem>> -> memref<1x!tpu.dma_semaphore, #tpu.memory_space<semaphore_mem>>
        %dma_start3A_399 = tpu.memref_squeeze %dma_start3A_398 : memref<1x!tpu.dma_semaphore, #tpu.memory_space<semaphore_mem>> -> memref<!tpu.dma_semaphore, #tpu.memory_space<semaphore_mem>>
        %dma_start3A_400 = arith.constant 0 : i32
        %dma_start3A_401 = arith.constant 0 : i32
        %dma_start3A_402 = tpu.memref_slice %arg7[%sub3A_360, %dma_start3A_400, %dma_start3A_401] : memref<2x125x128xf32, #tpu.memory_space<vmem>> -> memref<1x125x128xf32, #tpu.memory_space<vmem>>
        %dma_start3A_403 = tpu.memref_squeeze %dma_start3A_402 : memref<1x125x128xf32, #tpu.memory_space<vmem>> -> memref<125x128xf32, #tpu.memory_space<vmem>>
        %dma_start3A_404 = arith.constant 0 : i32
        %dma_start3A_405 = tpu.memref_slice %arg2[%add3A_391, %dma_start3A_404] : memref<100000x128xf32, #tpu.memory_space<hbm>> -> memref<125x128xf32, #tpu.memory_space<hbm>>
        tpu.enqueue_dma source(%dma_start3A_405 : memref<125x128xf32, #tpu.memory_space<hbm>>) target(%dma_start3A_403 : memref<125x128xf32, #tpu.memory_space<vmem>>) target_semaphore(%dma_start3A_399 : memref<!tpu.dma_semaphore, #tpu.memory_space<semaphore_mem>>)
      } else {
      }
      %scan3A_381 = arith.constant 0 : i32
      %scan3A_382 = arith.constant 25 : i32
      %scan3A_383 = arith.addi %scan3A_381, %scan3A_382 : i32
      %scan3A_384 = arith.constant 1 : i32
      %scan3A_385:8 = scf.for %scan3A_387 = %scan3A_381 to %scan3A_383 step %scan3A_384 iter_args(%scan3A_388 = %scan3A_351, %scan3A_389 = %scan3A_352, %scan3A_390 = %scan3A_353, %scan3A_391 = %scan3A_354, %scan3A_392 = %scan3A_355, %scan3A_393 = %scan3A_356, %scan3A_394 = %scan3A_357, %scan3A_395 = %scan3A_358) -> (vector<16xf32>, vector<16xf32>, vector<16xf32>, vector<16xf32>, vector<16xf32>, vector<16xf32>, vector<16xf32>, vector<16xf32>)  : i32 {
        %mul3A_396 = arith.constant 5 : i32
        %mul3A_397 = arith.muli %scan3A_387, %mul3A_396 : i32
        %add3A_398 = arith.constant 0 : i32
        %add3A_399 = arith.addi %mul3A_397, %add3A_398 : i32
        %get3A = arith.index_cast %rem3A_359 : i32 to index
        %get3A_400 = arith.index_cast %add3A_399 : i32 to index
        %get3A_401 = arith.constant 0 : index
        %get3A_402 = tpu.vector_load %arg7[%get3A, %get3A_400, %get3A_401] {strides = array<i32>} : memref<2x125x128xf32, #tpu.memory_space<vmem>>, vector<1x1x16xf32>,
        %get3A_403 = vector.shape_cast %get3A_402 : vector<1x1x16xf32> to vector<16xf32>
        %add3A_404 = arith.addf %scan3A_388, %get3A_403 : vector<16xf32>
        %add3A_405 = arith.constant 0 : i32
        %add3A_406 = arith.addi %mul3A_397, %add3A_405 : i32
        %get3A_407 = arith.index_cast %rem3A_359 : i32 to index
        %get3A_408 = arith.index_cast %add3A_406 : i32 to index
        %get3A_409 = arith.constant 16 : index
        %get3A_410 = tpu.vector_load %arg7[%get3A_407, %get3A_408, %get3A_409] {strides = array<i32>} : memref<2x125x128xf32, #tpu.memory_space<vmem>>, vector<1x1x16xf32>,
        %get3A_411 = vector.shape_cast %get3A_410 : vector<1x1x16xf32> to vector<16xf32>
        %add3A_412 = arith.addf %scan3A_389, %get3A_411 : vector<16xf32>
        %add3A_413 = arith.constant 0 : i32
        %add3A_414 = arith.addi %mul3A_397, %add3A_413 : i32
        %get3A_415 = arith.index_cast %rem3A_359 : i32 to index
        %get3A_416 = arith.index_cast %add3A_414 : i32 to index
        %get3A_417 = arith.constant 32 : index
        %get3A_418 = tpu.vector_load %arg7[%get3A_415, %get3A_416, %get3A_417] {strides = array<i32>} : memref<2x125x128xf32, #tpu.memory_space<vmem>>, vector<1x1x16xf32>,
        %get3A_419 = vector.shape_cast %get3A_418 : vector<1x1x16xf32> to vector<16xf32>
        %add3A_420 = arith.addf %scan3A_390, %get3A_419 : vector<16xf32>
        %add3A_421 = arith.constant 0 : i32
        %add3A_422 = arith.addi %mul3A_397, %add3A_421 : i32
        %get3A_423 = arith.index_cast %rem3A_359 : i32 to index
        %get3A_424 = arith.index_cast %add3A_422 : i32 to index
        %get3A_425 = arith.constant 48 : index
        %get3A_426 = tpu.vector_load %arg7[%get3A_423, %get3A_424, %get3A_425] {strides = array<i32>} : memref<2x125x128xf32, #tpu.memory_space<vmem>>, vector<1x1x16xf32>,
        %get3A_427 = vector.shape_cast %get3A_426 : vector<1x1x16xf32> to vector<16xf32>
        %add3A_428 = arith.addf %scan3A_391, %get3A_427 : vector<16xf32>
        %add3A_429 = arith.constant 0 : i32
        %add3A_430 = arith.addi %mul3A_397, %add3A_429 : i32
        %get3A_431 = arith.index_cast %rem3A_359 : i32 to index
        %get3A_432 = arith.index_cast %add3A_430 : i32 to index
        %get3A_433 = arith.constant 64 : index
        %get3A_434 = tpu.vector_load %arg7[%get3A_431, %get3A_432, %get3A_433] {strides = array<i32>} : memref<2x125x128xf32, #tpu.memory_space<vmem>>, vector<1x1x16xf32>,
        %get3A_435 = vector.shape_cast %get3A_434 : vector<1x1x16xf32> to vector<16xf32>
        %add3A_436 = arith.addf %scan3A_392, %get3A_435 : vector<16xf32>
        %add3A_437 = arith.constant 0 : i32
        %add3A_438 = arith.addi %mul3A_397, %add3A_437 : i32
        %get3A_439 = arith.index_cast %rem3A_359 : i32 to index
        %get3A_440 = arith.index_cast %add3A_438 : i32 to index
        %get3A_441 = arith.constant 80 : index
        %get3A_442 = tpu.vector_load %arg7[%get3A_439, %get3A_440, %get3A_441] {strides = array<i32>} : memref<2x125x128xf32, #tpu.memory_space<vmem>>, vector<1x1x16xf32>,
        %get3A_443 = vector.shape_cast %get3A_442 : vector<1x1x16xf32> to vector<16xf32>
        %add3A_444 = arith.addf %scan3A_393, %get3A_443 : vector<16xf32>
        %add3A_445 = arith.constant 0 : i32
        %add3A_446 = arith.addi %mul3A_397, %add3A_445 : i32
        %get3A_447 = arith.index_cast %rem3A_359 : i32 to index
        %get3A_448 = arith.index_cast %add3A_446 : i32 to index
        %get3A_449 = arith.constant 96 : index
        %get3A_450 = tpu.vector_load %arg7[%get3A_447, %get3A_448, %get3A_449] {strides = array<i32>} : memref<2x125x128xf32, #tpu.memory_space<vmem>>, vector<1x1x16xf32>,
        %get3A_451 = vector.shape_cast %get3A_450 : vector<1x1x16xf32> to vector<16xf32>
        %add3A_452 = arith.addf %scan3A_394, %get3A_451 : vector<16xf32>
        %add3A_453 = arith.constant 0 : i32
        %add3A_454 = arith.addi %mul3A_397, %add3A_453 : i32
        %get3A_455 = arith.index_cast %rem3A_359 : i32 to index
        %get3A_456 = arith.index_cast %add3A_454 : i32 to index
        %get3A_457 = arith.constant 112 : index
        %get3A_458 = tpu.vector_load %arg7[%get3A_455, %get3A_456, %get3A_457] {strides = array<i32>} : memref<2x125x128xf32, #tpu.memory_space<vmem>>, vector<1x1x16xf32>,
        %get3A_459 = vector.shape_cast %get3A_458 : vector<1x1x16xf32> to vector<16xf32>
        %add3A_460 = arith.addf %scan3A_395, %get3A_459 : vector<16xf32>
        %add3A_461 = arith.constant 1 : i32
        %add3A_462 = arith.addi %mul3A_397, %add3A_461 : i32
        %get3A_463 = arith.index_cast %rem3A_359 : i32 to index
        %get3A_464 = arith.index_cast %add3A_462 : i32 to index
        %get3A_465 = arith.constant 0 : index
        %get3A_466 = tpu.vector_load %arg7[%get3A_463, %get3A_464, %get3A_465] {strides = array<i32>} : memref<2x125x128xf32, #tpu.memory_space<vmem>>, vector<1x1x16xf32>,
        %get3A_467 = vector.shape_cast %get3A_466 : vector<1x1x16xf32> to vector<16xf32>
        %add3A_468 = arith.addf %add3A_404, %get3A_467 : vector<16xf32>
        %add3A_469 = arith.constant 1 : i32
        %add3A_470 = arith.addi %mul3A_397, %add3A_469 : i32
        %get3A_471 = arith.index_cast %rem3A_359 : i32 to index
        %get3A_472 = arith.index_cast %add3A_470 : i32 to index
        %get3A_473 = arith.constant 16 : index
        %get3A_474 = tpu.vector_load %arg7[%get3A_471, %get3A_472, %get3A_473] {strides = array<i32>} : memref<2x125x128xf32, #tpu.memory_space<vmem>>, vector<1x1x16xf32>,
        %get3A_475 = vector.shape_cast %get3A_474 : vector<1x1x16xf32> to vector<16xf32>
        %add3A_476 = arith.addf %add3A_412, %get3A_475 : vector<16xf32>
        %add3A_477 = arith.constant 1 : i32
        %add3A_478 = arith.addi %mul3A_397, %add3A_477 : i32
        %get3A_479 = arith.index_cast %rem3A_359 : i32 to index
        %get3A_480 = arith.index_cast %add3A_478 : i32 to index
        %get3A_481 = arith.constant 32 : index
        %get3A_482 = tpu.vector_load %arg7[%get3A_479, %get3A_480, %get3A_481] {strides = array<i32>} : memref<2x125x128xf32, #tpu.memory_space<vmem>>, vector<1x1x16xf32>,
        %get3A_483 = vector.shape_cast %get3A_482 : vector<1x1x16xf32> to vector<16xf32>
        %add3A_484 = arith.addf %add3A_420, %get3A_483 : vector<16xf32>
        %add3A_485 = arith.constant 1 : i32
        %add3A_486 = arith.addi %mul3A_397, %add3A_485 : i32
        %get3A_487 = arith.index_cast %rem3A_359 : i32 to index
        %get3A_488 = arith.index_cast %add3A_486 : i32 to index
        %get3A_489 = arith.constant 48 : index
        %get3A_490 = tpu.vector_load %arg7[%get3A_487, %get3A_488, %get3A_489] {strides = array<i32>} : memref<2x125x128xf32, #tpu.memory_space<vmem>>, vector<1x1x16xf32>,
        %get3A_491 = vector.shape_cast %get3A_490 : vector<1x1x16xf32> to vector<16xf32>
        %add3A_492 = arith.addf %add3A_428, %get3A_491 : vector<16xf32>
        %add3A_493 = arith.constant 1 : i32
        %add3A_494 = arith.addi %mul3A_397, %add3A_493 : i32
        %get3A_495 = arith.index_cast %rem3A_359 : i32 to index
        %get3A_496 = arith.index_cast %add3A_494 : i32 to index
        %get3A_497 = arith.constant 64 : index
        %get3A_498 = tpu.vector_load %arg7[%get3A_495, %get3A_496, %get3A_497] {strides = array<i32>} : memref<2x125x128xf32, #tpu.memory_space<vmem>>, vector<1x1x16xf32>,
        %get3A_499 = vector.shape_cast %get3A_498 : vector<1x1x16xf32> to vector<16xf32>
        %add3A_500 = arith.addf %add3A_436, %get3A_499 : vector<16xf32>
        %add3A_501 = arith.constant 1 : i32
        %add3A_502 = arith.addi %mul3A_397, %add3A_501 : i32
        %get3A_503 = arith.index_cast %rem3A_359 : i32 to index
        %get3A_504 = arith.index_cast %add3A_502 : i32 to index
        %get3A_505 = arith.constant 80 : index
        %get3A_506 = tpu.vector_load %arg7[%get3A_503, %get3A_504, %get3A_505] {strides = array<i32>} : memref<2x125x128xf32, #tpu.memory_space<vmem>>, vector<1x1x16xf32>,
        %get3A_507 = vector.shape_cast %get3A_506 : vector<1x1x16xf32> to vector<16xf32>
        %add3A_508 = arith.addf %add3A_444, %get3A_507 : vector<16xf32>
        %add3A_509 = arith.constant 1 : i32
        %add3A_510 = arith.addi %mul3A_397, %add3A_509 : i32
        %get3A_511 = arith.index_cast %rem3A_359 : i32 to index
        %get3A_512 = arith.index_cast %add3A_510 : i32 to index
        %get3A_513 = arith.constant 96 : index
        %get3A_514 = tpu.vector_load %arg7[%get3A_511, %get3A_512, %get3A_513] {strides = array<i32>} : memref<2x125x128xf32, #tpu.memory_space<vmem>>, vector<1x1x16xf32>,
        %get3A_515 = vector.shape_cast %get3A_514 : vector<1x1x16xf32> to vector<16xf32>
        %add3A_516 = arith.addf %add3A_452, %get3A_515 : vector<16xf32>
        %add3A_517 = arith.constant 1 : i32
        %add3A_518 = arith.addi %mul3A_397, %add3A_517 : i32
        %get3A_519 = arith.index_cast %rem3A_359 : i32 to index
        %get3A_520 = arith.index_cast %add3A_518 : i32 to index
        %get3A_521 = arith.constant 112 : index
        %get3A_522 = tpu.vector_load %arg7[%get3A_519, %get3A_520, %get3A_521] {strides = array<i32>} : memref<2x125x128xf32, #tpu.memory_space<vmem>>, vector<1x1x16xf32>,
        %get3A_523 = vector.shape_cast %get3A_522 : vector<1x1x16xf32> to vector<16xf32>
        %add3A_524 = arith.addf %add3A_460, %get3A_523 : vector<16xf32>
        %add3A_525 = arith.constant 2 : i32
        %add3A_526 = arith.addi %mul3A_397, %add3A_525 : i32
        %get3A_527 = arith.index_cast %rem3A_359 : i32 to index
        %get3A_528 = arith.index_cast %add3A_526 : i32 to index
        %get3A_529 = arith.constant 0 : index
        %get3A_530 = tpu.vector_load %arg7[%get3A_527, %get3A_528, %get3A_529] {strides = array<i32>} : memref<2x125x128xf32, #tpu.memory_space<vmem>>, vector<1x1x16xf32>,
        %get3A_531 = vector.shape_cast %get3A_530 : vector<1x1x16xf32> to vector<16xf32>
        %add3A_532 = arith.addf %add3A_468, %get3A_531 : vector<16xf32>
        %add3A_533 = arith.constant 2 : i32
        %add3A_534 = arith.addi %mul3A_397, %add3A_533 : i32
        %get3A_535 = arith.index_cast %rem3A_359 : i32 to index
        %get3A_536 = arith.index_cast %add3A_534 : i32 to index
        %get3A_537 = arith.constant 16 : index
        %get3A_538 = tpu.vector_load %arg7[%get3A_535, %get3A_536, %get3A_537] {strides = array<i32>} : memref<2x125x128xf32, #tpu.memory_space<vmem>>, vector<1x1x16xf32>,
        %get3A_539 = vector.shape_cast %get3A_538 : vector<1x1x16xf32> to vector<16xf32>
        %add3A_540 = arith.addf %add3A_476, %get3A_539 : vector<16xf32>
        %add3A_541 = arith.constant 2 : i32
        %add3A_542 = arith.addi %mul3A_397, %add3A_541 : i32
        %get3A_543 = arith.index_cast %rem3A_359 : i32 to index
        %get3A_544 = arith.index_cast %add3A_542 : i32 to index
        %get3A_545 = arith.constant 32 : index
        %get3A_546 = tpu.vector_load %arg7[%get3A_543, %get3A_544, %get3A_545] {strides = array<i32>} : memref<2x125x128xf32, #tpu.memory_space<vmem>>, vector<1x1x16xf32>,
        %get3A_547 = vector.shape_cast %get3A_546 : vector<1x1x16xf32> to vector<16xf32>
        %add3A_548 = arith.addf %add3A_484, %get3A_547 : vector<16xf32>
        %add3A_549 = arith.constant 2 : i32
        %add3A_550 = arith.addi %mul3A_397, %add3A_549 : i32
        %get3A_551 = arith.index_cast %rem3A_359 : i32 to index
        %get3A_552 = arith.index_cast %add3A_550 : i32 to index
        %get3A_553 = arith.constant 48 : index
        %get3A_554 = tpu.vector_load %arg7[%get3A_551, %get3A_552, %get3A_553] {strides = array<i32>} : memref<2x125x128xf32, #tpu.memory_space<vmem>>, vector<1x1x16xf32>,
        %get3A_555 = vector.shape_cast %get3A_554 : vector<1x1x16xf32> to vector<16xf32>
        %add3A_556 = arith.addf %add3A_492, %get3A_555 : vector<16xf32>
        %add3A_557 = arith.constant 2 : i32
        %add3A_558 = arith.addi %mul3A_397, %add3A_557 : i32
        %get3A_559 = arith.index_cast %rem3A_359 : i32 to index
        %get3A_560 = arith.index_cast %add3A_558 : i32 to index
        %get3A_561 = arith.constant 64 : index
        %get3A_562 = tpu.vector_load %arg7[%get3A_559, %get3A_560, %get3A_561] {strides = array<i32>} : memref<2x125x128xf32, #tpu.memory_space<vmem>>, vector<1x1x16xf32>,
        %get3A_563 = vector.shape_cast %get3A_562 : vector<1x1x16xf32> to vector<16xf32>
        %add3A_564 = arith.addf %add3A_500, %get3A_563 : vector<16xf32>
        %add3A_565 = arith.constant 2 : i32
        %add3A_566 = arith.addi %mul3A_397, %add3A_565 : i32
        %get3A_567 = arith.index_cast %rem3A_359 : i32 to index
        %get3A_568 = arith.index_cast %add3A_566 : i32 to index
        %get3A_569 = arith.constant 80 : index
        %get3A_570 = tpu.vector_load %arg7[%get3A_567, %get3A_568, %get3A_569] {strides = array<i32>} : memref<2x125x128xf32, #tpu.memory_space<vmem>>, vector<1x1x16xf32>,
        %get3A_571 = vector.shape_cast %get3A_570 : vector<1x1x16xf32> to vector<16xf32>
        %add3A_572 = arith.addf %add3A_508, %get3A_571 : vector<16xf32>
        %add3A_573 = arith.constant 2 : i32
        %add3A_574 = arith.addi %mul3A_397, %add3A_573 : i32
        %get3A_575 = arith.index_cast %rem3A_359 : i32 to index
        %get3A_576 = arith.index_cast %add3A_574 : i32 to index
        %get3A_577 = arith.constant 96 : index
        %get3A_578 = tpu.vector_load %arg7[%get3A_575, %get3A_576, %get3A_577] {strides = array<i32>} : memref<2x125x128xf32, #tpu.memory_space<vmem>>, vector<1x1x16xf32>,
        %get3A_579 = vector.shape_cast %get3A_578 : vector<1x1x16xf32> to vector<16xf32>
        %add3A_580 = arith.addf %add3A_516, %get3A_579 : vector<16xf32>
        %add3A_581 = arith.constant 2 : i32
        %add3A_582 = arith.addi %mul3A_397, %add3A_581 : i32
        %get3A_583 = arith.index_cast %rem3A_359 : i32 to index
        %get3A_584 = arith.index_cast %add3A_582 : i32 to index
        %get3A_585 = arith.constant 112 : index
        %get3A_586 = tpu.vector_load %arg7[%get3A_583, %get3A_584, %get3A_585] {strides = array<i32>} : memref<2x125x128xf32, #tpu.memory_space<vmem>>, vector<1x1x16xf32>,
        %get3A_587 = vector.shape_cast %get3A_586 : vector<1x1x16xf32> to vector<16xf32>
        %add3A_588 = arith.addf %add3A_524, %get3A_587 : vector<16xf32>
        %add3A_589 = arith.constant 3 : i32
        %add3A_590 = arith.addi %mul3A_397, %add3A_589 : i32
        %get3A_591 = arith.index_cast %rem3A_359 : i32 to index
        %get3A_592 = arith.index_cast %add3A_590 : i32 to index
        %get3A_593 = arith.constant 0 : index
        %get3A_594 = tpu.vector_load %arg7[%get3A_591, %get3A_592, %get3A_593] {strides = array<i32>} : memref<2x125x128xf32, #tpu.memory_space<vmem>>, vector<1x1x16xf32>,
        %get3A_595 = vector.shape_cast %get3A_594 : vector<1x1x16xf32> to vector<16xf32>
        %add3A_596 = arith.addf %add3A_532, %get3A_595 : vector<16xf32>
        %add3A_597 = arith.constant 3 : i32
        %add3A_598 = arith.addi %mul3A_397, %add3A_597 : i32
        %get3A_599 = arith.index_cast %rem3A_359 : i32 to index
        %get3A_600 = arith.index_cast %add3A_598 : i32 to index
        %get3A_601 = arith.constant 16 : index
        %get3A_602 = tpu.vector_load %arg7[%get3A_599, %get3A_600, %get3A_601] {strides = array<i32>} : memref<2x125x128xf32, #tpu.memory_space<vmem>>, vector<1x1x16xf32>,
        %get3A_603 = vector.shape_cast %get3A_602 : vector<1x1x16xf32> to vector<16xf32>
        %add3A_604 = arith.addf %add3A_540, %get3A_603 : vector<16xf32>
        %add3A_605 = arith.constant 3 : i32
        %add3A_606 = arith.addi %mul3A_397, %add3A_605 : i32
        %get3A_607 = arith.index_cast %rem3A_359 : i32 to index
        %get3A_608 = arith.index_cast %add3A_606 : i32 to index
        %get3A_609 = arith.constant 32 : index
        %get3A_610 = tpu.vector_load %arg7[%get3A_607, %get3A_608, %get3A_609] {strides = array<i32>} : memref<2x125x128xf32, #tpu.memory_space<vmem>>, vector<1x1x16xf32>,
        %get3A_611 = vector.shape_cast %get3A_610 : vector<1x1x16xf32> to vector<16xf32>
        %add3A_612 = arith.addf %add3A_548, %get3A_611 : vector<16xf32>
        %add3A_613 = arith.constant 3 : i32
        %add3A_614 = arith.addi %mul3A_397, %add3A_613 : i32
        %get3A_615 = arith.index_cast %rem3A_359 : i32 to index
        %get3A_616 = arith.index_cast %add3A_614 : i32 to index
        %get3A_617 = arith.constant 48 : index
        %get3A_618 = tpu.vector_load %arg7[%get3A_615, %get3A_616, %get3A_617] {strides = array<i32>} : memref<2x125x128xf32, #tpu.memory_space<vmem>>, vector<1x1x16xf32>,
        %get3A_619 = vector.shape_cast %get3A_618 : vector<1x1x16xf32> to vector<16xf32>
        %add3A_620 = arith.addf %add3A_556, %get3A_619 : vector<16xf32>
        %add3A_621 = arith.constant 3 : i32
        %add3A_622 = arith.addi %mul3A_397, %add3A_621 : i32
        %get3A_623 = arith.index_cast %rem3A_359 : i32 to index
        %get3A_624 = arith.index_cast %add3A_622 : i32 to index
        %get3A_625 = arith.constant 64 : index
        %get3A_626 = tpu.vector_load %arg7[%get3A_623, %get3A_624, %get3A_625] {strides = array<i32>} : memref<2x125x128xf32, #tpu.memory_space<vmem>>, vector<1x1x16xf32>,
        %get3A_627 = vector.shape_cast %get3A_626 : vector<1x1x16xf32> to vector<16xf32>
        %add3A_628 = arith.addf %add3A_564, %get3A_627 : vector<16xf32>
        %add3A_629 = arith.constant 3 : i32
        %add3A_630 = arith.addi %mul3A_397, %add3A_629 : i32
        %get3A_631 = arith.index_cast %rem3A_359 : i32 to index
        %get3A_632 = arith.index_cast %add3A_630 : i32 to index
        %get3A_633 = arith.constant 80 : index
        %get3A_634 = tpu.vector_load %arg7[%get3A_631, %get3A_632, %get3A_633] {strides = array<i32>} : memref<2x125x128xf32, #tpu.memory_space<vmem>>, vector<1x1x16xf32>,
        %get3A_635 = vector.shape_cast %get3A_634 : vector<1x1x16xf32> to vector<16xf32>
        %add3A_636 = arith.addf %add3A_572, %get3A_635 : vector<16xf32>
        %add3A_637 = arith.constant 3 : i32
        %add3A_638 = arith.addi %mul3A_397, %add3A_637 : i32
        %get3A_639 = arith.index_cast %rem3A_359 : i32 to index
        %get3A_640 = arith.index_cast %add3A_638 : i32 to index
        %get3A_641 = arith.constant 96 : index
        %get3A_642 = tpu.vector_load %arg7[%get3A_639, %get3A_640, %get3A_641] {strides = array<i32>} : memref<2x125x128xf32, #tpu.memory_space<vmem>>, vector<1x1x16xf32>,
        %get3A_643 = vector.shape_cast %get3A_642 : vector<1x1x16xf32> to vector<16xf32>
        %add3A_644 = arith.addf %add3A_580, %get3A_643 : vector<16xf32>
        %add3A_645 = arith.constant 3 : i32
        %add3A_646 = arith.addi %mul3A_397, %add3A_645 : i32
        %get3A_647 = arith.index_cast %rem3A_359 : i32 to index
        %get3A_648 = arith.index_cast %add3A_646 : i32 to index
        %get3A_649 = arith.constant 112 : index
        %get3A_650 = tpu.vector_load %arg7[%get3A_647, %get3A_648, %get3A_649] {strides = array<i32>} : memref<2x125x128xf32, #tpu.memory_space<vmem>>, vector<1x1x16xf32>,
        %get3A_651 = vector.shape_cast %get3A_650 : vector<1x1x16xf32> to vector<16xf32>
        %add3A_652 = arith.addf %add3A_588, %get3A_651 : vector<16xf32>
        %add3A_653 = arith.constant 4 : i32
        %add3A_654 = arith.addi %mul3A_397, %add3A_653 : i32
        %get3A_655 = arith.index_cast %rem3A_359 : i32 to index
        %get3A_656 = arith.index_cast %add3A_654 : i32 to index
        %get3A_657 = arith.constant 0 : index
        %get3A_658 = tpu.vector_load %arg7[%get3A_655, %get3A_656, %get3A_657] {strides = array<i32>} : memref<2x125x128xf32, #tpu.memory_space<vmem>>, vector<1x1x16xf32>,
        %get3A_659 = vector.shape_cast %get3A_658 : vector<1x1x16xf32> to vector<16xf32>
        %add3A_660 = arith.addf %add3A_596, %get3A_659 : vector<16xf32>
        %add3A_661 = arith.constant 4 : i32
        %add3A_662 = arith.addi %mul3A_397, %add3A_661 : i32
        %get3A_663 = arith.index_cast %rem3A_359 : i32 to index
        %get3A_664 = arith.index_cast %add3A_662 : i32 to index
        %get3A_665 = arith.constant 16 : index
        %get3A_666 = tpu.vector_load %arg7[%get3A_663, %get3A_664, %get3A_665] {strides = array<i32>} : memref<2x125x128xf32, #tpu.memory_space<vmem>>, vector<1x1x16xf32>,
        %get3A_667 = vector.shape_cast %get3A_666 : vector<1x1x16xf32> to vector<16xf32>
        %add3A_668 = arith.addf %add3A_604, %get3A_667 : vector<16xf32>
        %add3A_669 = arith.constant 4 : i32
        %add3A_670 = arith.addi %mul3A_397, %add3A_669 : i32
        %get3A_671 = arith.index_cast %rem3A_359 : i32 to index
        %get3A_672 = arith.index_cast %add3A_670 : i32 to index
        %get3A_673 = arith.constant 32 : index
        %get3A_674 = tpu.vector_load %arg7[%get3A_671, %get3A_672, %get3A_673] {strides = array<i32>} : memref<2x125x128xf32, #tpu.memory_space<vmem>>, vector<1x1x16xf32>,
        %get3A_675 = vector.shape_cast %get3A_674 : vector<1x1x16xf32> to vector<16xf32>
        %add3A_676 = arith.addf %add3A_612, %get3A_675 : vector<16xf32>
        %add3A_677 = arith.constant 4 : i32
        %add3A_678 = arith.addi %mul3A_397, %add3A_677 : i32
        %get3A_679 = arith.index_cast %rem3A_359 : i32 to index
        %get3A_680 = arith.index_cast %add3A_678 : i32 to index
        %get3A_681 = arith.constant 48 : index
        %get3A_682 = tpu.vector_load %arg7[%get3A_679, %get3A_680, %get3A_681] {strides = array<i32>} : memref<2x125x128xf32, #tpu.memory_space<vmem>>, vector<1x1x16xf32>,
        %get3A_683 = vector.shape_cast %get3A_682 : vector<1x1x16xf32> to vector<16xf32>
        %add3A_684 = arith.addf %add3A_620, %get3A_683 : vector<16xf32>
        %add3A_685 = arith.constant 4 : i32
        %add3A_686 = arith.addi %mul3A_397, %add3A_685 : i32
        %get3A_687 = arith.index_cast %rem3A_359 : i32 to index
        %get3A_688 = arith.index_cast %add3A_686 : i32 to index
        %get3A_689 = arith.constant 64 : index
        %get3A_690 = tpu.vector_load %arg7[%get3A_687, %get3A_688, %get3A_689] {strides = array<i32>} : memref<2x125x128xf32, #tpu.memory_space<vmem>>, vector<1x1x16xf32>,
        %get3A_691 = vector.shape_cast %get3A_690 : vector<1x1x16xf32> to vector<16xf32>
        %add3A_692 = arith.addf %add3A_628, %get3A_691 : vector<16xf32>
        %add3A_693 = arith.constant 4 : i32
        %add3A_694 = arith.addi %mul3A_397, %add3A_693 : i32
        %get3A_695 = arith.index_cast %rem3A_359 : i32 to index
        %get3A_696 = arith.index_cast %add3A_694 : i32 to index
        %get3A_697 = arith.constant 80 : index
        %get3A_698 = tpu.vector_load %arg7[%get3A_695, %get3A_696, %get3A_697] {strides = array<i32>} : memref<2x125x128xf32, #tpu.memory_space<vmem>>, vector<1x1x16xf32>,
        %get3A_699 = vector.shape_cast %get3A_698 : vector<1x1x16xf32> to vector<16xf32>
        %add3A_700 = arith.addf %add3A_636, %get3A_699 : vector<16xf32>
        %add3A_701 = arith.constant 4 : i32
        %add3A_702 = arith.addi %mul3A_397, %add3A_701 : i32
        %get3A_703 = arith.index_cast %rem3A_359 : i32 to index
        %get3A_704 = arith.index_cast %add3A_702 : i32 to index
        %get3A_705 = arith.constant 96 : index
        %get3A_706 = tpu.vector_load %arg7[%get3A_703, %get3A_704, %get3A_705] {strides = array<i32>} : memref<2x125x128xf32, #tpu.memory_space<vmem>>, vector<1x1x16xf32>,
        %get3A_707 = vector.shape_cast %get3A_706 : vector<1x1x16xf32> to vector<16xf32>
        %add3A_708 = arith.addf %add3A_644, %get3A_707 : vector<16xf32>
        %add3A_709 = arith.constant 4 : i32
        %add3A_710 = arith.addi %mul3A_397, %add3A_709 : i32
        %get3A_711 = arith.index_cast %rem3A_359 : i32 to index
        %get3A_712 = arith.index_cast %add3A_710 : i32 to index
        %get3A_713 = arith.constant 112 : index
        %get3A_714 = tpu.vector_load %arg7[%get3A_711, %get3A_712, %get3A_713] {strides = array<i32>} : memref<2x125x128xf32, #tpu.memory_space<vmem>>, vector<1x1x16xf32>,
        %get3A_715 = vector.shape_cast %get3A_714 : vector<1x1x16xf32> to vector<16xf32>
        %add3A_716 = arith.addf %add3A_652, %get3A_715 : vector<16xf32>
        scf.yield %add3A_660, %add3A_668, %add3A_676, %add3A_684, %add3A_692, %add3A_700, %add3A_708, %add3A_716 : vector<16xf32>, vector<16xf32>, vector<16xf32>, vector<16xf32>, vector<16xf32>, vector<16xf32>, vector<16xf32>, vector<16xf32>
      }
      %scan3A_386 = arith.constant 25 : i32
      scf.yield %scan3A_385#0, %scan3A_385#1, %scan3A_385#2, %scan3A_385#3, %scan3A_385#4, %scan3A_385#5, %scan3A_385#6, %scan3A_385#7 : vector<16xf32>, vector<16xf32>, vector<16xf32>, vector<16xf32>, vector<16xf32>, vector<16xf32>, vector<16xf32>, vector<16xf32>
    }
    %scan3A_37 = arith.constant 25 : i32
    %swap3A = arith.constant 0 : i32
    %swap3A_38 = arith.index_cast %swap3A : i32 to index
    %swap3A_39 = arith.constant 0 : index
    %swap3A_40 = tpu.vector_load %arg8[%swap3A_38, %swap3A_39] {strides = array<i32>} : memref<4x128xf32, #tpu.memory_space<vmem>>, vector<1x16xf32>,
    %swap3A_41 = vector.shape_cast %swap3A_40 : vector<1x16xf32> to vector<16xf32>
    %swap3A_42 = vector.shape_cast %scan3A_36#0 : vector<16xf32> to vector<1x16xf32>
    tpu.vector_store %arg8[%swap3A_38, %swap3A_39], %swap3A_42 {strides = array<i32>} : memref<4x128xf32, #tpu.memory_space<vmem>>, vector<1x16xf32>,
    %swap3A_43 = arith.constant 0 : i32
    %swap3A_44 = arith.index_cast %swap3A_43 : i32 to index
    %swap3A_45 = arith.constant 16 : index
    %swap3A_46 = tpu.vector_load %arg8[%swap3A_44, %swap3A_45] {strides = array<i32>} : memref<4x128xf32, #tpu.memory_space<vmem>>, vector<1x16xf32>,
    %swap3A_47 = vector.shape_cast %swap3A_46 : vector<1x16xf32> to vector<16xf32>
    %swap3A_48 = vector.shape_cast %scan3A_36#1 : vector<16xf32> to vector<1x16xf32>
    tpu.vector_store %arg8[%swap3A_44, %swap3A_45], %swap3A_48 {strides = array<i32>} : memref<4x128xf32, #tpu.memory_space<vmem>>, vector<1x16xf32>,
    %swap3A_49 = arith.constant 0 : i32
    %swap3A_50 = arith.index_cast %swap3A_49 : i32 to index
    %swap3A_51 = arith.constant 32 : index
    %swap3A_52 = tpu.vector_load %arg8[%swap3A_50, %swap3A_51] {strides = array<i32>} : memref<4x128xf32, #tpu.memory_space<vmem>>, vector<1x16xf32>,
    %swap3A_53 = vector.shape_cast %swap3A_52 : vector<1x16xf32> to vector<16xf32>
    %swap3A_54 = vector.shape_cast %scan3A_36#2 : vector<16xf32> to vector<1x16xf32>
    tpu.vector_store %arg8[%swap3A_50, %swap3A_51], %swap3A_54 {strides = array<i32>} : memref<4x128xf32, #tpu.memory_space<vmem>>, vector<1x16xf32>,
    %swap3A_55 = arith.constant 0 : i32
    %swap3A_56 = arith.index_cast %swap3A_55 : i32 to index
    %swap3A_57 = arith.constant 48 : index
    %swap3A_58 = tpu.vector_load %arg8[%swap3A_56, %swap3A_57] {strides = array<i32>} : memref<4x128xf32, #tpu.memory_space<vmem>>, vector<1x16xf32>,
    %swap3A_59 = vector.shape_cast %swap3A_58 : vector<1x16xf32> to vector<16xf32>
    %swap3A_60 = vector.shape_cast %scan3A_36#3 : vector<16xf32> to vector<1x16xf32>
    tpu.vector_store %arg8[%swap3A_56, %swap3A_57], %swap3A_60 {strides = array<i32>} : memref<4x128xf32, #tpu.memory_space<vmem>>, vector<1x16xf32>,
    %swap3A_61 = arith.constant 0 : i32
    %swap3A_62 = arith.index_cast %swap3A_61 : i32 to index
    %swap3A_63 = arith.constant 64 : index
    %swap3A_64 = tpu.vector_load %arg8[%swap3A_62, %swap3A_63] {strides = array<i32>} : memref<4x128xf32, #tpu.memory_space<vmem>>, vector<1x16xf32>,
    %swap3A_65 = vector.shape_cast %swap3A_64 : vector<1x16xf32> to vector<16xf32>
    %swap3A_66 = vector.shape_cast %scan3A_36#4 : vector<16xf32> to vector<1x16xf32>
    tpu.vector_store %arg8[%swap3A_62, %swap3A_63], %swap3A_66 {strides = array<i32>} : memref<4x128xf32, #tpu.memory_space<vmem>>, vector<1x16xf32>,
    %swap3A_67 = arith.constant 0 : i32
    %swap3A_68 = arith.index_cast %swap3A_67 : i32 to index
    %swap3A_69 = arith.constant 80 : index
    %swap3A_70 = tpu.vector_load %arg8[%swap3A_68, %swap3A_69] {strides = array<i32>} : memref<4x128xf32, #tpu.memory_space<vmem>>, vector<1x16xf32>,
    %swap3A_71 = vector.shape_cast %swap3A_70 : vector<1x16xf32> to vector<16xf32>
    %swap3A_72 = vector.shape_cast %scan3A_36#5 : vector<16xf32> to vector<1x16xf32>
    tpu.vector_store %arg8[%swap3A_68, %swap3A_69], %swap3A_72 {strides = array<i32>} : memref<4x128xf32, #tpu.memory_space<vmem>>, vector<1x16xf32>,
    %swap3A_73 = arith.constant 0 : i32
    %swap3A_74 = arith.index_cast %swap3A_73 : i32 to index
    %swap3A_75 = arith.constant 96 : index
    %swap3A_76 = tpu.vector_load %arg8[%swap3A_74, %swap3A_75] {strides = array<i32>} : memref<4x128xf32, #tpu.memory_space<vmem>>, vector<1x16xf32>,
    %swap3A_77 = vector.shape_cast %swap3A_76 : vector<1x16xf32> to vector<16xf32>
    %swap3A_78 = vector.shape_cast %scan3A_36#6 : vector<16xf32> to vector<1x16xf32>
    tpu.vector_store %arg8[%swap3A_74, %swap3A_75], %swap3A_78 {strides = array<i32>} : memref<4x128xf32, #tpu.memory_space<vmem>>, vector<1x16xf32>,
    %swap3A_79 = arith.constant 0 : i32
    %swap3A_80 = arith.index_cast %swap3A_79 : i32 to index
    %swap3A_81 = arith.constant 112 : index
    %swap3A_82 = tpu.vector_load %arg8[%swap3A_80, %swap3A_81] {strides = array<i32>} : memref<4x128xf32, #tpu.memory_space<vmem>>, vector<1x16xf32>,
    %swap3A_83 = vector.shape_cast %swap3A_82 : vector<1x16xf32> to vector<16xf32>
    %swap3A_84 = vector.shape_cast %scan3A_36#7 : vector<16xf32> to vector<1x16xf32>
    tpu.vector_store %arg8[%swap3A_80, %swap3A_81], %swap3A_84 {strides = array<i32>} : memref<4x128xf32, #tpu.memory_space<vmem>>, vector<1x16xf32>,
    %dma_start3A_85 = arith.constant 0 : i32
    %dma_start3A_86 = arith.constant 0 : i32
    %dma_start3A_87 = arith.constant 0 : i32
    %dma_start3A_88 = arith.constant 0 : i32
    %dma_start3A_89 = tpu.memref_slice %arg7[%dma_start3A_85, %dma_start3A_87, %dma_start3A_88] : memref<2x125x128xf32, #tpu.memory_space<vmem>> -> memref<1x125x128xf32, #tpu.memory_space<vmem>>
    %dma_start3A_90 = tpu.memref_squeeze %dma_start3A_89 : memref<1x125x128xf32, #tpu.memory_space<vmem>> -> memref<125x128xf32, #tpu.memory_space<vmem>>
    %dma_start3A_91 = arith.constant 0 : i32
    %dma_start3A_92 = tpu.memref_slice %arg3[%mul3A_2, %dma_start3A_91] : memref<100000x128xf32, #tpu.memory_space<hbm>> -> memref<125x128xf32, #tpu.memory_space<hbm>>
    %dma_start3A_93 = tpu.memref_slice %arg9[%dma_start3A_86] : memref<2x!tpu.dma_semaphore, #tpu.memory_space<semaphore_mem>> -> memref<1x!tpu.dma_semaphore, #tpu.memory_space<semaphore_mem>>
    %dma_start3A_94 = tpu.memref_squeeze %dma_start3A_93 : memref<1x!tpu.dma_semaphore, #tpu.memory_space<semaphore_mem>> -> memref<!tpu.dma_semaphore, #tpu.memory_space<semaphore_mem>>
    %dma_start3A_95 = arith.constant 0 : i32
    %dma_start3A_96 = arith.constant 0 : i32
    %dma_start3A_97 = tpu.memref_slice %arg7[%dma_start3A_85, %dma_start3A_95, %dma_start3A_96] : memref<2x125x128xf32, #tpu.memory_space<vmem>> -> memref<1x125x128xf32, #tpu.memory_space<vmem>>
    %dma_start3A_98 = tpu.memref_squeeze %dma_start3A_97 : memref<1x125x128xf32, #tpu.memory_space<vmem>> -> memref<125x128xf32, #tpu.memory_space<vmem>>
    %dma_start3A_99 = arith.constant 0 : i32
    %dma_start3A_100 = tpu.memref_slice %arg3[%mul3A_2, %dma_start3A_99] : memref<100000x128xf32, #tpu.memory_space<hbm>> -> memref<125x128xf32, #tpu.memory_space<hbm>>
    tpu.enqueue_dma source(%dma_start3A_100 : memref<125x128xf32, #tpu.memory_space<hbm>>) target(%dma_start3A_98 : memref<125x128xf32, #tpu.memory_space<vmem>>) target_semaphore(%dma_start3A_94 : memref<!tpu.dma_semaphore, #tpu.memory_space<semaphore_mem>>)
    %broadcast_in_dim3A_101 = arith.constant 0.000000e+00 : f32
    %broadcast_in_dim3A_102 = vector.broadcast %broadcast_in_dim3A_101 : f32 to vector<16xf32>
    %broadcast_in_dim3A_103 = arith.constant 0.000000e+00 : f32
    %broadcast_in_dim3A_104 = vector.broadcast %broadcast_in_dim3A_103 : f32 to vector<16xf32>
    %broadcast_in_dim3A_105 = arith.constant 0.000000e+00 : f32
    %broadcast_in_dim3A_106 = vector.broadcast %broadcast_in_dim3A_105 : f32 to vector<16xf32>
    %broadcast_in_dim3A_107 = arith.constant 0.000000e+00 : f32
    %broadcast_in_dim3A_108 = vector.broadcast %broadcast_in_dim3A_107 : f32 to vector<16xf32>
    %broadcast_in_dim3A_109 = arith.constant 0.000000e+00 : f32
    %broadcast_in_dim3A_110 = vector.broadcast %broadcast_in_dim3A_109 : f32 to vector<16xf32>
    %broadcast_in_dim3A_111 = arith.constant 0.000000e+00 : f32
    %broadcast_in_dim3A_112 = vector.broadcast %broadcast_in_dim3A_111 : f32 to vector<16xf32>
    %broadcast_in_dim3A_113 = arith.constant 0.000000e+00 : f32
    %broadcast_in_dim3A_114 = vector.broadcast %broadcast_in_dim3A_113 : f32 to vector<16xf32>
    %broadcast_in_dim3A_115 = arith.constant 0.000000e+00 : f32
    %broadcast_in_dim3A_116 = vector.broadcast %broadcast_in_dim3A_115 : f32 to vector<16xf32>
    %scan3A_117 = arith.constant 0 : i32
    %scan3A_118 = arith.constant 25 : i32
    %scan3A_119 = arith.addi %scan3A_117, %scan3A_118 : i32
    %scan3A_120 = arith.constant 1 : i32
    %scan3A_121:8 = scf.for %scan3A_350 = %scan3A_117 to %scan3A_119 step %scan3A_120 iter_args(%scan3A_351 = %broadcast_in_dim3A_102, %scan3A_352 = %broadcast_in_dim3A_104, %scan3A_353 = %broadcast_in_dim3A_106, %scan3A_354 = %broadcast_in_dim3A_108, %scan3A_355 = %broadcast_in_dim3A_110, %scan3A_356 = %broadcast_in_dim3A_112, %scan3A_357 = %broadcast_in_dim3A_114, %scan3A_358 = %broadcast_in_dim3A_116) -> (vector<16xf32>, vector<16xf32>, vector<16xf32>, vector<16xf32>, vector<16xf32>, vector<16xf32>, vector<16xf32>, vector<16xf32>)  : i32 {
      %rem3A = arith.constant 2 : i32
      %rem3A_359 = arith.remsi %scan3A_350, %rem3A : i32
      %sub3A = arith.constant 1 : i32
      %sub3A_360 = arith.subi %sub3A, %rem3A_359 : i32
      %mul3A_361 = arith.constant 125 : i32
      %mul3A_362 = arith.muli %scan3A_350, %mul3A_361 : i32
      %add3A_363 = arith.addi %mul3A_2, %mul3A_362 : i32
      %dma_wait3A = arith.constant 0 : i32
      %dma_wait3A_364 = arith.constant 0 : i32
      %dma_wait3A_365 = tpu.memref_slice %arg7[%rem3A_359, %dma_wait3A, %dma_wait3A_364] : memref<2x125x128xf32, #tpu.memory_space<vmem>> -> memref<1x125x128xf32, #tpu.memory_space<vmem>>
      %dma_wait3A_366 = tpu.memref_squeeze %dma_wait3A_365 : memref<1x125x128xf32, #tpu.memory_space<vmem>> -> memref<125x128xf32, #tpu.memory_space<vmem>>
      %dma_wait3A_367 = arith.constant 0 : i32
      %dma_wait3A_368 = tpu.memref_slice %arg3[%add3A_363, %dma_wait3A_367] : memref<100000x128xf32, #tpu.memory_space<hbm>> -> memref<125x128xf32, #tpu.memory_space<hbm>>
      %dma_wait3A_369 = tpu.memref_slice %arg9[%rem3A_359] : memref<2x!tpu.dma_semaphore, #tpu.memory_space<semaphore_mem>> -> memref<1x!tpu.dma_semaphore, #tpu.memory_space<semaphore_mem>>
      %dma_wait3A_370 = tpu.memref_squeeze %dma_wait3A_369 : memref<1x!tpu.dma_semaphore, #tpu.memory_space<semaphore_mem>> -> memref<!tpu.dma_semaphore, #tpu.memory_space<semaphore_mem>>
      %dma_wait3A_371 = arith.constant 0 : i32
      %dma_wait3A_372 = arith.constant 0 : i32
      %dma_wait3A_373 = tpu.memref_slice %arg7[%rem3A_359, %dma_wait3A_371, %dma_wait3A_372] : memref<2x125x128xf32, #tpu.memory_space<vmem>> -> memref<1x125x128xf32, #tpu.memory_space<vmem>>
      %dma_wait3A_374 = tpu.memref_squeeze %dma_wait3A_373 : memref<1x125x128xf32, #tpu.memory_space<vmem>> -> memref<125x128xf32, #tpu.memory_space<vmem>>
      %dma_wait3A_375 = arith.constant 0 : i32
      %dma_wait3A_376 = tpu.memref_slice %arg3[%add3A_363, %dma_wait3A_375] : memref<100000x128xf32, #tpu.memory_space<hbm>> -> memref<125x128xf32, #tpu.memory_space<hbm>>
      tpu.wait_dma2 semaphore(%dma_wait3A_370 : memref<!tpu.dma_semaphore, #tpu.memory_space<semaphore_mem>>) src(%dma_wait3A_376 : memref<125x128xf32, #tpu.memory_space<hbm>>) dst(%dma_wait3A_374 : memref<125x128xf32, #tpu.memory_space<vmem>>)
      %add3A_377 = arith.constant 1 : i32
      %add3A_378 = arith.addi %scan3A_350, %add3A_377 : i32
      %lt3A = arith.constant 25 : i32
      %lt3A_379 = arith.cmpi slt, %add3A_378, %lt3A : i32
      %convert_element_type3A = arith.extui %lt3A_379 : i1 to i32
      %cond3A = arith.constant 0 : i32
      %cond3A_380 = arith.cmpi ne, %convert_element_type3A, %cond3A : i32
      scf.if %cond3A_380 {
        %add3A_387 = arith.constant 1 : i32
        %add3A_388 = arith.addi %scan3A_350, %add3A_387 : i32
        %mul3A_389 = arith.constant 125 : i32
        %mul3A_390 = arith.muli %add3A_388, %mul3A_389 : i32
        %add3A_391 = arith.addi %mul3A_2, %mul3A_390 : i32
        %dma_start3A_392 = arith.constant 0 : i32
        %dma_start3A_393 = arith.constant 0 : i32
        %dma_start3A_394 = tpu.memref_slice %arg7[%sub3A_360, %dma_start3A_392, %dma_start3A_393] : memref<2x125x128xf32, #tpu.memory_space<vmem>> -> memref<1x125x128xf32, #tpu.memory_space<vmem>>
        %dma_start3A_395 = tpu.memref_squeeze %dma_start3A_394 : memref<1x125x128xf32, #tpu.memory_space<vmem>> -> memref<125x128xf32, #tpu.memory_space<vmem>>
        %dma_start3A_396 = arith.constant 0 : i32
        %dma_start3A_397 = tpu.memref_slice %arg3[%add3A_391, %dma_start3A_396] : memref<100000x128xf32, #tpu.memory_space<hbm>> -> memref<125x128xf32, #tpu.memory_space<hbm>>
        %dma_start3A_398 = tpu.memref_slice %arg9[%sub3A_360] : memref<2x!tpu.dma_semaphore, #tpu.memory_space<semaphore_mem>> -> memref<1x!tpu.dma_semaphore, #tpu.memory_space<semaphore_mem>>
        %dma_start3A_399 = tpu.memref_squeeze %dma_start3A_398 : memref<1x!tpu.dma_semaphore, #tpu.memory_space<semaphore_mem>> -> memref<!tpu.dma_semaphore, #tpu.memory_space<semaphore_mem>>
        %dma_start3A_400 = arith.constant 0 : i32
        %dma_start3A_401 = arith.constant 0 : i32
        %dma_start3A_402 = tpu.memref_slice %arg7[%sub3A_360, %dma_start3A_400, %dma_start3A_401] : memref<2x125x128xf32, #tpu.memory_space<vmem>> -> memref<1x125x128xf32, #tpu.memory_space<vmem>>
        %dma_start3A_403 = tpu.memref_squeeze %dma_start3A_402 : memref<1x125x128xf32, #tpu.memory_space<vmem>> -> memref<125x128xf32, #tpu.memory_space<vmem>>
        %dma_start3A_404 = arith.constant 0 : i32
        %dma_start3A_405 = tpu.memref_slice %arg3[%add3A_391, %dma_start3A_404] : memref<100000x128xf32, #tpu.memory_space<hbm>> -> memref<125x128xf32, #tpu.memory_space<hbm>>
        tpu.enqueue_dma source(%dma_start3A_405 : memref<125x128xf32, #tpu.memory_space<hbm>>) target(%dma_start3A_403 : memref<125x128xf32, #tpu.memory_space<vmem>>) target_semaphore(%dma_start3A_399 : memref<!tpu.dma_semaphore, #tpu.memory_space<semaphore_mem>>)
      } else {
      }
      %scan3A_381 = arith.constant 0 : i32
      %scan3A_382 = arith.constant 25 : i32
      %scan3A_383 = arith.addi %scan3A_381, %scan3A_382 : i32
      %scan3A_384 = arith.constant 1 : i32
      %scan3A_385:8 = scf.for %scan3A_387 = %scan3A_381 to %scan3A_383 step %scan3A_384 iter_args(%scan3A_388 = %scan3A_351, %scan3A_389 = %scan3A_352, %scan3A_390 = %scan3A_353, %scan3A_391 = %scan3A_354, %scan3A_392 = %scan3A_355, %scan3A_393 = %scan3A_356, %scan3A_394 = %scan3A_357, %scan3A_395 = %scan3A_358) -> (vector<16xf32>, vector<16xf32>, vector<16xf32>, vector<16xf32>, vector<16xf32>, vector<16xf32>, vector<16xf32>, vector<16xf32>)  : i32 {
        %mul3A_396 = arith.constant 5 : i32
        %mul3A_397 = arith.muli %scan3A_387, %mul3A_396 : i32
        %add3A_398 = arith.constant 0 : i32
        %add3A_399 = arith.addi %mul3A_397, %add3A_398 : i32
        %get3A = arith.index_cast %rem3A_359 : i32 to index
        %get3A_400 = arith.index_cast %add3A_399 : i32 to index
        %get3A_401 = arith.constant 0 : index
        %get3A_402 = tpu.vector_load %arg7[%get3A, %get3A_400, %get3A_401] {strides = array<i32>} : memref<2x125x128xf32, #tpu.memory_space<vmem>>, vector<1x1x16xf32>,
        %get3A_403 = vector.shape_cast %get3A_402 : vector<1x1x16xf32> to vector<16xf32>
        %add3A_404 = arith.addf %scan3A_388, %get3A_403 : vector<16xf32>
        %add3A_405 = arith.constant 0 : i32
        %add3A_406 = arith.addi %mul3A_397, %add3A_405 : i32
        %get3A_407 = arith.index_cast %rem3A_359 : i32 to index
        %get3A_408 = arith.index_cast %add3A_406 : i32 to index
        %get3A_409 = arith.constant 16 : index
        %get3A_410 = tpu.vector_load %arg7[%get3A_407, %get3A_408, %get3A_409] {strides = array<i32>} : memref<2x125x128xf32, #tpu.memory_space<vmem>>, vector<1x1x16xf32>,
        %get3A_411 = vector.shape_cast %get3A_410 : vector<1x1x16xf32> to vector<16xf32>
        %add3A_412 = arith.addf %scan3A_389, %get3A_411 : vector<16xf32>
        %add3A_413 = arith.constant 0 : i32
        %add3A_414 = arith.addi %mul3A_397, %add3A_413 : i32
        %get3A_415 = arith.index_cast %rem3A_359 : i32 to index
        %get3A_416 = arith.index_cast %add3A_414 : i32 to index
        %get3A_417 = arith.constant 32 : index
        %get3A_418 = tpu.vector_load %arg7[%get3A_415, %get3A_416, %get3A_417] {strides = array<i32>} : memref<2x125x128xf32, #tpu.memory_space<vmem>>, vector<1x1x16xf32>,
        %get3A_419 = vector.shape_cast %get3A_418 : vector<1x1x16xf32> to vector<16xf32>
        %add3A_420 = arith.addf %scan3A_390, %get3A_419 : vector<16xf32>
        %add3A_421 = arith.constant 0 : i32
        %add3A_422 = arith.addi %mul3A_397, %add3A_421 : i32
        %get3A_423 = arith.index_cast %rem3A_359 : i32 to index
        %get3A_424 = arith.index_cast %add3A_422 : i32 to index
        %get3A_425 = arith.constant 48 : index
        %get3A_426 = tpu.vector_load %arg7[%get3A_423, %get3A_424, %get3A_425] {strides = array<i32>} : memref<2x125x128xf32, #tpu.memory_space<vmem>>, vector<1x1x16xf32>,
        %get3A_427 = vector.shape_cast %get3A_426 : vector<1x1x16xf32> to vector<16xf32>
        %add3A_428 = arith.addf %scan3A_391, %get3A_427 : vector<16xf32>
        %add3A_429 = arith.constant 0 : i32
        %add3A_430 = arith.addi %mul3A_397, %add3A_429 : i32
        %get3A_431 = arith.index_cast %rem3A_359 : i32 to index
        %get3A_432 = arith.index_cast %add3A_430 : i32 to index
        %get3A_433 = arith.constant 64 : index
        %get3A_434 = tpu.vector_load %arg7[%get3A_431, %get3A_432, %get3A_433] {strides = array<i32>} : memref<2x125x128xf32, #tpu.memory_space<vmem>>, vector<1x1x16xf32>,
        %get3A_435 = vector.shape_cast %get3A_434 : vector<1x1x16xf32> to vector<16xf32>
        %add3A_436 = arith.addf %scan3A_392, %get3A_435 : vector<16xf32>
        %add3A_437 = arith.constant 0 : i32
        %add3A_438 = arith.addi %mul3A_397, %add3A_437 : i32
        %get3A_439 = arith.index_cast %rem3A_359 : i32 to index
        %get3A_440 = arith.index_cast %add3A_438 : i32 to index
        %get3A_441 = arith.constant 80 : index
        %get3A_442 = tpu.vector_load %arg7[%get3A_439, %get3A_440, %get3A_441] {strides = array<i32>} : memref<2x125x128xf32, #tpu.memory_space<vmem>>, vector<1x1x16xf32>,
        %get3A_443 = vector.shape_cast %get3A_442 : vector<1x1x16xf32> to vector<16xf32>
        %add3A_444 = arith.addf %scan3A_393, %get3A_443 : vector<16xf32>
        %add3A_445 = arith.constant 0 : i32
        %add3A_446 = arith.addi %mul3A_397, %add3A_445 : i32
        %get3A_447 = arith.index_cast %rem3A_359 : i32 to index
        %get3A_448 = arith.index_cast %add3A_446 : i32 to index
        %get3A_449 = arith.constant 96 : index
        %get3A_450 = tpu.vector_load %arg7[%get3A_447, %get3A_448, %get3A_449] {strides = array<i32>} : memref<2x125x128xf32, #tpu.memory_space<vmem>>, vector<1x1x16xf32>,
        %get3A_451 = vector.shape_cast %get3A_450 : vector<1x1x16xf32> to vector<16xf32>
        %add3A_452 = arith.addf %scan3A_394, %get3A_451 : vector<16xf32>
        %add3A_453 = arith.constant 0 : i32
        %add3A_454 = arith.addi %mul3A_397, %add3A_453 : i32
        %get3A_455 = arith.index_cast %rem3A_359 : i32 to index
        %get3A_456 = arith.index_cast %add3A_454 : i32 to index
        %get3A_457 = arith.constant 112 : index
        %get3A_458 = tpu.vector_load %arg7[%get3A_455, %get3A_456, %get3A_457] {strides = array<i32>} : memref<2x125x128xf32, #tpu.memory_space<vmem>>, vector<1x1x16xf32>,
        %get3A_459 = vector.shape_cast %get3A_458 : vector<1x1x16xf32> to vector<16xf32>
        %add3A_460 = arith.addf %scan3A_395, %get3A_459 : vector<16xf32>
        %add3A_461 = arith.constant 1 : i32
        %add3A_462 = arith.addi %mul3A_397, %add3A_461 : i32
        %get3A_463 = arith.index_cast %rem3A_359 : i32 to index
        %get3A_464 = arith.index_cast %add3A_462 : i32 to index
        %get3A_465 = arith.constant 0 : index
        %get3A_466 = tpu.vector_load %arg7[%get3A_463, %get3A_464, %get3A_465] {strides = array<i32>} : memref<2x125x128xf32, #tpu.memory_space<vmem>>, vector<1x1x16xf32>,
        %get3A_467 = vector.shape_cast %get3A_466 : vector<1x1x16xf32> to vector<16xf32>
        %add3A_468 = arith.addf %add3A_404, %get3A_467 : vector<16xf32>
        %add3A_469 = arith.constant 1 : i32
        %add3A_470 = arith.addi %mul3A_397, %add3A_469 : i32
        %get3A_471 = arith.index_cast %rem3A_359 : i32 to index
        %get3A_472 = arith.index_cast %add3A_470 : i32 to index
        %get3A_473 = arith.constant 16 : index
        %get3A_474 = tpu.vector_load %arg7[%get3A_471, %get3A_472, %get3A_473] {strides = array<i32>} : memref<2x125x128xf32, #tpu.memory_space<vmem>>, vector<1x1x16xf32>,
        %get3A_475 = vector.shape_cast %get3A_474 : vector<1x1x16xf32> to vector<16xf32>
        %add3A_476 = arith.addf %add3A_412, %get3A_475 : vector<16xf32>
        %add3A_477 = arith.constant 1 : i32
        %add3A_478 = arith.addi %mul3A_397, %add3A_477 : i32
        %get3A_479 = arith.index_cast %rem3A_359 : i32 to index
        %get3A_480 = arith.index_cast %add3A_478 : i32 to index
        %get3A_481 = arith.constant 32 : index
        %get3A_482 = tpu.vector_load %arg7[%get3A_479, %get3A_480, %get3A_481] {strides = array<i32>} : memref<2x125x128xf32, #tpu.memory_space<vmem>>, vector<1x1x16xf32>,
        %get3A_483 = vector.shape_cast %get3A_482 : vector<1x1x16xf32> to vector<16xf32>
        %add3A_484 = arith.addf %add3A_420, %get3A_483 : vector<16xf32>
        %add3A_485 = arith.constant 1 : i32
        %add3A_486 = arith.addi %mul3A_397, %add3A_485 : i32
        %get3A_487 = arith.index_cast %rem3A_359 : i32 to index
        %get3A_488 = arith.index_cast %add3A_486 : i32 to index
        %get3A_489 = arith.constant 48 : index
        %get3A_490 = tpu.vector_load %arg7[%get3A_487, %get3A_488, %get3A_489] {strides = array<i32>} : memref<2x125x128xf32, #tpu.memory_space<vmem>>, vector<1x1x16xf32>,
        %get3A_491 = vector.shape_cast %get3A_490 : vector<1x1x16xf32> to vector<16xf32>
        %add3A_492 = arith.addf %add3A_428, %get3A_491 : vector<16xf32>
        %add3A_493 = arith.constant 1 : i32
        %add3A_494 = arith.addi %mul3A_397, %add3A_493 : i32
        %get3A_495 = arith.index_cast %rem3A_359 : i32 to index
        %get3A_496 = arith.index_cast %add3A_494 : i32 to index
        %get3A_497 = arith.constant 64 : index
        %get3A_498 = tpu.vector_load %arg7[%get3A_495, %get3A_496, %get3A_497] {strides = array<i32>} : memref<2x125x128xf32, #tpu.memory_space<vmem>>, vector<1x1x16xf32>,
        %get3A_499 = vector.shape_cast %get3A_498 : vector<1x1x16xf32> to vector<16xf32>
        %add3A_500 = arith.addf %add3A_436, %get3A_499 : vector<16xf32>
        %add3A_501 = arith.constant 1 : i32
        %add3A_502 = arith.addi %mul3A_397, %add3A_501 : i32
        %get3A_503 = arith.index_cast %rem3A_359 : i32 to index
        %get3A_504 = arith.index_cast %add3A_502 : i32 to index
        %get3A_505 = arith.constant 80 : index
        %get3A_506 = tpu.vector_load %arg7[%get3A_503, %get3A_504, %get3A_505] {strides = array<i32>} : memref<2x125x128xf32, #tpu.memory_space<vmem>>, vector<1x1x16xf32>,
        %get3A_507 = vector.shape_cast %get3A_506 : vector<1x1x16xf32> to vector<16xf32>
        %add3A_508 = arith.addf %add3A_444, %get3A_507 : vector<16xf32>
        %add3A_509 = arith.constant 1 : i32
        %add3A_510 = arith.addi %mul3A_397, %add3A_509 : i32
        %get3A_511 = arith.index_cast %rem3A_359 : i32 to index
        %get3A_512 = arith.index_cast %add3A_510 : i32 to index
        %get3A_513 = arith.constant 96 : index
        %get3A_514 = tpu.vector_load %arg7[%get3A_511, %get3A_512, %get3A_513] {strides = array<i32>} : memref<2x125x128xf32, #tpu.memory_space<vmem>>, vector<1x1x16xf32>,
        %get3A_515 = vector.shape_cast %get3A_514 : vector<1x1x16xf32> to vector<16xf32>
        %add3A_516 = arith.addf %add3A_452, %get3A_515 : vector<16xf32>
        %add3A_517 = arith.constant 1 : i32
        %add3A_518 = arith.addi %mul3A_397, %add3A_517 : i32
        %get3A_519 = arith.index_cast %rem3A_359 : i32 to index
        %get3A_520 = arith.index_cast %add3A_518 : i32 to index
        %get3A_521 = arith.constant 112 : index
        %get3A_522 = tpu.vector_load %arg7[%get3A_519, %get3A_520, %get3A_521] {strides = array<i32>} : memref<2x125x128xf32, #tpu.memory_space<vmem>>, vector<1x1x16xf32>,
        %get3A_523 = vector.shape_cast %get3A_522 : vector<1x1x16xf32> to vector<16xf32>
        %add3A_524 = arith.addf %add3A_460, %get3A_523 : vector<16xf32>
        %add3A_525 = arith.constant 2 : i32
        %add3A_526 = arith.addi %mul3A_397, %add3A_525 : i32
        %get3A_527 = arith.index_cast %rem3A_359 : i32 to index
        %get3A_528 = arith.index_cast %add3A_526 : i32 to index
        %get3A_529 = arith.constant 0 : index
        %get3A_530 = tpu.vector_load %arg7[%get3A_527, %get3A_528, %get3A_529] {strides = array<i32>} : memref<2x125x128xf32, #tpu.memory_space<vmem>>, vector<1x1x16xf32>,
        %get3A_531 = vector.shape_cast %get3A_530 : vector<1x1x16xf32> to vector<16xf32>
        %add3A_532 = arith.addf %add3A_468, %get3A_531 : vector<16xf32>
        %add3A_533 = arith.constant 2 : i32
        %add3A_534 = arith.addi %mul3A_397, %add3A_533 : i32
        %get3A_535 = arith.index_cast %rem3A_359 : i32 to index
        %get3A_536 = arith.index_cast %add3A_534 : i32 to index
        %get3A_537 = arith.constant 16 : index
        %get3A_538 = tpu.vector_load %arg7[%get3A_535, %get3A_536, %get3A_537] {strides = array<i32>} : memref<2x125x128xf32, #tpu.memory_space<vmem>>, vector<1x1x16xf32>,
        %get3A_539 = vector.shape_cast %get3A_538 : vector<1x1x16xf32> to vector<16xf32>
        %add3A_540 = arith.addf %add3A_476, %get3A_539 : vector<16xf32>
        %add3A_541 = arith.constant 2 : i32
        %add3A_542 = arith.addi %mul3A_397, %add3A_541 : i32
        %get3A_543 = arith.index_cast %rem3A_359 : i32 to index
        %get3A_544 = arith.index_cast %add3A_542 : i32 to index
        %get3A_545 = arith.constant 32 : index
        %get3A_546 = tpu.vector_load %arg7[%get3A_543, %get3A_544, %get3A_545] {strides = array<i32>} : memref<2x125x128xf32, #tpu.memory_space<vmem>>, vector<1x1x16xf32>,
        %get3A_547 = vector.shape_cast %get3A_546 : vector<1x1x16xf32> to vector<16xf32>
        %add3A_548 = arith.addf %add3A_484, %get3A_547 : vector<16xf32>
        %add3A_549 = arith.constant 2 : i32
        %add3A_550 = arith.addi %mul3A_397, %add3A_549 : i32
        %get3A_551 = arith.index_cast %rem3A_359 : i32 to index
        %get3A_552 = arith.index_cast %add3A_550 : i32 to index
        %get3A_553 = arith.constant 48 : index
        %get3A_554 = tpu.vector_load %arg7[%get3A_551, %get3A_552, %get3A_553] {strides = array<i32>} : memref<2x125x128xf32, #tpu.memory_space<vmem>>, vector<1x1x16xf32>,
        %get3A_555 = vector.shape_cast %get3A_554 : vector<1x1x16xf32> to vector<16xf32>
        %add3A_556 = arith.addf %add3A_492, %get3A_555 : vector<16xf32>
        %add3A_557 = arith.constant 2 : i32
        %add3A_558 = arith.addi %mul3A_397, %add3A_557 : i32
        %get3A_559 = arith.index_cast %rem3A_359 : i32 to index
        %get3A_560 = arith.index_cast %add3A_558 : i32 to index
        %get3A_561 = arith.constant 64 : index
        %get3A_562 = tpu.vector_load %arg7[%get3A_559, %get3A_560, %get3A_561] {strides = array<i32>} : memref<2x125x128xf32, #tpu.memory_space<vmem>>, vector<1x1x16xf32>,
        %get3A_563 = vector.shape_cast %get3A_562 : vector<1x1x16xf32> to vector<16xf32>
        %add3A_564 = arith.addf %add3A_500, %get3A_563 : vector<16xf32>
        %add3A_565 = arith.constant 2 : i32
        %add3A_566 = arith.addi %mul3A_397, %add3A_565 : i32
        %get3A_567 = arith.index_cast %rem3A_359 : i32 to index
        %get3A_568 = arith.index_cast %add3A_566 : i32 to index
        %get3A_569 = arith.constant 80 : index
        %get3A_570 = tpu.vector_load %arg7[%get3A_567, %get3A_568, %get3A_569] {strides = array<i32>} : memref<2x125x128xf32, #tpu.memory_space<vmem>>, vector<1x1x16xf32>,
        %get3A_571 = vector.shape_cast %get3A_570 : vector<1x1x16xf32> to vector<16xf32>
        %add3A_572 = arith.addf %add3A_508, %get3A_571 : vector<16xf32>
        %add3A_573 = arith.constant 2 : i32
        %add3A_574 = arith.addi %mul3A_397, %add3A_573 : i32
        %get3A_575 = arith.index_cast %rem3A_359 : i32 to index
        %get3A_576 = arith.index_cast %add3A_574 : i32 to index
        %get3A_577 = arith.constant 96 : index
        %get3A_578 = tpu.vector_load %arg7[%get3A_575, %get3A_576, %get3A_577] {strides = array<i32>} : memref<2x125x128xf32, #tpu.memory_space<vmem>>, vector<1x1x16xf32>,
        %get3A_579 = vector.shape_cast %get3A_578 : vector<1x1x16xf32> to vector<16xf32>
        %add3A_580 = arith.addf %add3A_516, %get3A_579 : vector<16xf32>
        %add3A_581 = arith.constant 2 : i32
        %add3A_582 = arith.addi %mul3A_397, %add3A_581 : i32
        %get3A_583 = arith.index_cast %rem3A_359 : i32 to index
        %get3A_584 = arith.index_cast %add3A_582 : i32 to index
        %get3A_585 = arith.constant 112 : index
        %get3A_586 = tpu.vector_load %arg7[%get3A_583, %get3A_584, %get3A_585] {strides = array<i32>} : memref<2x125x128xf32, #tpu.memory_space<vmem>>, vector<1x1x16xf32>,
        %get3A_587 = vector.shape_cast %get3A_586 : vector<1x1x16xf32> to vector<16xf32>
        %add3A_588 = arith.addf %add3A_524, %get3A_587 : vector<16xf32>
        %add3A_589 = arith.constant 3 : i32
        %add3A_590 = arith.addi %mul3A_397, %add3A_589 : i32
        %get3A_591 = arith.index_cast %rem3A_359 : i32 to index
        %get3A_592 = arith.index_cast %add3A_590 : i32 to index
        %get3A_593 = arith.constant 0 : index
        %get3A_594 = tpu.vector_load %arg7[%get3A_591, %get3A_592, %get3A_593] {strides = array<i32>} : memref<2x125x128xf32, #tpu.memory_space<vmem>>, vector<1x1x16xf32>,
        %get3A_595 = vector.shape_cast %get3A_594 : vector<1x1x16xf32> to vector<16xf32>
        %add3A_596 = arith.addf %add3A_532, %get3A_595 : vector<16xf32>
        %add3A_597 = arith.constant 3 : i32
        %add3A_598 = arith.addi %mul3A_397, %add3A_597 : i32
        %get3A_599 = arith.index_cast %rem3A_359 : i32 to index
        %get3A_600 = arith.index_cast %add3A_598 : i32 to index
        %get3A_601 = arith.constant 16 : index
        %get3A_602 = tpu.vector_load %arg7[%get3A_599, %get3A_600, %get3A_601] {strides = array<i32>} : memref<2x125x128xf32, #tpu.memory_space<vmem>>, vector<1x1x16xf32>,
        %get3A_603 = vector.shape_cast %get3A_602 : vector<1x1x16xf32> to vector<16xf32>
        %add3A_604 = arith.addf %add3A_540, %get3A_603 : vector<16xf32>
        %add3A_605 = arith.constant 3 : i32
        %add3A_606 = arith.addi %mul3A_397, %add3A_605 : i32
        %get3A_607 = arith.index_cast %rem3A_359 : i32 to index
        %get3A_608 = arith.index_cast %add3A_606 : i32 to index
        %get3A_609 = arith.constant 32 : index
        %get3A_610 = tpu.vector_load %arg7[%get3A_607, %get3A_608, %get3A_609] {strides = array<i32>} : memref<2x125x128xf32, #tpu.memory_space<vmem>>, vector<1x1x16xf32>,
        %get3A_611 = vector.shape_cast %get3A_610 : vector<1x1x16xf32> to vector<16xf32>
        %add3A_612 = arith.addf %add3A_548, %get3A_611 : vector<16xf32>
        %add3A_613 = arith.constant 3 : i32
        %add3A_614 = arith.addi %mul3A_397, %add3A_613 : i32
        %get3A_615 = arith.index_cast %rem3A_359 : i32 to index
        %get3A_616 = arith.index_cast %add3A_614 : i32 to index
        %get3A_617 = arith.constant 48 : index
        %get3A_618 = tpu.vector_load %arg7[%get3A_615, %get3A_616, %get3A_617] {strides = array<i32>} : memref<2x125x128xf32, #tpu.memory_space<vmem>>, vector<1x1x16xf32>,
        %get3A_619 = vector.shape_cast %get3A_618 : vector<1x1x16xf32> to vector<16xf32>
        %add3A_620 = arith.addf %add3A_556, %get3A_619 : vector<16xf32>
        %add3A_621 = arith.constant 3 : i32
        %add3A_622 = arith.addi %mul3A_397, %add3A_621 : i32
        %get3A_623 = arith.index_cast %rem3A_359 : i32 to index
        %get3A_624 = arith.index_cast %add3A_622 : i32 to index
        %get3A_625 = arith.constant 64 : index
        %get3A_626 = tpu.vector_load %arg7[%get3A_623, %get3A_624, %get3A_625] {strides = array<i32>} : memref<2x125x128xf32, #tpu.memory_space<vmem>>, vector<1x1x16xf32>,
        %get3A_627 = vector.shape_cast %get3A_626 : vector<1x1x16xf32> to vector<16xf32>
        %add3A_628 = arith.addf %add3A_564, %get3A_627 : vector<16xf32>
        %add3A_629 = arith.constant 3 : i32
        %add3A_630 = arith.addi %mul3A_397, %add3A_629 : i32
        %get3A_631 = arith.index_cast %rem3A_359 : i32 to index
        %get3A_632 = arith.index_cast %add3A_630 : i32 to index
        %get3A_633 = arith.constant 80 : index
        %get3A_634 = tpu.vector_load %arg7[%get3A_631, %get3A_632, %get3A_633] {strides = array<i32>} : memref<2x125x128xf32, #tpu.memory_space<vmem>>, vector<1x1x16xf32>,
        %get3A_635 = vector.shape_cast %get3A_634 : vector<1x1x16xf32> to vector<16xf32>
        %add3A_636 = arith.addf %add3A_572, %get3A_635 : vector<16xf32>
        %add3A_637 = arith.constant 3 : i32
        %add3A_638 = arith.addi %mul3A_397, %add3A_637 : i32
        %get3A_639 = arith.index_cast %rem3A_359 : i32 to index
        %get3A_640 = arith.index_cast %add3A_638 : i32 to index
        %get3A_641 = arith.constant 96 : index
        %get3A_642 = tpu.vector_load %arg7[%get3A_639, %get3A_640, %get3A_641] {strides = array<i32>} : memref<2x125x128xf32, #tpu.memory_space<vmem>>, vector<1x1x16xf32>,
        %get3A_643 = vector.shape_cast %get3A_642 : vector<1x1x16xf32> to vector<16xf32>
        %add3A_644 = arith.addf %add3A_580, %get3A_643 : vector<16xf32>
        %add3A_645 = arith.constant 3 : i32
        %add3A_646 = arith.addi %mul3A_397, %add3A_645 : i32
        %get3A_647 = arith.index_cast %rem3A_359 : i32 to index
        %get3A_648 = arith.index_cast %add3A_646 : i32 to index
        %get3A_649 = arith.constant 112 : index
        %get3A_650 = tpu.vector_load %arg7[%get3A_647, %get3A_648, %get3A_649] {strides = array<i32>} : memref<2x125x128xf32, #tpu.memory_space<vmem>>, vector<1x1x16xf32>,
        %get3A_651 = vector.shape_cast %get3A_650 : vector<1x1x16xf32> to vector<16xf32>
        %add3A_652 = arith.addf %add3A_588, %get3A_651 : vector<16xf32>
        %add3A_653 = arith.constant 4 : i32
        %add3A_654 = arith.addi %mul3A_397, %add3A_653 : i32
        %get3A_655 = arith.index_cast %rem3A_359 : i32 to index
        %get3A_656 = arith.index_cast %add3A_654 : i32 to index
        %get3A_657 = arith.constant 0 : index
        %get3A_658 = tpu.vector_load %arg7[%get3A_655, %get3A_656, %get3A_657] {strides = array<i32>} : memref<2x125x128xf32, #tpu.memory_space<vmem>>, vector<1x1x16xf32>,
        %get3A_659 = vector.shape_cast %get3A_658 : vector<1x1x16xf32> to vector<16xf32>
        %add3A_660 = arith.addf %add3A_596, %get3A_659 : vector<16xf32>
        %add3A_661 = arith.constant 4 : i32
        %add3A_662 = arith.addi %mul3A_397, %add3A_661 : i32
        %get3A_663 = arith.index_cast %rem3A_359 : i32 to index
        %get3A_664 = arith.index_cast %add3A_662 : i32 to index
        %get3A_665 = arith.constant 16 : index
        %get3A_666 = tpu.vector_load %arg7[%get3A_663, %get3A_664, %get3A_665] {strides = array<i32>} : memref<2x125x128xf32, #tpu.memory_space<vmem>>, vector<1x1x16xf32>,
        %get3A_667 = vector.shape_cast %get3A_666 : vector<1x1x16xf32> to vector<16xf32>
        %add3A_668 = arith.addf %add3A_604, %get3A_667 : vector<16xf32>
        %add3A_669 = arith.constant 4 : i32
        %add3A_670 = arith.addi %mul3A_397, %add3A_669 : i32
        %get3A_671 = arith.index_cast %rem3A_359 : i32 to index
        %get3A_672 = arith.index_cast %add3A_670 : i32 to index
        %get3A_673 = arith.constant 32 : index
        %get3A_674 = tpu.vector_load %arg7[%get3A_671, %get3A_672, %get3A_673] {strides = array<i32>} : memref<2x125x128xf32, #tpu.memory_space<vmem>>, vector<1x1x16xf32>,
        %get3A_675 = vector.shape_cast %get3A_674 : vector<1x1x16xf32> to vector<16xf32>
        %add3A_676 = arith.addf %add3A_612, %get3A_675 : vector<16xf32>
        %add3A_677 = arith.constant 4 : i32
        %add3A_678 = arith.addi %mul3A_397, %add3A_677 : i32
        %get3A_679 = arith.index_cast %rem3A_359 : i32 to index
        %get3A_680 = arith.index_cast %add3A_678 : i32 to index
        %get3A_681 = arith.constant 48 : index
        %get3A_682 = tpu.vector_load %arg7[%get3A_679, %get3A_680, %get3A_681] {strides = array<i32>} : memref<2x125x128xf32, #tpu.memory_space<vmem>>, vector<1x1x16xf32>,
        %get3A_683 = vector.shape_cast %get3A_682 : vector<1x1x16xf32> to vector<16xf32>
        %add3A_684 = arith.addf %add3A_620, %get3A_683 : vector<16xf32>
        %add3A_685 = arith.constant 4 : i32
        %add3A_686 = arith.addi %mul3A_397, %add3A_685 : i32
        %get3A_687 = arith.index_cast %rem3A_359 : i32 to index
        %get3A_688 = arith.index_cast %add3A_686 : i32 to index
        %get3A_689 = arith.constant 64 : index
        %get3A_690 = tpu.vector_load %arg7[%get3A_687, %get3A_688, %get3A_689] {strides = array<i32>} : memref<2x125x128xf32, #tpu.memory_space<vmem>>, vector<1x1x16xf32>,
        %get3A_691 = vector.shape_cast %get3A_690 : vector<1x1x16xf32> to vector<16xf32>
        %add3A_692 = arith.addf %add3A_628, %get3A_691 : vector<16xf32>
        %add3A_693 = arith.constant 4 : i32
        %add3A_694 = arith.addi %mul3A_397, %add3A_693 : i32
        %get3A_695 = arith.index_cast %rem3A_359 : i32 to index
        %get3A_696 = arith.index_cast %add3A_694 : i32 to index
        %get3A_697 = arith.constant 80 : index
        %get3A_698 = tpu.vector_load %arg7[%get3A_695, %get3A_696, %get3A_697] {strides = array<i32>} : memref<2x125x128xf32, #tpu.memory_space<vmem>>, vector<1x1x16xf32>,
        %get3A_699 = vector.shape_cast %get3A_698 : vector<1x1x16xf32> to vector<16xf32>
        %add3A_700 = arith.addf %add3A_636, %get3A_699 : vector<16xf32>
        %add3A_701 = arith.constant 4 : i32
        %add3A_702 = arith.addi %mul3A_397, %add3A_701 : i32
        %get3A_703 = arith.index_cast %rem3A_359 : i32 to index
        %get3A_704 = arith.index_cast %add3A_702 : i32 to index
        %get3A_705 = arith.constant 96 : index
        %get3A_706 = tpu.vector_load %arg7[%get3A_703, %get3A_704, %get3A_705] {strides = array<i32>} : memref<2x125x128xf32, #tpu.memory_space<vmem>>, vector<1x1x16xf32>,
        %get3A_707 = vector.shape_cast %get3A_706 : vector<1x1x16xf32> to vector<16xf32>
        %add3A_708 = arith.addf %add3A_644, %get3A_707 : vector<16xf32>
        %add3A_709 = arith.constant 4 : i32
        %add3A_710 = arith.addi %mul3A_397, %add3A_709 : i32
        %get3A_711 = arith.index_cast %rem3A_359 : i32 to index
        %get3A_712 = arith.index_cast %add3A_710 : i32 to index
        %get3A_713 = arith.constant 112 : index
        %get3A_714 = tpu.vector_load %arg7[%get3A_711, %get3A_712, %get3A_713] {strides = array<i32>} : memref<2x125x128xf32, #tpu.memory_space<vmem>>, vector<1x1x16xf32>,
        %get3A_715 = vector.shape_cast %get3A_714 : vector<1x1x16xf32> to vector<16xf32>
        %add3A_716 = arith.addf %add3A_652, %get3A_715 : vector<16xf32>
        scf.yield %add3A_660, %add3A_668, %add3A_676, %add3A_684, %add3A_692, %add3A_700, %add3A_708, %add3A_716 : vector<16xf32>, vector<16xf32>, vector<16xf32>, vector<16xf32>, vector<16xf32>, vector<16xf32>, vector<16xf32>, vector<16xf32>
      }
      %scan3A_386 = arith.constant 25 : i32
      scf.yield %scan3A_385#0, %scan3A_385#1, %scan3A_385#2, %scan3A_385#3, %scan3A_385#4, %scan3A_385#5, %scan3A_385#6, %scan3A_385#7 : vector<16xf32>, vector<16xf32>, vector<16xf32>, vector<16xf32>, vector<16xf32>, vector<16xf32>, vector<16xf32>, vector<16xf32>
    }
    %scan3A_122 = arith.constant 25 : i32
    %swap3A_123 = arith.constant 1 : i32
    %swap3A_124 = arith.index_cast %swap3A_123 : i32 to index
    %swap3A_125 = arith.constant 0 : index
    %swap3A_126 = tpu.vector_load %arg8[%swap3A_124, %swap3A_125] {strides = array<i32>} : memref<4x128xf32, #tpu.memory_space<vmem>>, vector<1x16xf32>,
    %swap3A_127 = vector.shape_cast %swap3A_126 : vector<1x16xf32> to vector<16xf32>
    %swap3A_128 = vector.shape_cast %scan3A_121#0 : vector<16xf32> to vector<1x16xf32>
    tpu.vector_store %arg8[%swap3A_124, %swap3A_125], %swap3A_128 {strides = array<i32>} : memref<4x128xf32, #tpu.memory_space<vmem>>, vector<1x16xf32>,
    %swap3A_129 = arith.constant 1 : i32
    %swap3A_130 = arith.index_cast %swap3A_129 : i32 to index
    %swap3A_131 = arith.constant 16 : index
    %swap3A_132 = tpu.vector_load %arg8[%swap3A_130, %swap3A_131] {strides = array<i32>} : memref<4x128xf32, #tpu.memory_space<vmem>>, vector<1x16xf32>,
    %swap3A_133 = vector.shape_cast %swap3A_132 : vector<1x16xf32> to vector<16xf32>
    %swap3A_134 = vector.shape_cast %scan3A_121#1 : vector<16xf32> to vector<1x16xf32>
    tpu.vector_store %arg8[%swap3A_130, %swap3A_131], %swap3A_134 {strides = array<i32>} : memref<4x128xf32, #tpu.memory_space<vmem>>, vector<1x16xf32>,
    %swap3A_135 = arith.constant 1 : i32
    %swap3A_136 = arith.index_cast %swap3A_135 : i32 to index
    %swap3A_137 = arith.constant 32 : index
    %swap3A_138 = tpu.vector_load %arg8[%swap3A_136, %swap3A_137] {strides = array<i32>} : memref<4x128xf32, #tpu.memory_space<vmem>>, vector<1x16xf32>,
    %swap3A_139 = vector.shape_cast %swap3A_138 : vector<1x16xf32> to vector<16xf32>
    %swap3A_140 = vector.shape_cast %scan3A_121#2 : vector<16xf32> to vector<1x16xf32>
    tpu.vector_store %arg8[%swap3A_136, %swap3A_137], %swap3A_140 {strides = array<i32>} : memref<4x128xf32, #tpu.memory_space<vmem>>, vector<1x16xf32>,
    %swap3A_141 = arith.constant 1 : i32
    %swap3A_142 = arith.index_cast %swap3A_141 : i32 to index
    %swap3A_143 = arith.constant 48 : index
    %swap3A_144 = tpu.vector_load %arg8[%swap3A_142, %swap3A_143] {strides = array<i32>} : memref<4x128xf32, #tpu.memory_space<vmem>>, vector<1x16xf32>,
    %swap3A_145 = vector.shape_cast %swap3A_144 : vector<1x16xf32> to vector<16xf32>
    %swap3A_146 = vector.shape_cast %scan3A_121#3 : vector<16xf32> to vector<1x16xf32>
    tpu.vector_store %arg8[%swap3A_142, %swap3A_143], %swap3A_146 {strides = array<i32>} : memref<4x128xf32, #tpu.memory_space<vmem>>, vector<1x16xf32>,
    %swap3A_147 = arith.constant 1 : i32
    %swap3A_148 = arith.index_cast %swap3A_147 : i32 to index
    %swap3A_149 = arith.constant 64 : index
    %swap3A_150 = tpu.vector_load %arg8[%swap3A_148, %swap3A_149] {strides = array<i32>} : memref<4x128xf32, #tpu.memory_space<vmem>>, vector<1x16xf32>,
    %swap3A_151 = vector.shape_cast %swap3A_150 : vector<1x16xf32> to vector<16xf32>
    %swap3A_152 = vector.shape_cast %scan3A_121#4 : vector<16xf32> to vector<1x16xf32>
    tpu.vector_store %arg8[%swap3A_148, %swap3A_149], %swap3A_152 {strides = array<i32>} : memref<4x128xf32, #tpu.memory_space<vmem>>, vector<1x16xf32>,
    %swap3A_153 = arith.constant 1 : i32
    %swap3A_154 = arith.index_cast %swap3A_153 : i32 to index
    %swap3A_155 = arith.constant 80 : index
    %swap3A_156 = tpu.vector_load %arg8[%swap3A_154, %swap3A_155] {strides = array<i32>} : memref<4x128xf32, #tpu.memory_space<vmem>>, vector<1x16xf32>,
    %swap3A_157 = vector.shape_cast %swap3A_156 : vector<1x16xf32> to vector<16xf32>
    %swap3A_158 = vector.shape_cast %scan3A_121#5 : vector<16xf32> to vector<1x16xf32>
    tpu.vector_store %arg8[%swap3A_154, %swap3A_155], %swap3A_158 {strides = array<i32>} : memref<4x128xf32, #tpu.memory_space<vmem>>, vector<1x16xf32>,
    %swap3A_159 = arith.constant 1 : i32
    %swap3A_160 = arith.index_cast %swap3A_159 : i32 to index
    %swap3A_161 = arith.constant 96 : index
    %swap3A_162 = tpu.vector_load %arg8[%swap3A_160, %swap3A_161] {strides = array<i32>} : memref<4x128xf32, #tpu.memory_space<vmem>>, vector<1x16xf32>,
    %swap3A_163 = vector.shape_cast %swap3A_162 : vector<1x16xf32> to vector<16xf32>
    %swap3A_164 = vector.shape_cast %scan3A_121#6 : vector<16xf32> to vector<1x16xf32>
    tpu.vector_store %arg8[%swap3A_160, %swap3A_161], %swap3A_164 {strides = array<i32>} : memref<4x128xf32, #tpu.memory_space<vmem>>, vector<1x16xf32>,
    %swap3A_165 = arith.constant 1 : i32
    %swap3A_166 = arith.index_cast %swap3A_165 : i32 to index
    %swap3A_167 = arith.constant 112 : index
    %swap3A_168 = tpu.vector_load %arg8[%swap3A_166, %swap3A_167] {strides = array<i32>} : memref<4x128xf32, #tpu.memory_space<vmem>>, vector<1x16xf32>,
    %swap3A_169 = vector.shape_cast %swap3A_168 : vector<1x16xf32> to vector<16xf32>
    %swap3A_170 = vector.shape_cast %scan3A_121#7 : vector<16xf32> to vector<1x16xf32>
    tpu.vector_store %arg8[%swap3A_166, %swap3A_167], %swap3A_170 {strides = array<i32>} : memref<4x128xf32, #tpu.memory_space<vmem>>, vector<1x16xf32>,
    %dma_start3A_171 = arith.constant 0 : i32
    %dma_start3A_172 = arith.constant 0 : i32
    %dma_start3A_173 = arith.constant 0 : i32
    %dma_start3A_174 = arith.constant 0 : i32
    %dma_start3A_175 = tpu.memref_slice %arg7[%dma_start3A_171, %dma_start3A_173, %dma_start3A_174] : memref<2x125x128xf32, #tpu.memory_space<vmem>> -> memref<1x125x128xf32, #tpu.memory_space<vmem>>
    %dma_start3A_176 = tpu.memref_squeeze %dma_start3A_175 : memref<1x125x128xf32, #tpu.memory_space<vmem>> -> memref<125x128xf32, #tpu.memory_space<vmem>>
    %dma_start3A_177 = arith.constant 0 : i32
    %dma_start3A_178 = tpu.memref_slice %arg4[%mul3A_2, %dma_start3A_177] : memref<100000x128xf32, #tpu.memory_space<hbm>> -> memref<125x128xf32, #tpu.memory_space<hbm>>
    %dma_start3A_179 = tpu.memref_slice %arg9[%dma_start3A_172] : memref<2x!tpu.dma_semaphore, #tpu.memory_space<semaphore_mem>> -> memref<1x!tpu.dma_semaphore, #tpu.memory_space<semaphore_mem>>
    %dma_start3A_180 = tpu.memref_squeeze %dma_start3A_179 : memref<1x!tpu.dma_semaphore, #tpu.memory_space<semaphore_mem>> -> memref<!tpu.dma_semaphore, #tpu.memory_space<semaphore_mem>>
    %dma_start3A_181 = arith.constant 0 : i32
    %dma_start3A_182 = arith.constant 0 : i32
    %dma_start3A_183 = tpu.memref_slice %arg7[%dma_start3A_171, %dma_start3A_181, %dma_start3A_182] : memref<2x125x128xf32, #tpu.memory_space<vmem>> -> memref<1x125x128xf32, #tpu.memory_space<vmem>>
    %dma_start3A_184 = tpu.memref_squeeze %dma_start3A_183 : memref<1x125x128xf32, #tpu.memory_space<vmem>> -> memref<125x128xf32, #tpu.memory_space<vmem>>
    %dma_start3A_185 = arith.constant 0 : i32
    %dma_start3A_186 = tpu.memref_slice %arg4[%mul3A_2, %dma_start3A_185] : memref<100000x128xf32, #tpu.memory_space<hbm>> -> memref<125x128xf32, #tpu.memory_space<hbm>>
    tpu.enqueue_dma source(%dma_start3A_186 : memref<125x128xf32, #tpu.memory_space<hbm>>) target(%dma_start3A_184 : memref<125x128xf32, #tpu.memory_space<vmem>>) target_semaphore(%dma_start3A_180 : memref<!tpu.dma_semaphore, #tpu.memory_space<semaphore_mem>>)
    %broadcast_in_dim3A_187 = arith.constant 0.000000e+00 : f32
    %broadcast_in_dim3A_188 = vector.broadcast %broadcast_in_dim3A_187 : f32 to vector<16xf32>
    %broadcast_in_dim3A_189 = arith.constant 0.000000e+00 : f32
    %broadcast_in_dim3A_190 = vector.broadcast %broadcast_in_dim3A_189 : f32 to vector<16xf32>
    %broadcast_in_dim3A_191 = arith.constant 0.000000e+00 : f32
    %broadcast_in_dim3A_192 = vector.broadcast %broadcast_in_dim3A_191 : f32 to vector<16xf32>
    %broadcast_in_dim3A_193 = arith.constant 0.000000e+00 : f32
    %broadcast_in_dim3A_194 = vector.broadcast %broadcast_in_dim3A_193 : f32 to vector<16xf32>
    %broadcast_in_dim3A_195 = arith.constant 0.000000e+00 : f32
    %broadcast_in_dim3A_196 = vector.broadcast %broadcast_in_dim3A_195 : f32 to vector<16xf32>
    %broadcast_in_dim3A_197 = arith.constant 0.000000e+00 : f32
    %broadcast_in_dim3A_198 = vector.broadcast %broadcast_in_dim3A_197 : f32 to vector<16xf32>
    %broadcast_in_dim3A_199 = arith.constant 0.000000e+00 : f32
    %broadcast_in_dim3A_200 = vector.broadcast %broadcast_in_dim3A_199 : f32 to vector<16xf32>
    %broadcast_in_dim3A_201 = arith.constant 0.000000e+00 : f32
    %broadcast_in_dim3A_202 = vector.broadcast %broadcast_in_dim3A_201 : f32 to vector<16xf32>
    %scan3A_203 = arith.constant 0 : i32
    %scan3A_204 = arith.constant 25 : i32
    %scan3A_205 = arith.addi %scan3A_203, %scan3A_204 : i32
    %scan3A_206 = arith.constant 1 : i32
    %scan3A_207:8 = scf.for %scan3A_350 = %scan3A_203 to %scan3A_205 step %scan3A_206 iter_args(%scan3A_351 = %broadcast_in_dim3A_188, %scan3A_352 = %broadcast_in_dim3A_190, %scan3A_353 = %broadcast_in_dim3A_192, %scan3A_354 = %broadcast_in_dim3A_194, %scan3A_355 = %broadcast_in_dim3A_196, %scan3A_356 = %broadcast_in_dim3A_198, %scan3A_357 = %broadcast_in_dim3A_200, %scan3A_358 = %broadcast_in_dim3A_202) -> (vector<16xf32>, vector<16xf32>, vector<16xf32>, vector<16xf32>, vector<16xf32>, vector<16xf32>, vector<16xf32>, vector<16xf32>)  : i32 {
      %rem3A = arith.constant 2 : i32
      %rem3A_359 = arith.remsi %scan3A_350, %rem3A : i32
      %sub3A = arith.constant 1 : i32
      %sub3A_360 = arith.subi %sub3A, %rem3A_359 : i32
      %mul3A_361 = arith.constant 125 : i32
      %mul3A_362 = arith.muli %scan3A_350, %mul3A_361 : i32
      %add3A_363 = arith.addi %mul3A_2, %mul3A_362 : i32
      %dma_wait3A = arith.constant 0 : i32
      %dma_wait3A_364 = arith.constant 0 : i32
      %dma_wait3A_365 = tpu.memref_slice %arg7[%rem3A_359, %dma_wait3A, %dma_wait3A_364] : memref<2x125x128xf32, #tpu.memory_space<vmem>> -> memref<1x125x128xf32, #tpu.memory_space<vmem>>
      %dma_wait3A_366 = tpu.memref_squeeze %dma_wait3A_365 : memref<1x125x128xf32, #tpu.memory_space<vmem>> -> memref<125x128xf32, #tpu.memory_space<vmem>>
      %dma_wait3A_367 = arith.constant 0 : i32
      %dma_wait3A_368 = tpu.memref_slice %arg4[%add3A_363, %dma_wait3A_367] : memref<100000x128xf32, #tpu.memory_space<hbm>> -> memref<125x128xf32, #tpu.memory_space<hbm>>
      %dma_wait3A_369 = tpu.memref_slice %arg9[%rem3A_359] : memref<2x!tpu.dma_semaphore, #tpu.memory_space<semaphore_mem>> -> memref<1x!tpu.dma_semaphore, #tpu.memory_space<semaphore_mem>>
      %dma_wait3A_370 = tpu.memref_squeeze %dma_wait3A_369 : memref<1x!tpu.dma_semaphore, #tpu.memory_space<semaphore_mem>> -> memref<!tpu.dma_semaphore, #tpu.memory_space<semaphore_mem>>
      %dma_wait3A_371 = arith.constant 0 : i32
      %dma_wait3A_372 = arith.constant 0 : i32
      %dma_wait3A_373 = tpu.memref_slice %arg7[%rem3A_359, %dma_wait3A_371, %dma_wait3A_372] : memref<2x125x128xf32, #tpu.memory_space<vmem>> -> memref<1x125x128xf32, #tpu.memory_space<vmem>>
      %dma_wait3A_374 = tpu.memref_squeeze %dma_wait3A_373 : memref<1x125x128xf32, #tpu.memory_space<vmem>> -> memref<125x128xf32, #tpu.memory_space<vmem>>
      %dma_wait3A_375 = arith.constant 0 : i32
      %dma_wait3A_376 = tpu.memref_slice %arg4[%add3A_363, %dma_wait3A_375] : memref<100000x128xf32, #tpu.memory_space<hbm>> -> memref<125x128xf32, #tpu.memory_space<hbm>>
      tpu.wait_dma2 semaphore(%dma_wait3A_370 : memref<!tpu.dma_semaphore, #tpu.memory_space<semaphore_mem>>) src(%dma_wait3A_376 : memref<125x128xf32, #tpu.memory_space<hbm>>) dst(%dma_wait3A_374 : memref<125x128xf32, #tpu.memory_space<vmem>>)
      %add3A_377 = arith.constant 1 : i32
      %add3A_378 = arith.addi %scan3A_350, %add3A_377 : i32
      %lt3A = arith.constant 25 : i32
      %lt3A_379 = arith.cmpi slt, %add3A_378, %lt3A : i32
      %convert_element_type3A = arith.extui %lt3A_379 : i1 to i32
      %cond3A = arith.constant 0 : i32
      %cond3A_380 = arith.cmpi ne, %convert_element_type3A, %cond3A : i32
      scf.if %cond3A_380 {
        %add3A_387 = arith.constant 1 : i32
        %add3A_388 = arith.addi %scan3A_350, %add3A_387 : i32
        %mul3A_389 = arith.constant 125 : i32
        %mul3A_390 = arith.muli %add3A_388, %mul3A_389 : i32
        %add3A_391 = arith.addi %mul3A_2, %mul3A_390 : i32
        %dma_start3A_392 = arith.constant 0 : i32
        %dma_start3A_393 = arith.constant 0 : i32
        %dma_start3A_394 = tpu.memref_slice %arg7[%sub3A_360, %dma_start3A_392, %dma_start3A_393] : memref<2x125x128xf32, #tpu.memory_space<vmem>> -> memref<1x125x128xf32, #tpu.memory_space<vmem>>
        %dma_start3A_395 = tpu.memref_squeeze %dma_start3A_394 : memref<1x125x128xf32, #tpu.memory_space<vmem>> -> memref<125x128xf32, #tpu.memory_space<vmem>>
        %dma_start3A_396 = arith.constant 0 : i32
        %dma_start3A_397 = tpu.memref_slice %arg4[%add3A_391, %dma_start3A_396] : memref<100000x128xf32, #tpu.memory_space<hbm>> -> memref<125x128xf32, #tpu.memory_space<hbm>>
        %dma_start3A_398 = tpu.memref_slice %arg9[%sub3A_360] : memref<2x!tpu.dma_semaphore, #tpu.memory_space<semaphore_mem>> -> memref<1x!tpu.dma_semaphore, #tpu.memory_space<semaphore_mem>>
        %dma_start3A_399 = tpu.memref_squeeze %dma_start3A_398 : memref<1x!tpu.dma_semaphore, #tpu.memory_space<semaphore_mem>> -> memref<!tpu.dma_semaphore, #tpu.memory_space<semaphore_mem>>
        %dma_start3A_400 = arith.constant 0 : i32
        %dma_start3A_401 = arith.constant 0 : i32
        %dma_start3A_402 = tpu.memref_slice %arg7[%sub3A_360, %dma_start3A_400, %dma_start3A_401] : memref<2x125x128xf32, #tpu.memory_space<vmem>> -> memref<1x125x128xf32, #tpu.memory_space<vmem>>
        %dma_start3A_403 = tpu.memref_squeeze %dma_start3A_402 : memref<1x125x128xf32, #tpu.memory_space<vmem>> -> memref<125x128xf32, #tpu.memory_space<vmem>>
        %dma_start3A_404 = arith.constant 0 : i32
        %dma_start3A_405 = tpu.memref_slice %arg4[%add3A_391, %dma_start3A_404] : memref<100000x128xf32, #tpu.memory_space<hbm>> -> memref<125x128xf32, #tpu.memory_space<hbm>>
        tpu.enqueue_dma source(%dma_start3A_405 : memref<125x128xf32, #tpu.memory_space<hbm>>) target(%dma_start3A_403 : memref<125x128xf32, #tpu.memory_space<vmem>>) target_semaphore(%dma_start3A_399 : memref<!tpu.dma_semaphore, #tpu.memory_space<semaphore_mem>>)
      } else {
      }
      %scan3A_381 = arith.constant 0 : i32
      %scan3A_382 = arith.constant 25 : i32
      %scan3A_383 = arith.addi %scan3A_381, %scan3A_382 : i32
      %scan3A_384 = arith.constant 1 : i32
      %scan3A_385:8 = scf.for %scan3A_387 = %scan3A_381 to %scan3A_383 step %scan3A_384 iter_args(%scan3A_388 = %scan3A_351, %scan3A_389 = %scan3A_352, %scan3A_390 = %scan3A_353, %scan3A_391 = %scan3A_354, %scan3A_392 = %scan3A_355, %scan3A_393 = %scan3A_356, %scan3A_394 = %scan3A_357, %scan3A_395 = %scan3A_358) -> (vector<16xf32>, vector<16xf32>, vector<16xf32>, vector<16xf32>, vector<16xf32>, vector<16xf32>, vector<16xf32>, vector<16xf32>)  : i32 {
        %mul3A_396 = arith.constant 5 : i32
        %mul3A_397 = arith.muli %scan3A_387, %mul3A_396 : i32
        %add3A_398 = arith.constant 0 : i32
        %add3A_399 = arith.addi %mul3A_397, %add3A_398 : i32
        %get3A = arith.index_cast %rem3A_359 : i32 to index
        %get3A_400 = arith.index_cast %add3A_399 : i32 to index
        %get3A_401 = arith.constant 0 : index
        %get3A_402 = tpu.vector_load %arg7[%get3A, %get3A_400, %get3A_401] {strides = array<i32>} : memref<2x125x128xf32, #tpu.memory_space<vmem>>, vector<1x1x16xf32>,
        %get3A_403 = vector.shape_cast %get3A_402 : vector<1x1x16xf32> to vector<16xf32>
        %add3A_404 = arith.addf %scan3A_388, %get3A_403 : vector<16xf32>
        %add3A_405 = arith.constant 0 : i32
        %add3A_406 = arith.addi %mul3A_397, %add3A_405 : i32
        %get3A_407 = arith.index_cast %rem3A_359 : i32 to index
        %get3A_408 = arith.index_cast %add3A_406 : i32 to index
        %get3A_409 = arith.constant 16 : index
        %get3A_410 = tpu.vector_load %arg7[%get3A_407, %get3A_408, %get3A_409] {strides = array<i32>} : memref<2x125x128xf32, #tpu.memory_space<vmem>>, vector<1x1x16xf32>,
        %get3A_411 = vector.shape_cast %get3A_410 : vector<1x1x16xf32> to vector<16xf32>
        %add3A_412 = arith.addf %scan3A_389, %get3A_411 : vector<16xf32>
        %add3A_413 = arith.constant 0 : i32
        %add3A_414 = arith.addi %mul3A_397, %add3A_413 : i32
        %get3A_415 = arith.index_cast %rem3A_359 : i32 to index
        %get3A_416 = arith.index_cast %add3A_414 : i32 to index
        %get3A_417 = arith.constant 32 : index
        %get3A_418 = tpu.vector_load %arg7[%get3A_415, %get3A_416, %get3A_417] {strides = array<i32>} : memref<2x125x128xf32, #tpu.memory_space<vmem>>, vector<1x1x16xf32>,
        %get3A_419 = vector.shape_cast %get3A_418 : vector<1x1x16xf32> to vector<16xf32>
        %add3A_420 = arith.addf %scan3A_390, %get3A_419 : vector<16xf32>
        %add3A_421 = arith.constant 0 : i32
        %add3A_422 = arith.addi %mul3A_397, %add3A_421 : i32
        %get3A_423 = arith.index_cast %rem3A_359 : i32 to index
        %get3A_424 = arith.index_cast %add3A_422 : i32 to index
        %get3A_425 = arith.constant 48 : index
        %get3A_426 = tpu.vector_load %arg7[%get3A_423, %get3A_424, %get3A_425] {strides = array<i32>} : memref<2x125x128xf32, #tpu.memory_space<vmem>>, vector<1x1x16xf32>,
        %get3A_427 = vector.shape_cast %get3A_426 : vector<1x1x16xf32> to vector<16xf32>
        %add3A_428 = arith.addf %scan3A_391, %get3A_427 : vector<16xf32>
        %add3A_429 = arith.constant 0 : i32
        %add3A_430 = arith.addi %mul3A_397, %add3A_429 : i32
        %get3A_431 = arith.index_cast %rem3A_359 : i32 to index
        %get3A_432 = arith.index_cast %add3A_430 : i32 to index
        %get3A_433 = arith.constant 64 : index
        %get3A_434 = tpu.vector_load %arg7[%get3A_431, %get3A_432, %get3A_433] {strides = array<i32>} : memref<2x125x128xf32, #tpu.memory_space<vmem>>, vector<1x1x16xf32>,
        %get3A_435 = vector.shape_cast %get3A_434 : vector<1x1x16xf32> to vector<16xf32>
        %add3A_436 = arith.addf %scan3A_392, %get3A_435 : vector<16xf32>
        %add3A_437 = arith.constant 0 : i32
        %add3A_438 = arith.addi %mul3A_397, %add3A_437 : i32
        %get3A_439 = arith.index_cast %rem3A_359 : i32 to index
        %get3A_440 = arith.index_cast %add3A_438 : i32 to index
        %get3A_441 = arith.constant 80 : index
        %get3A_442 = tpu.vector_load %arg7[%get3A_439, %get3A_440, %get3A_441] {strides = array<i32>} : memref<2x125x128xf32, #tpu.memory_space<vmem>>, vector<1x1x16xf32>,
        %get3A_443 = vector.shape_cast %get3A_442 : vector<1x1x16xf32> to vector<16xf32>
        %add3A_444 = arith.addf %scan3A_393, %get3A_443 : vector<16xf32>
        %add3A_445 = arith.constant 0 : i32
        %add3A_446 = arith.addi %mul3A_397, %add3A_445 : i32
        %get3A_447 = arith.index_cast %rem3A_359 : i32 to index
        %get3A_448 = arith.index_cast %add3A_446 : i32 to index
        %get3A_449 = arith.constant 96 : index
        %get3A_450 = tpu.vector_load %arg7[%get3A_447, %get3A_448, %get3A_449] {strides = array<i32>} : memref<2x125x128xf32, #tpu.memory_space<vmem>>, vector<1x1x16xf32>,
        %get3A_451 = vector.shape_cast %get3A_450 : vector<1x1x16xf32> to vector<16xf32>
        %add3A_452 = arith.addf %scan3A_394, %get3A_451 : vector<16xf32>
        %add3A_453 = arith.constant 0 : i32
        %add3A_454 = arith.addi %mul3A_397, %add3A_453 : i32
        %get3A_455 = arith.index_cast %rem3A_359 : i32 to index
        %get3A_456 = arith.index_cast %add3A_454 : i32 to index
        %get3A_457 = arith.constant 112 : index
        %get3A_458 = tpu.vector_load %arg7[%get3A_455, %get3A_456, %get3A_457] {strides = array<i32>} : memref<2x125x128xf32, #tpu.memory_space<vmem>>, vector<1x1x16xf32>,
        %get3A_459 = vector.shape_cast %get3A_458 : vector<1x1x16xf32> to vector<16xf32>
        %add3A_460 = arith.addf %scan3A_395, %get3A_459 : vector<16xf32>
        %add3A_461 = arith.constant 1 : i32
        %add3A_462 = arith.addi %mul3A_397, %add3A_461 : i32
        %get3A_463 = arith.index_cast %rem3A_359 : i32 to index
        %get3A_464 = arith.index_cast %add3A_462 : i32 to index
        %get3A_465 = arith.constant 0 : index
        %get3A_466 = tpu.vector_load %arg7[%get3A_463, %get3A_464, %get3A_465] {strides = array<i32>} : memref<2x125x128xf32, #tpu.memory_space<vmem>>, vector<1x1x16xf32>,
        %get3A_467 = vector.shape_cast %get3A_466 : vector<1x1x16xf32> to vector<16xf32>
        %add3A_468 = arith.addf %add3A_404, %get3A_467 : vector<16xf32>
        %add3A_469 = arith.constant 1 : i32
        %add3A_470 = arith.addi %mul3A_397, %add3A_469 : i32
        %get3A_471 = arith.index_cast %rem3A_359 : i32 to index
        %get3A_472 = arith.index_cast %add3A_470 : i32 to index
        %get3A_473 = arith.constant 16 : index
        %get3A_474 = tpu.vector_load %arg7[%get3A_471, %get3A_472, %get3A_473] {strides = array<i32>} : memref<2x125x128xf32, #tpu.memory_space<vmem>>, vector<1x1x16xf32>,
        %get3A_475 = vector.shape_cast %get3A_474 : vector<1x1x16xf32> to vector<16xf32>
        %add3A_476 = arith.addf %add3A_412, %get3A_475 : vector<16xf32>
        %add3A_477 = arith.constant 1 : i32
        %add3A_478 = arith.addi %mul3A_397, %add3A_477 : i32
        %get3A_479 = arith.index_cast %rem3A_359 : i32 to index
        %get3A_480 = arith.index_cast %add3A_478 : i32 to index
        %get3A_481 = arith.constant 32 : index
        %get3A_482 = tpu.vector_load %arg7[%get3A_479, %get3A_480, %get3A_481] {strides = array<i32>} : memref<2x125x128xf32, #tpu.memory_space<vmem>>, vector<1x1x16xf32>,
        %get3A_483 = vector.shape_cast %get3A_482 : vector<1x1x16xf32> to vector<16xf32>
        %add3A_484 = arith.addf %add3A_420, %get3A_483 : vector<16xf32>
        %add3A_485 = arith.constant 1 : i32
        %add3A_486 = arith.addi %mul3A_397, %add3A_485 : i32
        %get3A_487 = arith.index_cast %rem3A_359 : i32 to index
        %get3A_488 = arith.index_cast %add3A_486 : i32 to index
        %get3A_489 = arith.constant 48 : index
        %get3A_490 = tpu.vector_load %arg7[%get3A_487, %get3A_488, %get3A_489] {strides = array<i32>} : memref<2x125x128xf32, #tpu.memory_space<vmem>>, vector<1x1x16xf32>,
        %get3A_491 = vector.shape_cast %get3A_490 : vector<1x1x16xf32> to vector<16xf32>
        %add3A_492 = arith.addf %add3A_428, %get3A_491 : vector<16xf32>
        %add3A_493 = arith.constant 1 : i32
        %add3A_494 = arith.addi %mul3A_397, %add3A_493 : i32
        %get3A_495 = arith.index_cast %rem3A_359 : i32 to index
        %get3A_496 = arith.index_cast %add3A_494 : i32 to index
        %get3A_497 = arith.constant 64 : index
        %get3A_498 = tpu.vector_load %arg7[%get3A_495, %get3A_496, %get3A_497] {strides = array<i32>} : memref<2x125x128xf32, #tpu.memory_space<vmem>>, vector<1x1x16xf32>,
        %get3A_499 = vector.shape_cast %get3A_498 : vector<1x1x16xf32> to vector<16xf32>
        %add3A_500 = arith.addf %add3A_436, %get3A_499 : vector<16xf32>
        %add3A_501 = arith.constant 1 : i32
        %add3A_502 = arith.addi %mul3A_397, %add3A_501 : i32
        %get3A_503 = arith.index_cast %rem3A_359 : i32 to index
        %get3A_504 = arith.index_cast %add3A_502 : i32 to index
        %get3A_505 = arith.constant 80 : index
        %get3A_506 = tpu.vector_load %arg7[%get3A_503, %get3A_504, %get3A_505] {strides = array<i32>} : memref<2x125x128xf32, #tpu.memory_space<vmem>>, vector<1x1x16xf32>,
        %get3A_507 = vector.shape_cast %get3A_506 : vector<1x1x16xf32> to vector<16xf32>
        %add3A_508 = arith.addf %add3A_444, %get3A_507 : vector<16xf32>
        %add3A_509 = arith.constant 1 : i32
        %add3A_510 = arith.addi %mul3A_397, %add3A_509 : i32
        %get3A_511 = arith.index_cast %rem3A_359 : i32 to index
        %get3A_512 = arith.index_cast %add3A_510 : i32 to index
        %get3A_513 = arith.constant 96 : index
        %get3A_514 = tpu.vector_load %arg7[%get3A_511, %get3A_512, %get3A_513] {strides = array<i32>} : memref<2x125x128xf32, #tpu.memory_space<vmem>>, vector<1x1x16xf32>,
        %get3A_515 = vector.shape_cast %get3A_514 : vector<1x1x16xf32> to vector<16xf32>
        %add3A_516 = arith.addf %add3A_452, %get3A_515 : vector<16xf32>
        %add3A_517 = arith.constant 1 : i32
        %add3A_518 = arith.addi %mul3A_397, %add3A_517 : i32
        %get3A_519 = arith.index_cast %rem3A_359 : i32 to index
        %get3A_520 = arith.index_cast %add3A_518 : i32 to index
        %get3A_521 = arith.constant 112 : index
        %get3A_522 = tpu.vector_load %arg7[%get3A_519, %get3A_520, %get3A_521] {strides = array<i32>} : memref<2x125x128xf32, #tpu.memory_space<vmem>>, vector<1x1x16xf32>,
        %get3A_523 = vector.shape_cast %get3A_522 : vector<1x1x16xf32> to vector<16xf32>
        %add3A_524 = arith.addf %add3A_460, %get3A_523 : vector<16xf32>
        %add3A_525 = arith.constant 2 : i32
        %add3A_526 = arith.addi %mul3A_397, %add3A_525 : i32
        %get3A_527 = arith.index_cast %rem3A_359 : i32 to index
        %get3A_528 = arith.index_cast %add3A_526 : i32 to index
        %get3A_529 = arith.constant 0 : index
        %get3A_530 = tpu.vector_load %arg7[%get3A_527, %get3A_528, %get3A_529] {strides = array<i32>} : memref<2x125x128xf32, #tpu.memory_space<vmem>>, vector<1x1x16xf32>,
        %get3A_531 = vector.shape_cast %get3A_530 : vector<1x1x16xf32> to vector<16xf32>
        %add3A_532 = arith.addf %add3A_468, %get3A_531 : vector<16xf32>
        %add3A_533 = arith.constant 2 : i32
        %add3A_534 = arith.addi %mul3A_397, %add3A_533 : i32
        %get3A_535 = arith.index_cast %rem3A_359 : i32 to index
        %get3A_536 = arith.index_cast %add3A_534 : i32 to index
        %get3A_537 = arith.constant 16 : index
        %get3A_538 = tpu.vector_load %arg7[%get3A_535, %get3A_536, %get3A_537] {strides = array<i32>} : memref<2x125x128xf32, #tpu.memory_space<vmem>>, vector<1x1x16xf32>,
        %get3A_539 = vector.shape_cast %get3A_538 : vector<1x1x16xf32> to vector<16xf32>
        %add3A_540 = arith.addf %add3A_476, %get3A_539 : vector<16xf32>
        %add3A_541 = arith.constant 2 : i32
        %add3A_542 = arith.addi %mul3A_397, %add3A_541 : i32
        %get3A_543 = arith.index_cast %rem3A_359 : i32 to index
        %get3A_544 = arith.index_cast %add3A_542 : i32 to index
        %get3A_545 = arith.constant 32 : index
        %get3A_546 = tpu.vector_load %arg7[%get3A_543, %get3A_544, %get3A_545] {strides = array<i32>} : memref<2x125x128xf32, #tpu.memory_space<vmem>>, vector<1x1x16xf32>,
        %get3A_547 = vector.shape_cast %get3A_546 : vector<1x1x16xf32> to vector<16xf32>
        %add3A_548 = arith.addf %add3A_484, %get3A_547 : vector<16xf32>
        %add3A_549 = arith.constant 2 : i32
        %add3A_550 = arith.addi %mul3A_397, %add3A_549 : i32
        %get3A_551 = arith.index_cast %rem3A_359 : i32 to index
        %get3A_552 = arith.index_cast %add3A_550 : i32 to index
        %get3A_553 = arith.constant 48 : index
        %get3A_554 = tpu.vector_load %arg7[%get3A_551, %get3A_552, %get3A_553] {strides = array<i32>} : memref<2x125x128xf32, #tpu.memory_space<vmem>>, vector<1x1x16xf32>,
        %get3A_555 = vector.shape_cast %get3A_554 : vector<1x1x16xf32> to vector<16xf32>
        %add3A_556 = arith.addf %add3A_492, %get3A_555 : vector<16xf32>
        %add3A_557 = arith.constant 2 : i32
        %add3A_558 = arith.addi %mul3A_397, %add3A_557 : i32
        %get3A_559 = arith.index_cast %rem3A_359 : i32 to index
        %get3A_560 = arith.index_cast %add3A_558 : i32 to index
        %get3A_561 = arith.constant 64 : index
        %get3A_562 = tpu.vector_load %arg7[%get3A_559, %get3A_560, %get3A_561] {strides = array<i32>} : memref<2x125x128xf32, #tpu.memory_space<vmem>>, vector<1x1x16xf32>,
        %get3A_563 = vector.shape_cast %get3A_562 : vector<1x1x16xf32> to vector<16xf32>
        %add3A_564 = arith.addf %add3A_500, %get3A_563 : vector<16xf32>
        %add3A_565 = arith.constant 2 : i32
        %add3A_566 = arith.addi %mul3A_397, %add3A_565 : i32
        %get3A_567 = arith.index_cast %rem3A_359 : i32 to index
        %get3A_568 = arith.index_cast %add3A_566 : i32 to index
        %get3A_569 = arith.constant 80 : index
        %get3A_570 = tpu.vector_load %arg7[%get3A_567, %get3A_568, %get3A_569] {strides = array<i32>} : memref<2x125x128xf32, #tpu.memory_space<vmem>>, vector<1x1x16xf32>,
        %get3A_571 = vector.shape_cast %get3A_570 : vector<1x1x16xf32> to vector<16xf32>
        %add3A_572 = arith.addf %add3A_508, %get3A_571 : vector<16xf32>
        %add3A_573 = arith.constant 2 : i32
        %add3A_574 = arith.addi %mul3A_397, %add3A_573 : i32
        %get3A_575 = arith.index_cast %rem3A_359 : i32 to index
        %get3A_576 = arith.index_cast %add3A_574 : i32 to index
        %get3A_577 = arith.constant 96 : index
        %get3A_578 = tpu.vector_load %arg7[%get3A_575, %get3A_576, %get3A_577] {strides = array<i32>} : memref<2x125x128xf32, #tpu.memory_space<vmem>>, vector<1x1x16xf32>,
        %get3A_579 = vector.shape_cast %get3A_578 : vector<1x1x16xf32> to vector<16xf32>
        %add3A_580 = arith.addf %add3A_516, %get3A_579 : vector<16xf32>
        %add3A_581 = arith.constant 2 : i32
        %add3A_582 = arith.addi %mul3A_397, %add3A_581 : i32
        %get3A_583 = arith.index_cast %rem3A_359 : i32 to index
        %get3A_584 = arith.index_cast %add3A_582 : i32 to index
        %get3A_585 = arith.constant 112 : index
        %get3A_586 = tpu.vector_load %arg7[%get3A_583, %get3A_584, %get3A_585] {strides = array<i32>} : memref<2x125x128xf32, #tpu.memory_space<vmem>>, vector<1x1x16xf32>,
        %get3A_587 = vector.shape_cast %get3A_586 : vector<1x1x16xf32> to vector<16xf32>
        %add3A_588 = arith.addf %add3A_524, %get3A_587 : vector<16xf32>
        %add3A_589 = arith.constant 3 : i32
        %add3A_590 = arith.addi %mul3A_397, %add3A_589 : i32
        %get3A_591 = arith.index_cast %rem3A_359 : i32 to index
        %get3A_592 = arith.index_cast %add3A_590 : i32 to index
        %get3A_593 = arith.constant 0 : index
        %get3A_594 = tpu.vector_load %arg7[%get3A_591, %get3A_592, %get3A_593] {strides = array<i32>} : memref<2x125x128xf32, #tpu.memory_space<vmem>>, vector<1x1x16xf32>,
        %get3A_595 = vector.shape_cast %get3A_594 : vector<1x1x16xf32> to vector<16xf32>
        %add3A_596 = arith.addf %add3A_532, %get3A_595 : vector<16xf32>
        %add3A_597 = arith.constant 3 : i32
        %add3A_598 = arith.addi %mul3A_397, %add3A_597 : i32
        %get3A_599 = arith.index_cast %rem3A_359 : i32 to index
        %get3A_600 = arith.index_cast %add3A_598 : i32 to index
        %get3A_601 = arith.constant 16 : index
        %get3A_602 = tpu.vector_load %arg7[%get3A_599, %get3A_600, %get3A_601] {strides = array<i32>} : memref<2x125x128xf32, #tpu.memory_space<vmem>>, vector<1x1x16xf32>,
        %get3A_603 = vector.shape_cast %get3A_602 : vector<1x1x16xf32> to vector<16xf32>
        %add3A_604 = arith.addf %add3A_540, %get3A_603 : vector<16xf32>
        %add3A_605 = arith.constant 3 : i32
        %add3A_606 = arith.addi %mul3A_397, %add3A_605 : i32
        %get3A_607 = arith.index_cast %rem3A_359 : i32 to index
        %get3A_608 = arith.index_cast %add3A_606 : i32 to index
        %get3A_609 = arith.constant 32 : index
        %get3A_610 = tpu.vector_load %arg7[%get3A_607, %get3A_608, %get3A_609] {strides = array<i32>} : memref<2x125x128xf32, #tpu.memory_space<vmem>>, vector<1x1x16xf32>,
        %get3A_611 = vector.shape_cast %get3A_610 : vector<1x1x16xf32> to vector<16xf32>
        %add3A_612 = arith.addf %add3A_548, %get3A_611 : vector<16xf32>
        %add3A_613 = arith.constant 3 : i32
        %add3A_614 = arith.addi %mul3A_397, %add3A_613 : i32
        %get3A_615 = arith.index_cast %rem3A_359 : i32 to index
        %get3A_616 = arith.index_cast %add3A_614 : i32 to index
        %get3A_617 = arith.constant 48 : index
        %get3A_618 = tpu.vector_load %arg7[%get3A_615, %get3A_616, %get3A_617] {strides = array<i32>} : memref<2x125x128xf32, #tpu.memory_space<vmem>>, vector<1x1x16xf32>,
        %get3A_619 = vector.shape_cast %get3A_618 : vector<1x1x16xf32> to vector<16xf32>
        %add3A_620 = arith.addf %add3A_556, %get3A_619 : vector<16xf32>
        %add3A_621 = arith.constant 3 : i32
        %add3A_622 = arith.addi %mul3A_397, %add3A_621 : i32
        %get3A_623 = arith.index_cast %rem3A_359 : i32 to index
        %get3A_624 = arith.index_cast %add3A_622 : i32 to index
        %get3A_625 = arith.constant 64 : index
        %get3A_626 = tpu.vector_load %arg7[%get3A_623, %get3A_624, %get3A_625] {strides = array<i32>} : memref<2x125x128xf32, #tpu.memory_space<vmem>>, vector<1x1x16xf32>,
        %get3A_627 = vector.shape_cast %get3A_626 : vector<1x1x16xf32> to vector<16xf32>
        %add3A_628 = arith.addf %add3A_564, %get3A_627 : vector<16xf32>
        %add3A_629 = arith.constant 3 : i32
        %add3A_630 = arith.addi %mul3A_397, %add3A_629 : i32
        %get3A_631 = arith.index_cast %rem3A_359 : i32 to index
        %get3A_632 = arith.index_cast %add3A_630 : i32 to index
        %get3A_633 = arith.constant 80 : index
        %get3A_634 = tpu.vector_load %arg7[%get3A_631, %get3A_632, %get3A_633] {strides = array<i32>} : memref<2x125x128xf32, #tpu.memory_space<vmem>>, vector<1x1x16xf32>,
        %get3A_635 = vector.shape_cast %get3A_634 : vector<1x1x16xf32> to vector<16xf32>
        %add3A_636 = arith.addf %add3A_572, %get3A_635 : vector<16xf32>
        %add3A_637 = arith.constant 3 : i32
        %add3A_638 = arith.addi %mul3A_397, %add3A_637 : i32
        %get3A_639 = arith.index_cast %rem3A_359 : i32 to index
        %get3A_640 = arith.index_cast %add3A_638 : i32 to index
        %get3A_641 = arith.constant 96 : index
        %get3A_642 = tpu.vector_load %arg7[%get3A_639, %get3A_640, %get3A_641] {strides = array<i32>} : memref<2x125x128xf32, #tpu.memory_space<vmem>>, vector<1x1x16xf32>,
        %get3A_643 = vector.shape_cast %get3A_642 : vector<1x1x16xf32> to vector<16xf32>
        %add3A_644 = arith.addf %add3A_580, %get3A_643 : vector<16xf32>
        %add3A_645 = arith.constant 3 : i32
        %add3A_646 = arith.addi %mul3A_397, %add3A_645 : i32
        %get3A_647 = arith.index_cast %rem3A_359 : i32 to index
        %get3A_648 = arith.index_cast %add3A_646 : i32 to index
        %get3A_649 = arith.constant 112 : index
        %get3A_650 = tpu.vector_load %arg7[%get3A_647, %get3A_648, %get3A_649] {strides = array<i32>} : memref<2x125x128xf32, #tpu.memory_space<vmem>>, vector<1x1x16xf32>,
        %get3A_651 = vector.shape_cast %get3A_650 : vector<1x1x16xf32> to vector<16xf32>
        %add3A_652 = arith.addf %add3A_588, %get3A_651 : vector<16xf32>
        %add3A_653 = arith.constant 4 : i32
        %add3A_654 = arith.addi %mul3A_397, %add3A_653 : i32
        %get3A_655 = arith.index_cast %rem3A_359 : i32 to index
        %get3A_656 = arith.index_cast %add3A_654 : i32 to index
        %get3A_657 = arith.constant 0 : index
        %get3A_658 = tpu.vector_load %arg7[%get3A_655, %get3A_656, %get3A_657] {strides = array<i32>} : memref<2x125x128xf32, #tpu.memory_space<vmem>>, vector<1x1x16xf32>,
        %get3A_659 = vector.shape_cast %get3A_658 : vector<1x1x16xf32> to vector<16xf32>
        %add3A_660 = arith.addf %add3A_596, %get3A_659 : vector<16xf32>
        %add3A_661 = arith.constant 4 : i32
        %add3A_662 = arith.addi %mul3A_397, %add3A_661 : i32
        %get3A_663 = arith.index_cast %rem3A_359 : i32 to index
        %get3A_664 = arith.index_cast %add3A_662 : i32 to index
        %get3A_665 = arith.constant 16 : index
        %get3A_666 = tpu.vector_load %arg7[%get3A_663, %get3A_664, %get3A_665] {strides = array<i32>} : memref<2x125x128xf32, #tpu.memory_space<vmem>>, vector<1x1x16xf32>,
        %get3A_667 = vector.shape_cast %get3A_666 : vector<1x1x16xf32> to vector<16xf32>
        %add3A_668 = arith.addf %add3A_604, %get3A_667 : vector<16xf32>
        %add3A_669 = arith.constant 4 : i32
        %add3A_670 = arith.addi %mul3A_397, %add3A_669 : i32
        %get3A_671 = arith.index_cast %rem3A_359 : i32 to index
        %get3A_672 = arith.index_cast %add3A_670 : i32 to index
        %get3A_673 = arith.constant 32 : index
        %get3A_674 = tpu.vector_load %arg7[%get3A_671, %get3A_672, %get3A_673] {strides = array<i32>} : memref<2x125x128xf32, #tpu.memory_space<vmem>>, vector<1x1x16xf32>,
        %get3A_675 = vector.shape_cast %get3A_674 : vector<1x1x16xf32> to vector<16xf32>
        %add3A_676 = arith.addf %add3A_612, %get3A_675 : vector<16xf32>
        %add3A_677 = arith.constant 4 : i32
        %add3A_678 = arith.addi %mul3A_397, %add3A_677 : i32
        %get3A_679 = arith.index_cast %rem3A_359 : i32 to index
        %get3A_680 = arith.index_cast %add3A_678 : i32 to index
        %get3A_681 = arith.constant 48 : index
        %get3A_682 = tpu.vector_load %arg7[%get3A_679, %get3A_680, %get3A_681] {strides = array<i32>} : memref<2x125x128xf32, #tpu.memory_space<vmem>>, vector<1x1x16xf32>,
        %get3A_683 = vector.shape_cast %get3A_682 : vector<1x1x16xf32> to vector<16xf32>
        %add3A_684 = arith.addf %add3A_620, %get3A_683 : vector<16xf32>
        %add3A_685 = arith.constant 4 : i32
        %add3A_686 = arith.addi %mul3A_397, %add3A_685 : i32
        %get3A_687 = arith.index_cast %rem3A_359 : i32 to index
        %get3A_688 = arith.index_cast %add3A_686 : i32 to index
        %get3A_689 = arith.constant 64 : index
        %get3A_690 = tpu.vector_load %arg7[%get3A_687, %get3A_688, %get3A_689] {strides = array<i32>} : memref<2x125x128xf32, #tpu.memory_space<vmem>>, vector<1x1x16xf32>,
        %get3A_691 = vector.shape_cast %get3A_690 : vector<1x1x16xf32> to vector<16xf32>
        %add3A_692 = arith.addf %add3A_628, %get3A_691 : vector<16xf32>
        %add3A_693 = arith.constant 4 : i32
        %add3A_694 = arith.addi %mul3A_397, %add3A_693 : i32
        %get3A_695 = arith.index_cast %rem3A_359 : i32 to index
        %get3A_696 = arith.index_cast %add3A_694 : i32 to index
        %get3A_697 = arith.constant 80 : index
        %get3A_698 = tpu.vector_load %arg7[%get3A_695, %get3A_696, %get3A_697] {strides = array<i32>} : memref<2x125x128xf32, #tpu.memory_space<vmem>>, vector<1x1x16xf32>,
        %get3A_699 = vector.shape_cast %get3A_698 : vector<1x1x16xf32> to vector<16xf32>
        %add3A_700 = arith.addf %add3A_636, %get3A_699 : vector<16xf32>
        %add3A_701 = arith.constant 4 : i32
        %add3A_702 = arith.addi %mul3A_397, %add3A_701 : i32
        %get3A_703 = arith.index_cast %rem3A_359 : i32 to index
        %get3A_704 = arith.index_cast %add3A_702 : i32 to index
        %get3A_705 = arith.constant 96 : index
        %get3A_706 = tpu.vector_load %arg7[%get3A_703, %get3A_704, %get3A_705] {strides = array<i32>} : memref<2x125x128xf32, #tpu.memory_space<vmem>>, vector<1x1x16xf32>,
        %get3A_707 = vector.shape_cast %get3A_706 : vector<1x1x16xf32> to vector<16xf32>
        %add3A_708 = arith.addf %add3A_644, %get3A_707 : vector<16xf32>
        %add3A_709 = arith.constant 4 : i32
        %add3A_710 = arith.addi %mul3A_397, %add3A_709 : i32
        %get3A_711 = arith.index_cast %rem3A_359 : i32 to index
        %get3A_712 = arith.index_cast %add3A_710 : i32 to index
        %get3A_713 = arith.constant 112 : index
        %get3A_714 = tpu.vector_load %arg7[%get3A_711, %get3A_712, %get3A_713] {strides = array<i32>} : memref<2x125x128xf32, #tpu.memory_space<vmem>>, vector<1x1x16xf32>,
        %get3A_715 = vector.shape_cast %get3A_714 : vector<1x1x16xf32> to vector<16xf32>
        %add3A_716 = arith.addf %add3A_652, %get3A_715 : vector<16xf32>
        scf.yield %add3A_660, %add3A_668, %add3A_676, %add3A_684, %add3A_692, %add3A_700, %add3A_708, %add3A_716 : vector<16xf32>, vector<16xf32>, vector<16xf32>, vector<16xf32>, vector<16xf32>, vector<16xf32>, vector<16xf32>, vector<16xf32>
      }
      %scan3A_386 = arith.constant 25 : i32
      scf.yield %scan3A_385#0, %scan3A_385#1, %scan3A_385#2, %scan3A_385#3, %scan3A_385#4, %scan3A_385#5, %scan3A_385#6, %scan3A_385#7 : vector<16xf32>, vector<16xf32>, vector<16xf32>, vector<16xf32>, vector<16xf32>, vector<16xf32>, vector<16xf32>, vector<16xf32>
    }
    %scan3A_208 = arith.constant 25 : i32
    %swap3A_209 = arith.constant 2 : i32
    %swap3A_210 = arith.index_cast %swap3A_209 : i32 to index
    %swap3A_211 = arith.constant 0 : index
    %swap3A_212 = tpu.vector_load %arg8[%swap3A_210, %swap3A_211] {strides = array<i32>} : memref<4x128xf32, #tpu.memory_space<vmem>>, vector<1x16xf32>,
    %swap3A_213 = vector.shape_cast %swap3A_212 : vector<1x16xf32> to vector<16xf32>
    %swap3A_214 = vector.shape_cast %scan3A_207#0 : vector<16xf32> to vector<1x16xf32>
    tpu.vector_store %arg8[%swap3A_210, %swap3A_211], %swap3A_214 {strides = array<i32>} : memref<4x128xf32, #tpu.memory_space<vmem>>, vector<1x16xf32>,
    %swap3A_215 = arith.constant 2 : i32
    %swap3A_216 = arith.index_cast %swap3A_215 : i32 to index
    %swap3A_217 = arith.constant 16 : index
    %swap3A_218 = tpu.vector_load %arg8[%swap3A_216, %swap3A_217] {strides = array<i32>} : memref<4x128xf32, #tpu.memory_space<vmem>>, vector<1x16xf32>,
    %swap3A_219 = vector.shape_cast %swap3A_218 : vector<1x16xf32> to vector<16xf32>
    %swap3A_220 = vector.shape_cast %scan3A_207#1 : vector<16xf32> to vector<1x16xf32>
    tpu.vector_store %arg8[%swap3A_216, %swap3A_217], %swap3A_220 {strides = array<i32>} : memref<4x128xf32, #tpu.memory_space<vmem>>, vector<1x16xf32>,
    %swap3A_221 = arith.constant 2 : i32
    %swap3A_222 = arith.index_cast %swap3A_221 : i32 to index
    %swap3A_223 = arith.constant 32 : index
    %swap3A_224 = tpu.vector_load %arg8[%swap3A_222, %swap3A_223] {strides = array<i32>} : memref<4x128xf32, #tpu.memory_space<vmem>>, vector<1x16xf32>,
    %swap3A_225 = vector.shape_cast %swap3A_224 : vector<1x16xf32> to vector<16xf32>
    %swap3A_226 = vector.shape_cast %scan3A_207#2 : vector<16xf32> to vector<1x16xf32>
    tpu.vector_store %arg8[%swap3A_222, %swap3A_223], %swap3A_226 {strides = array<i32>} : memref<4x128xf32, #tpu.memory_space<vmem>>, vector<1x16xf32>,
    %swap3A_227 = arith.constant 2 : i32
    %swap3A_228 = arith.index_cast %swap3A_227 : i32 to index
    %swap3A_229 = arith.constant 48 : index
    %swap3A_230 = tpu.vector_load %arg8[%swap3A_228, %swap3A_229] {strides = array<i32>} : memref<4x128xf32, #tpu.memory_space<vmem>>, vector<1x16xf32>,
    %swap3A_231 = vector.shape_cast %swap3A_230 : vector<1x16xf32> to vector<16xf32>
    %swap3A_232 = vector.shape_cast %scan3A_207#3 : vector<16xf32> to vector<1x16xf32>
    tpu.vector_store %arg8[%swap3A_228, %swap3A_229], %swap3A_232 {strides = array<i32>} : memref<4x128xf32, #tpu.memory_space<vmem>>, vector<1x16xf32>,
    %swap3A_233 = arith.constant 2 : i32
    %swap3A_234 = arith.index_cast %swap3A_233 : i32 to index
    %swap3A_235 = arith.constant 64 : index
    %swap3A_236 = tpu.vector_load %arg8[%swap3A_234, %swap3A_235] {strides = array<i32>} : memref<4x128xf32, #tpu.memory_space<vmem>>, vector<1x16xf32>,
    %swap3A_237 = vector.shape_cast %swap3A_236 : vector<1x16xf32> to vector<16xf32>
    %swap3A_238 = vector.shape_cast %scan3A_207#4 : vector<16xf32> to vector<1x16xf32>
    tpu.vector_store %arg8[%swap3A_234, %swap3A_235], %swap3A_238 {strides = array<i32>} : memref<4x128xf32, #tpu.memory_space<vmem>>, vector<1x16xf32>,
    %swap3A_239 = arith.constant 2 : i32
    %swap3A_240 = arith.index_cast %swap3A_239 : i32 to index
    %swap3A_241 = arith.constant 80 : index
    %swap3A_242 = tpu.vector_load %arg8[%swap3A_240, %swap3A_241] {strides = array<i32>} : memref<4x128xf32, #tpu.memory_space<vmem>>, vector<1x16xf32>,
    %swap3A_243 = vector.shape_cast %swap3A_242 : vector<1x16xf32> to vector<16xf32>
    %swap3A_244 = vector.shape_cast %scan3A_207#5 : vector<16xf32> to vector<1x16xf32>
    tpu.vector_store %arg8[%swap3A_240, %swap3A_241], %swap3A_244 {strides = array<i32>} : memref<4x128xf32, #tpu.memory_space<vmem>>, vector<1x16xf32>,
    %swap3A_245 = arith.constant 2 : i32
    %swap3A_246 = arith.index_cast %swap3A_245 : i32 to index
    %swap3A_247 = arith.constant 96 : index
    %swap3A_248 = tpu.vector_load %arg8[%swap3A_246, %swap3A_247] {strides = array<i32>} : memref<4x128xf32, #tpu.memory_space<vmem>>, vector<1x16xf32>,
    %swap3A_249 = vector.shape_cast %swap3A_248 : vector<1x16xf32> to vector<16xf32>
    %swap3A_250 = vector.shape_cast %scan3A_207#6 : vector<16xf32> to vector<1x16xf32>
    tpu.vector_store %arg8[%swap3A_246, %swap3A_247], %swap3A_250 {strides = array<i32>} : memref<4x128xf32, #tpu.memory_space<vmem>>, vector<1x16xf32>,
    %swap3A_251 = arith.constant 2 : i32
    %swap3A_252 = arith.index_cast %swap3A_251 : i32 to index
    %swap3A_253 = arith.constant 112 : index
    %swap3A_254 = tpu.vector_load %arg8[%swap3A_252, %swap3A_253] {strides = array<i32>} : memref<4x128xf32, #tpu.memory_space<vmem>>, vector<1x16xf32>,
    %swap3A_255 = vector.shape_cast %swap3A_254 : vector<1x16xf32> to vector<16xf32>
    %swap3A_256 = vector.shape_cast %scan3A_207#7 : vector<16xf32> to vector<1x16xf32>
    tpu.vector_store %arg8[%swap3A_252, %swap3A_253], %swap3A_256 {strides = array<i32>} : memref<4x128xf32, #tpu.memory_space<vmem>>, vector<1x16xf32>,
    %dma_start3A_257 = arith.constant 0 : i32
    %dma_start3A_258 = arith.constant 0 : i32
    %dma_start3A_259 = arith.constant 0 : i32
    %dma_start3A_260 = arith.constant 0 : i32
    %dma_start3A_261 = tpu.memref_slice %arg7[%dma_start3A_257, %dma_start3A_259, %dma_start3A_260] : memref<2x125x128xf32, #tpu.memory_space<vmem>> -> memref<1x125x128xf32, #tpu.memory_space<vmem>>
    %dma_start3A_262 = tpu.memref_squeeze %dma_start3A_261 : memref<1x125x128xf32, #tpu.memory_space<vmem>> -> memref<125x128xf32, #tpu.memory_space<vmem>>
    %dma_start3A_263 = arith.constant 0 : i32
    %dma_start3A_264 = tpu.memref_slice %arg5[%mul3A_2, %dma_start3A_263] : memref<100000x128xf32, #tpu.memory_space<hbm>> -> memref<125x128xf32, #tpu.memory_space<hbm>>
    %dma_start3A_265 = tpu.memref_slice %arg9[%dma_start3A_258] : memref<2x!tpu.dma_semaphore, #tpu.memory_space<semaphore_mem>> -> memref<1x!tpu.dma_semaphore, #tpu.memory_space<semaphore_mem>>
    %dma_start3A_266 = tpu.memref_squeeze %dma_start3A_265 : memref<1x!tpu.dma_semaphore, #tpu.memory_space<semaphore_mem>> -> memref<!tpu.dma_semaphore, #tpu.memory_space<semaphore_mem>>
    %dma_start3A_267 = arith.constant 0 : i32
    %dma_start3A_268 = arith.constant 0 : i32
    %dma_start3A_269 = tpu.memref_slice %arg7[%dma_start3A_257, %dma_start3A_267, %dma_start3A_268] : memref<2x125x128xf32, #tpu.memory_space<vmem>> -> memref<1x125x128xf32, #tpu.memory_space<vmem>>
    %dma_start3A_270 = tpu.memref_squeeze %dma_start3A_269 : memref<1x125x128xf32, #tpu.memory_space<vmem>> -> memref<125x128xf32, #tpu.memory_space<vmem>>
    %dma_start3A_271 = arith.constant 0 : i32
    %dma_start3A_272 = tpu.memref_slice %arg5[%mul3A_2, %dma_start3A_271] : memref<100000x128xf32, #tpu.memory_space<hbm>> -> memref<125x128xf32, #tpu.memory_space<hbm>>
    tpu.enqueue_dma source(%dma_start3A_272 : memref<125x128xf32, #tpu.memory_space<hbm>>) target(%dma_start3A_270 : memref<125x128xf32, #tpu.memory_space<vmem>>) target_semaphore(%dma_start3A_266 : memref<!tpu.dma_semaphore, #tpu.memory_space<semaphore_mem>>)
    %broadcast_in_dim3A_273 = arith.constant 0.000000e+00 : f32
    %broadcast_in_dim3A_274 = vector.broadcast %broadcast_in_dim3A_273 : f32 to vector<16xf32>
    %broadcast_in_dim3A_275 = arith.constant 0.000000e+00 : f32
    %broadcast_in_dim3A_276 = vector.broadcast %broadcast_in_dim3A_275 : f32 to vector<16xf32>
    %broadcast_in_dim3A_277 = arith.constant 0.000000e+00 : f32
    %broadcast_in_dim3A_278 = vector.broadcast %broadcast_in_dim3A_277 : f32 to vector<16xf32>
    %broadcast_in_dim3A_279 = arith.constant 0.000000e+00 : f32
    %broadcast_in_dim3A_280 = vector.broadcast %broadcast_in_dim3A_279 : f32 to vector<16xf32>
    %broadcast_in_dim3A_281 = arith.constant 0.000000e+00 : f32
    %broadcast_in_dim3A_282 = vector.broadcast %broadcast_in_dim3A_281 : f32 to vector<16xf32>
    %broadcast_in_dim3A_283 = arith.constant 0.000000e+00 : f32
    %broadcast_in_dim3A_284 = vector.broadcast %broadcast_in_dim3A_283 : f32 to vector<16xf32>
    %broadcast_in_dim3A_285 = arith.constant 0.000000e+00 : f32
    %broadcast_in_dim3A_286 = vector.broadcast %broadcast_in_dim3A_285 : f32 to vector<16xf32>
    %broadcast_in_dim3A_287 = arith.constant 0.000000e+00 : f32
    %broadcast_in_dim3A_288 = vector.broadcast %broadcast_in_dim3A_287 : f32 to vector<16xf32>
    %scan3A_289 = arith.constant 0 : i32
    %scan3A_290 = arith.constant 25 : i32
    %scan3A_291 = arith.addi %scan3A_289, %scan3A_290 : i32
    %scan3A_292 = arith.constant 1 : i32
    %scan3A_293:8 = scf.for %scan3A_350 = %scan3A_289 to %scan3A_291 step %scan3A_292 iter_args(%scan3A_351 = %broadcast_in_dim3A_274, %scan3A_352 = %broadcast_in_dim3A_276, %scan3A_353 = %broadcast_in_dim3A_278, %scan3A_354 = %broadcast_in_dim3A_280, %scan3A_355 = %broadcast_in_dim3A_282, %scan3A_356 = %broadcast_in_dim3A_284, %scan3A_357 = %broadcast_in_dim3A_286, %scan3A_358 = %broadcast_in_dim3A_288) -> (vector<16xf32>, vector<16xf32>, vector<16xf32>, vector<16xf32>, vector<16xf32>, vector<16xf32>, vector<16xf32>, vector<16xf32>)  : i32 {
      %rem3A = arith.constant 2 : i32
      %rem3A_359 = arith.remsi %scan3A_350, %rem3A : i32
      %sub3A = arith.constant 1 : i32
      %sub3A_360 = arith.subi %sub3A, %rem3A_359 : i32
      %mul3A_361 = arith.constant 125 : i32
      %mul3A_362 = arith.muli %scan3A_350, %mul3A_361 : i32
      %add3A_363 = arith.addi %mul3A_2, %mul3A_362 : i32
      %dma_wait3A = arith.constant 0 : i32
      %dma_wait3A_364 = arith.constant 0 : i32
      %dma_wait3A_365 = tpu.memref_slice %arg7[%rem3A_359, %dma_wait3A, %dma_wait3A_364] : memref<2x125x128xf32, #tpu.memory_space<vmem>> -> memref<1x125x128xf32, #tpu.memory_space<vmem>>
      %dma_wait3A_366 = tpu.memref_squeeze %dma_wait3A_365 : memref<1x125x128xf32, #tpu.memory_space<vmem>> -> memref<125x128xf32, #tpu.memory_space<vmem>>
      %dma_wait3A_367 = arith.constant 0 : i32
      %dma_wait3A_368 = tpu.memref_slice %arg5[%add3A_363, %dma_wait3A_367] : memref<100000x128xf32, #tpu.memory_space<hbm>> -> memref<125x128xf32, #tpu.memory_space<hbm>>
      %dma_wait3A_369 = tpu.memref_slice %arg9[%rem3A_359] : memref<2x!tpu.dma_semaphore, #tpu.memory_space<semaphore_mem>> -> memref<1x!tpu.dma_semaphore, #tpu.memory_space<semaphore_mem>>
      %dma_wait3A_370 = tpu.memref_squeeze %dma_wait3A_369 : memref<1x!tpu.dma_semaphore, #tpu.memory_space<semaphore_mem>> -> memref<!tpu.dma_semaphore, #tpu.memory_space<semaphore_mem>>
      %dma_wait3A_371 = arith.constant 0 : i32
      %dma_wait3A_372 = arith.constant 0 : i32
      %dma_wait3A_373 = tpu.memref_slice %arg7[%rem3A_359, %dma_wait3A_371, %dma_wait3A_372] : memref<2x125x128xf32, #tpu.memory_space<vmem>> -> memref<1x125x128xf32, #tpu.memory_space<vmem>>
      %dma_wait3A_374 = tpu.memref_squeeze %dma_wait3A_373 : memref<1x125x128xf32, #tpu.memory_space<vmem>> -> memref<125x128xf32, #tpu.memory_space<vmem>>
      %dma_wait3A_375 = arith.constant 0 : i32
      %dma_wait3A_376 = tpu.memref_slice %arg5[%add3A_363, %dma_wait3A_375] : memref<100000x128xf32, #tpu.memory_space<hbm>> -> memref<125x128xf32, #tpu.memory_space<hbm>>
      tpu.wait_dma2 semaphore(%dma_wait3A_370 : memref<!tpu.dma_semaphore, #tpu.memory_space<semaphore_mem>>) src(%dma_wait3A_376 : memref<125x128xf32, #tpu.memory_space<hbm>>) dst(%dma_wait3A_374 : memref<125x128xf32, #tpu.memory_space<vmem>>)
      %add3A_377 = arith.constant 1 : i32
      %add3A_378 = arith.addi %scan3A_350, %add3A_377 : i32
      %lt3A = arith.constant 25 : i32
      %lt3A_379 = arith.cmpi slt, %add3A_378, %lt3A : i32
      %convert_element_type3A = arith.extui %lt3A_379 : i1 to i32
      %cond3A = arith.constant 0 : i32
      %cond3A_380 = arith.cmpi ne, %convert_element_type3A, %cond3A : i32
      scf.if %cond3A_380 {
        %add3A_387 = arith.constant 1 : i32
        %add3A_388 = arith.addi %scan3A_350, %add3A_387 : i32
        %mul3A_389 = arith.constant 125 : i32
        %mul3A_390 = arith.muli %add3A_388, %mul3A_389 : i32
        %add3A_391 = arith.addi %mul3A_2, %mul3A_390 : i32
        %dma_start3A_392 = arith.constant 0 : i32
        %dma_start3A_393 = arith.constant 0 : i32
        %dma_start3A_394 = tpu.memref_slice %arg7[%sub3A_360, %dma_start3A_392, %dma_start3A_393] : memref<2x125x128xf32, #tpu.memory_space<vmem>> -> memref<1x125x128xf32, #tpu.memory_space<vmem>>
        %dma_start3A_395 = tpu.memref_squeeze %dma_start3A_394 : memref<1x125x128xf32, #tpu.memory_space<vmem>> -> memref<125x128xf32, #tpu.memory_space<vmem>>
        %dma_start3A_396 = arith.constant 0 : i32
        %dma_start3A_397 = tpu.memref_slice %arg5[%add3A_391, %dma_start3A_396] : memref<100000x128xf32, #tpu.memory_space<hbm>> -> memref<125x128xf32, #tpu.memory_space<hbm>>
        %dma_start3A_398 = tpu.memref_slice %arg9[%sub3A_360] : memref<2x!tpu.dma_semaphore, #tpu.memory_space<semaphore_mem>> -> memref<1x!tpu.dma_semaphore, #tpu.memory_space<semaphore_mem>>
        %dma_start3A_399 = tpu.memref_squeeze %dma_start3A_398 : memref<1x!tpu.dma_semaphore, #tpu.memory_space<semaphore_mem>> -> memref<!tpu.dma_semaphore, #tpu.memory_space<semaphore_mem>>
        %dma_start3A_400 = arith.constant 0 : i32
        %dma_start3A_401 = arith.constant 0 : i32
        %dma_start3A_402 = tpu.memref_slice %arg7[%sub3A_360, %dma_start3A_400, %dma_start3A_401] : memref<2x125x128xf32, #tpu.memory_space<vmem>> -> memref<1x125x128xf32, #tpu.memory_space<vmem>>
        %dma_start3A_403 = tpu.memref_squeeze %dma_start3A_402 : memref<1x125x128xf32, #tpu.memory_space<vmem>> -> memref<125x128xf32, #tpu.memory_space<vmem>>
        %dma_start3A_404 = arith.constant 0 : i32
        %dma_start3A_405 = tpu.memref_slice %arg5[%add3A_391, %dma_start3A_404] : memref<100000x128xf32, #tpu.memory_space<hbm>> -> memref<125x128xf32, #tpu.memory_space<hbm>>
        tpu.enqueue_dma source(%dma_start3A_405 : memref<125x128xf32, #tpu.memory_space<hbm>>) target(%dma_start3A_403 : memref<125x128xf32, #tpu.memory_space<vmem>>) target_semaphore(%dma_start3A_399 : memref<!tpu.dma_semaphore, #tpu.memory_space<semaphore_mem>>)
      } else {
      }
      %scan3A_381 = arith.constant 0 : i32
      %scan3A_382 = arith.constant 25 : i32
      %scan3A_383 = arith.addi %scan3A_381, %scan3A_382 : i32
      %scan3A_384 = arith.constant 1 : i32
      %scan3A_385:8 = scf.for %scan3A_387 = %scan3A_381 to %scan3A_383 step %scan3A_384 iter_args(%scan3A_388 = %scan3A_351, %scan3A_389 = %scan3A_352, %scan3A_390 = %scan3A_353, %scan3A_391 = %scan3A_354, %scan3A_392 = %scan3A_355, %scan3A_393 = %scan3A_356, %scan3A_394 = %scan3A_357, %scan3A_395 = %scan3A_358) -> (vector<16xf32>, vector<16xf32>, vector<16xf32>, vector<16xf32>, vector<16xf32>, vector<16xf32>, vector<16xf32>, vector<16xf32>)  : i32 {
        %mul3A_396 = arith.constant 5 : i32
        %mul3A_397 = arith.muli %scan3A_387, %mul3A_396 : i32
        %add3A_398 = arith.constant 0 : i32
        %add3A_399 = arith.addi %mul3A_397, %add3A_398 : i32
        %get3A = arith.index_cast %rem3A_359 : i32 to index
        %get3A_400 = arith.index_cast %add3A_399 : i32 to index
        %get3A_401 = arith.constant 0 : index
        %get3A_402 = tpu.vector_load %arg7[%get3A, %get3A_400, %get3A_401] {strides = array<i32>} : memref<2x125x128xf32, #tpu.memory_space<vmem>>, vector<1x1x16xf32>,
        %get3A_403 = vector.shape_cast %get3A_402 : vector<1x1x16xf32> to vector<16xf32>
        %add3A_404 = arith.addf %scan3A_388, %get3A_403 : vector<16xf32>
        %add3A_405 = arith.constant 0 : i32
        %add3A_406 = arith.addi %mul3A_397, %add3A_405 : i32
        %get3A_407 = arith.index_cast %rem3A_359 : i32 to index
        %get3A_408 = arith.index_cast %add3A_406 : i32 to index
        %get3A_409 = arith.constant 16 : index
        %get3A_410 = tpu.vector_load %arg7[%get3A_407, %get3A_408, %get3A_409] {strides = array<i32>} : memref<2x125x128xf32, #tpu.memory_space<vmem>>, vector<1x1x16xf32>,
        %get3A_411 = vector.shape_cast %get3A_410 : vector<1x1x16xf32> to vector<16xf32>
        %add3A_412 = arith.addf %scan3A_389, %get3A_411 : vector<16xf32>
        %add3A_413 = arith.constant 0 : i32
        %add3A_414 = arith.addi %mul3A_397, %add3A_413 : i32
        %get3A_415 = arith.index_cast %rem3A_359 : i32 to index
        %get3A_416 = arith.index_cast %add3A_414 : i32 to index
        %get3A_417 = arith.constant 32 : index
        %get3A_418 = tpu.vector_load %arg7[%get3A_415, %get3A_416, %get3A_417] {strides = array<i32>} : memref<2x125x128xf32, #tpu.memory_space<vmem>>, vector<1x1x16xf32>,
        %get3A_419 = vector.shape_cast %get3A_418 : vector<1x1x16xf32> to vector<16xf32>
        %add3A_420 = arith.addf %scan3A_390, %get3A_419 : vector<16xf32>
        %add3A_421 = arith.constant 0 : i32
        %add3A_422 = arith.addi %mul3A_397, %add3A_421 : i32
        %get3A_423 = arith.index_cast %rem3A_359 : i32 to index
        %get3A_424 = arith.index_cast %add3A_422 : i32 to index
        %get3A_425 = arith.constant 48 : index
        %get3A_426 = tpu.vector_load %arg7[%get3A_423, %get3A_424, %get3A_425] {strides = array<i32>} : memref<2x125x128xf32, #tpu.memory_space<vmem>>, vector<1x1x16xf32>,
        %get3A_427 = vector.shape_cast %get3A_426 : vector<1x1x16xf32> to vector<16xf32>
        %add3A_428 = arith.addf %scan3A_391, %get3A_427 : vector<16xf32>
        %add3A_429 = arith.constant 0 : i32
        %add3A_430 = arith.addi %mul3A_397, %add3A_429 : i32
        %get3A_431 = arith.index_cast %rem3A_359 : i32 to index
        %get3A_432 = arith.index_cast %add3A_430 : i32 to index
        %get3A_433 = arith.constant 64 : index
        %get3A_434 = tpu.vector_load %arg7[%get3A_431, %get3A_432, %get3A_433] {strides = array<i32>} : memref<2x125x128xf32, #tpu.memory_space<vmem>>, vector<1x1x16xf32>,
        %get3A_435 = vector.shape_cast %get3A_434 : vector<1x1x16xf32> to vector<16xf32>
        %add3A_436 = arith.addf %scan3A_392, %get3A_435 : vector<16xf32>
        %add3A_437 = arith.constant 0 : i32
        %add3A_438 = arith.addi %mul3A_397, %add3A_437 : i32
        %get3A_439 = arith.index_cast %rem3A_359 : i32 to index
        %get3A_440 = arith.index_cast %add3A_438 : i32 to index
        %get3A_441 = arith.constant 80 : index
        %get3A_442 = tpu.vector_load %arg7[%get3A_439, %get3A_440, %get3A_441] {strides = array<i32>} : memref<2x125x128xf32, #tpu.memory_space<vmem>>, vector<1x1x16xf32>,
        %get3A_443 = vector.shape_cast %get3A_442 : vector<1x1x16xf32> to vector<16xf32>
        %add3A_444 = arith.addf %scan3A_393, %get3A_443 : vector<16xf32>
        %add3A_445 = arith.constant 0 : i32
        %add3A_446 = arith.addi %mul3A_397, %add3A_445 : i32
        %get3A_447 = arith.index_cast %rem3A_359 : i32 to index
        %get3A_448 = arith.index_cast %add3A_446 : i32 to index
        %get3A_449 = arith.constant 96 : index
        %get3A_450 = tpu.vector_load %arg7[%get3A_447, %get3A_448, %get3A_449] {strides = array<i32>} : memref<2x125x128xf32, #tpu.memory_space<vmem>>, vector<1x1x16xf32>,
        %get3A_451 = vector.shape_cast %get3A_450 : vector<1x1x16xf32> to vector<16xf32>
        %add3A_452 = arith.addf %scan3A_394, %get3A_451 : vector<16xf32>
        %add3A_453 = arith.constant 0 : i32
        %add3A_454 = arith.addi %mul3A_397, %add3A_453 : i32
        %get3A_455 = arith.index_cast %rem3A_359 : i32 to index
        %get3A_456 = arith.index_cast %add3A_454 : i32 to index
        %get3A_457 = arith.constant 112 : index
        %get3A_458 = tpu.vector_load %arg7[%get3A_455, %get3A_456, %get3A_457] {strides = array<i32>} : memref<2x125x128xf32, #tpu.memory_space<vmem>>, vector<1x1x16xf32>,
        %get3A_459 = vector.shape_cast %get3A_458 : vector<1x1x16xf32> to vector<16xf32>
        %add3A_460 = arith.addf %scan3A_395, %get3A_459 : vector<16xf32>
        %add3A_461 = arith.constant 1 : i32
        %add3A_462 = arith.addi %mul3A_397, %add3A_461 : i32
        %get3A_463 = arith.index_cast %rem3A_359 : i32 to index
        %get3A_464 = arith.index_cast %add3A_462 : i32 to index
        %get3A_465 = arith.constant 0 : index
        %get3A_466 = tpu.vector_load %arg7[%get3A_463, %get3A_464, %get3A_465] {strides = array<i32>} : memref<2x125x128xf32, #tpu.memory_space<vmem>>, vector<1x1x16xf32>,
        %get3A_467 = vector.shape_cast %get3A_466 : vector<1x1x16xf32> to vector<16xf32>
        %add3A_468 = arith.addf %add3A_404, %get3A_467 : vector<16xf32>
        %add3A_469 = arith.constant 1 : i32
        %add3A_470 = arith.addi %mul3A_397, %add3A_469 : i32
        %get3A_471 = arith.index_cast %rem3A_359 : i32 to index
        %get3A_472 = arith.index_cast %add3A_470 : i32 to index
        %get3A_473 = arith.constant 16 : index
        %get3A_474 = tpu.vector_load %arg7[%get3A_471, %get3A_472, %get3A_473] {strides = array<i32>} : memref<2x125x128xf32, #tpu.memory_space<vmem>>, vector<1x1x16xf32>,
        %get3A_475 = vector.shape_cast %get3A_474 : vector<1x1x16xf32> to vector<16xf32>
        %add3A_476 = arith.addf %add3A_412, %get3A_475 : vector<16xf32>
        %add3A_477 = arith.constant 1 : i32
        %add3A_478 = arith.addi %mul3A_397, %add3A_477 : i32
        %get3A_479 = arith.index_cast %rem3A_359 : i32 to index
        %get3A_480 = arith.index_cast %add3A_478 : i32 to index
        %get3A_481 = arith.constant 32 : index
        %get3A_482 = tpu.vector_load %arg7[%get3A_479, %get3A_480, %get3A_481] {strides = array<i32>} : memref<2x125x128xf32, #tpu.memory_space<vmem>>, vector<1x1x16xf32>,
        %get3A_483 = vector.shape_cast %get3A_482 : vector<1x1x16xf32> to vector<16xf32>
        %add3A_484 = arith.addf %add3A_420, %get3A_483 : vector<16xf32>
        %add3A_485 = arith.constant 1 : i32
        %add3A_486 = arith.addi %mul3A_397, %add3A_485 : i32
        %get3A_487 = arith.index_cast %rem3A_359 : i32 to index
        %get3A_488 = arith.index_cast %add3A_486 : i32 to index
        %get3A_489 = arith.constant 48 : index
        %get3A_490 = tpu.vector_load %arg7[%get3A_487, %get3A_488, %get3A_489] {strides = array<i32>} : memref<2x125x128xf32, #tpu.memory_space<vmem>>, vector<1x1x16xf32>,
        %get3A_491 = vector.shape_cast %get3A_490 : vector<1x1x16xf32> to vector<16xf32>
        %add3A_492 = arith.addf %add3A_428, %get3A_491 : vector<16xf32>
        %add3A_493 = arith.constant 1 : i32
        %add3A_494 = arith.addi %mul3A_397, %add3A_493 : i32
        %get3A_495 = arith.index_cast %rem3A_359 : i32 to index
        %get3A_496 = arith.index_cast %add3A_494 : i32 to index
        %get3A_497 = arith.constant 64 : index
        %get3A_498 = tpu.vector_load %arg7[%get3A_495, %get3A_496, %get3A_497] {strides = array<i32>} : memref<2x125x128xf32, #tpu.memory_space<vmem>>, vector<1x1x16xf32>,
        %get3A_499 = vector.shape_cast %get3A_498 : vector<1x1x16xf32> to vector<16xf32>
        %add3A_500 = arith.addf %add3A_436, %get3A_499 : vector<16xf32>
        %add3A_501 = arith.constant 1 : i32
        %add3A_502 = arith.addi %mul3A_397, %add3A_501 : i32
        %get3A_503 = arith.index_cast %rem3A_359 : i32 to index
        %get3A_504 = arith.index_cast %add3A_502 : i32 to index
        %get3A_505 = arith.constant 80 : index
        %get3A_506 = tpu.vector_load %arg7[%get3A_503, %get3A_504, %get3A_505] {strides = array<i32>} : memref<2x125x128xf32, #tpu.memory_space<vmem>>, vector<1x1x16xf32>,
        %get3A_507 = vector.shape_cast %get3A_506 : vector<1x1x16xf32> to vector<16xf32>
        %add3A_508 = arith.addf %add3A_444, %get3A_507 : vector<16xf32>
        %add3A_509 = arith.constant 1 : i32
        %add3A_510 = arith.addi %mul3A_397, %add3A_509 : i32
        %get3A_511 = arith.index_cast %rem3A_359 : i32 to index
        %get3A_512 = arith.index_cast %add3A_510 : i32 to index
        %get3A_513 = arith.constant 96 : index
        %get3A_514 = tpu.vector_load %arg7[%get3A_511, %get3A_512, %get3A_513] {strides = array<i32>} : memref<2x125x128xf32, #tpu.memory_space<vmem>>, vector<1x1x16xf32>,
        %get3A_515 = vector.shape_cast %get3A_514 : vector<1x1x16xf32> to vector<16xf32>
        %add3A_516 = arith.addf %add3A_452, %get3A_515 : vector<16xf32>
        %add3A_517 = arith.constant 1 : i32
        %add3A_518 = arith.addi %mul3A_397, %add3A_517 : i32
        %get3A_519 = arith.index_cast %rem3A_359 : i32 to index
        %get3A_520 = arith.index_cast %add3A_518 : i32 to index
        %get3A_521 = arith.constant 112 : index
        %get3A_522 = tpu.vector_load %arg7[%get3A_519, %get3A_520, %get3A_521] {strides = array<i32>} : memref<2x125x128xf32, #tpu.memory_space<vmem>>, vector<1x1x16xf32>,
        %get3A_523 = vector.shape_cast %get3A_522 : vector<1x1x16xf32> to vector<16xf32>
        %add3A_524 = arith.addf %add3A_460, %get3A_523 : vector<16xf32>
        %add3A_525 = arith.constant 2 : i32
        %add3A_526 = arith.addi %mul3A_397, %add3A_525 : i32
        %get3A_527 = arith.index_cast %rem3A_359 : i32 to index
        %get3A_528 = arith.index_cast %add3A_526 : i32 to index
        %get3A_529 = arith.constant 0 : index
        %get3A_530 = tpu.vector_load %arg7[%get3A_527, %get3A_528, %get3A_529] {strides = array<i32>} : memref<2x125x128xf32, #tpu.memory_space<vmem>>, vector<1x1x16xf32>,
        %get3A_531 = vector.shape_cast %get3A_530 : vector<1x1x16xf32> to vector<16xf32>
        %add3A_532 = arith.addf %add3A_468, %get3A_531 : vector<16xf32>
        %add3A_533 = arith.constant 2 : i32
        %add3A_534 = arith.addi %mul3A_397, %add3A_533 : i32
        %get3A_535 = arith.index_cast %rem3A_359 : i32 to index
        %get3A_536 = arith.index_cast %add3A_534 : i32 to index
        %get3A_537 = arith.constant 16 : index
        %get3A_538 = tpu.vector_load %arg7[%get3A_535, %get3A_536, %get3A_537] {strides = array<i32>} : memref<2x125x128xf32, #tpu.memory_space<vmem>>, vector<1x1x16xf32>,
        %get3A_539 = vector.shape_cast %get3A_538 : vector<1x1x16xf32> to vector<16xf32>
        %add3A_540 = arith.addf %add3A_476, %get3A_539 : vector<16xf32>
        %add3A_541 = arith.constant 2 : i32
        %add3A_542 = arith.addi %mul3A_397, %add3A_541 : i32
        %get3A_543 = arith.index_cast %rem3A_359 : i32 to index
        %get3A_544 = arith.index_cast %add3A_542 : i32 to index
        %get3A_545 = arith.constant 32 : index
        %get3A_546 = tpu.vector_load %arg7[%get3A_543, %get3A_544, %get3A_545] {strides = array<i32>} : memref<2x125x128xf32, #tpu.memory_space<vmem>>, vector<1x1x16xf32>,
        %get3A_547 = vector.shape_cast %get3A_546 : vector<1x1x16xf32> to vector<16xf32>
        %add3A_548 = arith.addf %add3A_484, %get3A_547 : vector<16xf32>
        %add3A_549 = arith.constant 2 : i32
        %add3A_550 = arith.addi %mul3A_397, %add3A_549 : i32
        %get3A_551 = arith.index_cast %rem3A_359 : i32 to index
        %get3A_552 = arith.index_cast %add3A_550 : i32 to index
        %get3A_553 = arith.constant 48 : index
        %get3A_554 = tpu.vector_load %arg7[%get3A_551, %get3A_552, %get3A_553] {strides = array<i32>} : memref<2x125x128xf32, #tpu.memory_space<vmem>>, vector<1x1x16xf32>,
        %get3A_555 = vector.shape_cast %get3A_554 : vector<1x1x16xf32> to vector<16xf32>
        %add3A_556 = arith.addf %add3A_492, %get3A_555 : vector<16xf32>
        %add3A_557 = arith.constant 2 : i32
        %add3A_558 = arith.addi %mul3A_397, %add3A_557 : i32
        %get3A_559 = arith.index_cast %rem3A_359 : i32 to index
        %get3A_560 = arith.index_cast %add3A_558 : i32 to index
        %get3A_561 = arith.constant 64 : index
        %get3A_562 = tpu.vector_load %arg7[%get3A_559, %get3A_560, %get3A_561] {strides = array<i32>} : memref<2x125x128xf32, #tpu.memory_space<vmem>>, vector<1x1x16xf32>,
        %get3A_563 = vector.shape_cast %get3A_562 : vector<1x1x16xf32> to vector<16xf32>
        %add3A_564 = arith.addf %add3A_500, %get3A_563 : vector<16xf32>
        %add3A_565 = arith.constant 2 : i32
        %add3A_566 = arith.addi %mul3A_397, %add3A_565 : i32
        %get3A_567 = arith.index_cast %rem3A_359 : i32 to index
        %get3A_568 = arith.index_cast %add3A_566 : i32 to index
        %get3A_569 = arith.constant 80 : index
        %get3A_570 = tpu.vector_load %arg7[%get3A_567, %get3A_568, %get3A_569] {strides = array<i32>} : memref<2x125x128xf32, #tpu.memory_space<vmem>>, vector<1x1x16xf32>,
        %get3A_571 = vector.shape_cast %get3A_570 : vector<1x1x16xf32> to vector<16xf32>
        %add3A_572 = arith.addf %add3A_508, %get3A_571 : vector<16xf32>
        %add3A_573 = arith.constant 2 : i32
        %add3A_574 = arith.addi %mul3A_397, %add3A_573 : i32
        %get3A_575 = arith.index_cast %rem3A_359 : i32 to index
        %get3A_576 = arith.index_cast %add3A_574 : i32 to index
        %get3A_577 = arith.constant 96 : index
        %get3A_578 = tpu.vector_load %arg7[%get3A_575, %get3A_576, %get3A_577] {strides = array<i32>} : memref<2x125x128xf32, #tpu.memory_space<vmem>>, vector<1x1x16xf32>,
        %get3A_579 = vector.shape_cast %get3A_578 : vector<1x1x16xf32> to vector<16xf32>
        %add3A_580 = arith.addf %add3A_516, %get3A_579 : vector<16xf32>
        %add3A_581 = arith.constant 2 : i32
        %add3A_582 = arith.addi %mul3A_397, %add3A_581 : i32
        %get3A_583 = arith.index_cast %rem3A_359 : i32 to index
        %get3A_584 = arith.index_cast %add3A_582 : i32 to index
        %get3A_585 = arith.constant 112 : index
        %get3A_586 = tpu.vector_load %arg7[%get3A_583, %get3A_584, %get3A_585] {strides = array<i32>} : memref<2x125x128xf32, #tpu.memory_space<vmem>>, vector<1x1x16xf32>,
        %get3A_587 = vector.shape_cast %get3A_586 : vector<1x1x16xf32> to vector<16xf32>
        %add3A_588 = arith.addf %add3A_524, %get3A_587 : vector<16xf32>
        %add3A_589 = arith.constant 3 : i32
        %add3A_590 = arith.addi %mul3A_397, %add3A_589 : i32
        %get3A_591 = arith.index_cast %rem3A_359 : i32 to index
        %get3A_592 = arith.index_cast %add3A_590 : i32 to index
        %get3A_593 = arith.constant 0 : index
        %get3A_594 = tpu.vector_load %arg7[%get3A_591, %get3A_592, %get3A_593] {strides = array<i32>} : memref<2x125x128xf32, #tpu.memory_space<vmem>>, vector<1x1x16xf32>,
        %get3A_595 = vector.shape_cast %get3A_594 : vector<1x1x16xf32> to vector<16xf32>
        %add3A_596 = arith.addf %add3A_532, %get3A_595 : vector<16xf32>
        %add3A_597 = arith.constant 3 : i32
        %add3A_598 = arith.addi %mul3A_397, %add3A_597 : i32
        %get3A_599 = arith.index_cast %rem3A_359 : i32 to index
        %get3A_600 = arith.index_cast %add3A_598 : i32 to index
        %get3A_601 = arith.constant 16 : index
        %get3A_602 = tpu.vector_load %arg7[%get3A_599, %get3A_600, %get3A_601] {strides = array<i32>} : memref<2x125x128xf32, #tpu.memory_space<vmem>>, vector<1x1x16xf32>,
        %get3A_603 = vector.shape_cast %get3A_602 : vector<1x1x16xf32> to vector<16xf32>
        %add3A_604 = arith.addf %add3A_540, %get3A_603 : vector<16xf32>
        %add3A_605 = arith.constant 3 : i32
        %add3A_606 = arith.addi %mul3A_397, %add3A_605 : i32
        %get3A_607 = arith.index_cast %rem3A_359 : i32 to index
        %get3A_608 = arith.index_cast %add3A_606 : i32 to index
        %get3A_609 = arith.constant 32 : index
        %get3A_610 = tpu.vector_load %arg7[%get3A_607, %get3A_608, %get3A_609] {strides = array<i32>} : memref<2x125x128xf32, #tpu.memory_space<vmem>>, vector<1x1x16xf32>,
        %get3A_611 = vector.shape_cast %get3A_610 : vector<1x1x16xf32> to vector<16xf32>
        %add3A_612 = arith.addf %add3A_548, %get3A_611 : vector<16xf32>
        %add3A_613 = arith.constant 3 : i32
        %add3A_614 = arith.addi %mul3A_397, %add3A_613 : i32
        %get3A_615 = arith.index_cast %rem3A_359 : i32 to index
        %get3A_616 = arith.index_cast %add3A_614 : i32 to index
        %get3A_617 = arith.constant 48 : index
        %get3A_618 = tpu.vector_load %arg7[%get3A_615, %get3A_616, %get3A_617] {strides = array<i32>} : memref<2x125x128xf32, #tpu.memory_space<vmem>>, vector<1x1x16xf32>,
        %get3A_619 = vector.shape_cast %get3A_618 : vector<1x1x16xf32> to vector<16xf32>
        %add3A_620 = arith.addf %add3A_556, %get3A_619 : vector<16xf32>
        %add3A_621 = arith.constant 3 : i32
        %add3A_622 = arith.addi %mul3A_397, %add3A_621 : i32
        %get3A_623 = arith.index_cast %rem3A_359 : i32 to index
        %get3A_624 = arith.index_cast %add3A_622 : i32 to index
        %get3A_625 = arith.constant 64 : index
        %get3A_626 = tpu.vector_load %arg7[%get3A_623, %get3A_624, %get3A_625] {strides = array<i32>} : memref<2x125x128xf32, #tpu.memory_space<vmem>>, vector<1x1x16xf32>,
        %get3A_627 = vector.shape_cast %get3A_626 : vector<1x1x16xf32> to vector<16xf32>
        %add3A_628 = arith.addf %add3A_564, %get3A_627 : vector<16xf32>
        %add3A_629 = arith.constant 3 : i32
        %add3A_630 = arith.addi %mul3A_397, %add3A_629 : i32
        %get3A_631 = arith.index_cast %rem3A_359 : i32 to index
        %get3A_632 = arith.index_cast %add3A_630 : i32 to index
        %get3A_633 = arith.constant 80 : index
        %get3A_634 = tpu.vector_load %arg7[%get3A_631, %get3A_632, %get3A_633] {strides = array<i32>} : memref<2x125x128xf32, #tpu.memory_space<vmem>>, vector<1x1x16xf32>,
        %get3A_635 = vector.shape_cast %get3A_634 : vector<1x1x16xf32> to vector<16xf32>
        %add3A_636 = arith.addf %add3A_572, %get3A_635 : vector<16xf32>
        %add3A_637 = arith.constant 3 : i32
        %add3A_638 = arith.addi %mul3A_397, %add3A_637 : i32
        %get3A_639 = arith.index_cast %rem3A_359 : i32 to index
        %get3A_640 = arith.index_cast %add3A_638 : i32 to index
        %get3A_641 = arith.constant 96 : index
        %get3A_642 = tpu.vector_load %arg7[%get3A_639, %get3A_640, %get3A_641] {strides = array<i32>} : memref<2x125x128xf32, #tpu.memory_space<vmem>>, vector<1x1x16xf32>,
        %get3A_643 = vector.shape_cast %get3A_642 : vector<1x1x16xf32> to vector<16xf32>
        %add3A_644 = arith.addf %add3A_580, %get3A_643 : vector<16xf32>
        %add3A_645 = arith.constant 3 : i32
        %add3A_646 = arith.addi %mul3A_397, %add3A_645 : i32
        %get3A_647 = arith.index_cast %rem3A_359 : i32 to index
        %get3A_648 = arith.index_cast %add3A_646 : i32 to index
        %get3A_649 = arith.constant 112 : index
        %get3A_650 = tpu.vector_load %arg7[%get3A_647, %get3A_648, %get3A_649] {strides = array<i32>} : memref<2x125x128xf32, #tpu.memory_space<vmem>>, vector<1x1x16xf32>,
        %get3A_651 = vector.shape_cast %get3A_650 : vector<1x1x16xf32> to vector<16xf32>
        %add3A_652 = arith.addf %add3A_588, %get3A_651 : vector<16xf32>
        %add3A_653 = arith.constant 4 : i32
        %add3A_654 = arith.addi %mul3A_397, %add3A_653 : i32
        %get3A_655 = arith.index_cast %rem3A_359 : i32 to index
        %get3A_656 = arith.index_cast %add3A_654 : i32 to index
        %get3A_657 = arith.constant 0 : index
        %get3A_658 = tpu.vector_load %arg7[%get3A_655, %get3A_656, %get3A_657] {strides = array<i32>} : memref<2x125x128xf32, #tpu.memory_space<vmem>>, vector<1x1x16xf32>,
        %get3A_659 = vector.shape_cast %get3A_658 : vector<1x1x16xf32> to vector<16xf32>
        %add3A_660 = arith.addf %add3A_596, %get3A_659 : vector<16xf32>
        %add3A_661 = arith.constant 4 : i32
        %add3A_662 = arith.addi %mul3A_397, %add3A_661 : i32
        %get3A_663 = arith.index_cast %rem3A_359 : i32 to index
        %get3A_664 = arith.index_cast %add3A_662 : i32 to index
        %get3A_665 = arith.constant 16 : index
        %get3A_666 = tpu.vector_load %arg7[%get3A_663, %get3A_664, %get3A_665] {strides = array<i32>} : memref<2x125x128xf32, #tpu.memory_space<vmem>>, vector<1x1x16xf32>,
        %get3A_667 = vector.shape_cast %get3A_666 : vector<1x1x16xf32> to vector<16xf32>
        %add3A_668 = arith.addf %add3A_604, %get3A_667 : vector<16xf32>
        %add3A_669 = arith.constant 4 : i32
        %add3A_670 = arith.addi %mul3A_397, %add3A_669 : i32
        %get3A_671 = arith.index_cast %rem3A_359 : i32 to index
        %get3A_672 = arith.index_cast %add3A_670 : i32 to index
        %get3A_673 = arith.constant 32 : index
        %get3A_674 = tpu.vector_load %arg7[%get3A_671, %get3A_672, %get3A_673] {strides = array<i32>} : memref<2x125x128xf32, #tpu.memory_space<vmem>>, vector<1x1x16xf32>,
        %get3A_675 = vector.shape_cast %get3A_674 : vector<1x1x16xf32> to vector<16xf32>
        %add3A_676 = arith.addf %add3A_612, %get3A_675 : vector<16xf32>
        %add3A_677 = arith.constant 4 : i32
        %add3A_678 = arith.addi %mul3A_397, %add3A_677 : i32
        %get3A_679 = arith.index_cast %rem3A_359 : i32 to index
        %get3A_680 = arith.index_cast %add3A_678 : i32 to index
        %get3A_681 = arith.constant 48 : index
        %get3A_682 = tpu.vector_load %arg7[%get3A_679, %get3A_680, %get3A_681] {strides = array<i32>} : memref<2x125x128xf32, #tpu.memory_space<vmem>>, vector<1x1x16xf32>,
        %get3A_683 = vector.shape_cast %get3A_682 : vector<1x1x16xf32> to vector<16xf32>
        %add3A_684 = arith.addf %add3A_620, %get3A_683 : vector<16xf32>
        %add3A_685 = arith.constant 4 : i32
        %add3A_686 = arith.addi %mul3A_397, %add3A_685 : i32
        %get3A_687 = arith.index_cast %rem3A_359 : i32 to index
        %get3A_688 = arith.index_cast %add3A_686 : i32 to index
        %get3A_689 = arith.constant 64 : index
        %get3A_690 = tpu.vector_load %arg7[%get3A_687, %get3A_688, %get3A_689] {strides = array<i32>} : memref<2x125x128xf32, #tpu.memory_space<vmem>>, vector<1x1x16xf32>,
        %get3A_691 = vector.shape_cast %get3A_690 : vector<1x1x16xf32> to vector<16xf32>
        %add3A_692 = arith.addf %add3A_628, %get3A_691 : vector<16xf32>
        %add3A_693 = arith.constant 4 : i32
        %add3A_694 = arith.addi %mul3A_397, %add3A_693 : i32
        %get3A_695 = arith.index_cast %rem3A_359 : i32 to index
        %get3A_696 = arith.index_cast %add3A_694 : i32 to index
        %get3A_697 = arith.constant 80 : index
        %get3A_698 = tpu.vector_load %arg7[%get3A_695, %get3A_696, %get3A_697] {strides = array<i32>} : memref<2x125x128xf32, #tpu.memory_space<vmem>>, vector<1x1x16xf32>,
        %get3A_699 = vector.shape_cast %get3A_698 : vector<1x1x16xf32> to vector<16xf32>
        %add3A_700 = arith.addf %add3A_636, %get3A_699 : vector<16xf32>
        %add3A_701 = arith.constant 4 : i32
        %add3A_702 = arith.addi %mul3A_397, %add3A_701 : i32
        %get3A_703 = arith.index_cast %rem3A_359 : i32 to index
        %get3A_704 = arith.index_cast %add3A_702 : i32 to index
        %get3A_705 = arith.constant 96 : index
        %get3A_706 = tpu.vector_load %arg7[%get3A_703, %get3A_704, %get3A_705] {strides = array<i32>} : memref<2x125x128xf32, #tpu.memory_space<vmem>>, vector<1x1x16xf32>,
        %get3A_707 = vector.shape_cast %get3A_706 : vector<1x1x16xf32> to vector<16xf32>
        %add3A_708 = arith.addf %add3A_644, %get3A_707 : vector<16xf32>
        %add3A_709 = arith.constant 4 : i32
        %add3A_710 = arith.addi %mul3A_397, %add3A_709 : i32
        %get3A_711 = arith.index_cast %rem3A_359 : i32 to index
        %get3A_712 = arith.index_cast %add3A_710 : i32 to index
        %get3A_713 = arith.constant 112 : index
        %get3A_714 = tpu.vector_load %arg7[%get3A_711, %get3A_712, %get3A_713] {strides = array<i32>} : memref<2x125x128xf32, #tpu.memory_space<vmem>>, vector<1x1x16xf32>,
        %get3A_715 = vector.shape_cast %get3A_714 : vector<1x1x16xf32> to vector<16xf32>
        %add3A_716 = arith.addf %add3A_652, %get3A_715 : vector<16xf32>
        scf.yield %add3A_660, %add3A_668, %add3A_676, %add3A_684, %add3A_692, %add3A_700, %add3A_708, %add3A_716 : vector<16xf32>, vector<16xf32>, vector<16xf32>, vector<16xf32>, vector<16xf32>, vector<16xf32>, vector<16xf32>, vector<16xf32>
      }
      %scan3A_386 = arith.constant 25 : i32
      scf.yield %scan3A_385#0, %scan3A_385#1, %scan3A_385#2, %scan3A_385#3, %scan3A_385#4, %scan3A_385#5, %scan3A_385#6, %scan3A_385#7 : vector<16xf32>, vector<16xf32>, vector<16xf32>, vector<16xf32>, vector<16xf32>, vector<16xf32>, vector<16xf32>, vector<16xf32>
    }
    %scan3A_294 = arith.constant 25 : i32
    %swap3A_295 = arith.constant 3 : i32
    %swap3A_296 = arith.index_cast %swap3A_295 : i32 to index
    %swap3A_297 = arith.constant 0 : index
    %swap3A_298 = tpu.vector_load %arg8[%swap3A_296, %swap3A_297] {strides = array<i32>} : memref<4x128xf32, #tpu.memory_space<vmem>>, vector<1x16xf32>,
    %swap3A_299 = vector.shape_cast %swap3A_298 : vector<1x16xf32> to vector<16xf32>
    %swap3A_300 = vector.shape_cast %scan3A_293#0 : vector<16xf32> to vector<1x16xf32>
    tpu.vector_store %arg8[%swap3A_296, %swap3A_297], %swap3A_300 {strides = array<i32>} : memref<4x128xf32, #tpu.memory_space<vmem>>, vector<1x16xf32>,
    %swap3A_301 = arith.constant 3 : i32
    %swap3A_302 = arith.index_cast %swap3A_301 : i32 to index
    %swap3A_303 = arith.constant 16 : index
    %swap3A_304 = tpu.vector_load %arg8[%swap3A_302, %swap3A_303] {strides = array<i32>} : memref<4x128xf32, #tpu.memory_space<vmem>>, vector<1x16xf32>,
    %swap3A_305 = vector.shape_cast %swap3A_304 : vector<1x16xf32> to vector<16xf32>
    %swap3A_306 = vector.shape_cast %scan3A_293#1 : vector<16xf32> to vector<1x16xf32>
    tpu.vector_store %arg8[%swap3A_302, %swap3A_303], %swap3A_306 {strides = array<i32>} : memref<4x128xf32, #tpu.memory_space<vmem>>, vector<1x16xf32>,
    %swap3A_307 = arith.constant 3 : i32
    %swap3A_308 = arith.index_cast %swap3A_307 : i32 to index
    %swap3A_309 = arith.constant 32 : index
    %swap3A_310 = tpu.vector_load %arg8[%swap3A_308, %swap3A_309] {strides = array<i32>} : memref<4x128xf32, #tpu.memory_space<vmem>>, vector<1x16xf32>,
    %swap3A_311 = vector.shape_cast %swap3A_310 : vector<1x16xf32> to vector<16xf32>
    %swap3A_312 = vector.shape_cast %scan3A_293#2 : vector<16xf32> to vector<1x16xf32>
    tpu.vector_store %arg8[%swap3A_308, %swap3A_309], %swap3A_312 {strides = array<i32>} : memref<4x128xf32, #tpu.memory_space<vmem>>, vector<1x16xf32>,
    %swap3A_313 = arith.constant 3 : i32
    %swap3A_314 = arith.index_cast %swap3A_313 : i32 to index
    %swap3A_315 = arith.constant 48 : index
    %swap3A_316 = tpu.vector_load %arg8[%swap3A_314, %swap3A_315] {strides = array<i32>} : memref<4x128xf32, #tpu.memory_space<vmem>>, vector<1x16xf32>,
    %swap3A_317 = vector.shape_cast %swap3A_316 : vector<1x16xf32> to vector<16xf32>
    %swap3A_318 = vector.shape_cast %scan3A_293#3 : vector<16xf32> to vector<1x16xf32>
    tpu.vector_store %arg8[%swap3A_314, %swap3A_315], %swap3A_318 {strides = array<i32>} : memref<4x128xf32, #tpu.memory_space<vmem>>, vector<1x16xf32>,
    %swap3A_319 = arith.constant 3 : i32
    %swap3A_320 = arith.index_cast %swap3A_319 : i32 to index
    %swap3A_321 = arith.constant 64 : index
    %swap3A_322 = tpu.vector_load %arg8[%swap3A_320, %swap3A_321] {strides = array<i32>} : memref<4x128xf32, #tpu.memory_space<vmem>>, vector<1x16xf32>,
    %swap3A_323 = vector.shape_cast %swap3A_322 : vector<1x16xf32> to vector<16xf32>
    %swap3A_324 = vector.shape_cast %scan3A_293#4 : vector<16xf32> to vector<1x16xf32>
    tpu.vector_store %arg8[%swap3A_320, %swap3A_321], %swap3A_324 {strides = array<i32>} : memref<4x128xf32, #tpu.memory_space<vmem>>, vector<1x16xf32>,
    %swap3A_325 = arith.constant 3 : i32
    %swap3A_326 = arith.index_cast %swap3A_325 : i32 to index
    %swap3A_327 = arith.constant 80 : index
    %swap3A_328 = tpu.vector_load %arg8[%swap3A_326, %swap3A_327] {strides = array<i32>} : memref<4x128xf32, #tpu.memory_space<vmem>>, vector<1x16xf32>,
    %swap3A_329 = vector.shape_cast %swap3A_328 : vector<1x16xf32> to vector<16xf32>
    %swap3A_330 = vector.shape_cast %scan3A_293#5 : vector<16xf32> to vector<1x16xf32>
    tpu.vector_store %arg8[%swap3A_326, %swap3A_327], %swap3A_330 {strides = array<i32>} : memref<4x128xf32, #tpu.memory_space<vmem>>, vector<1x16xf32>,
    %swap3A_331 = arith.constant 3 : i32
    %swap3A_332 = arith.index_cast %swap3A_331 : i32 to index
    %swap3A_333 = arith.constant 96 : index
    %swap3A_334 = tpu.vector_load %arg8[%swap3A_332, %swap3A_333] {strides = array<i32>} : memref<4x128xf32, #tpu.memory_space<vmem>>, vector<1x16xf32>,
    %swap3A_335 = vector.shape_cast %swap3A_334 : vector<1x16xf32> to vector<16xf32>
    %swap3A_336 = vector.shape_cast %scan3A_293#6 : vector<16xf32> to vector<1x16xf32>
    tpu.vector_store %arg8[%swap3A_332, %swap3A_333], %swap3A_336 {strides = array<i32>} : memref<4x128xf32, #tpu.memory_space<vmem>>, vector<1x16xf32>,
    %swap3A_337 = arith.constant 3 : i32
    %swap3A_338 = arith.index_cast %swap3A_337 : i32 to index
    %swap3A_339 = arith.constant 112 : index
    %swap3A_340 = tpu.vector_load %arg8[%swap3A_338, %swap3A_339] {strides = array<i32>} : memref<4x128xf32, #tpu.memory_space<vmem>>, vector<1x16xf32>,
    %swap3A_341 = vector.shape_cast %swap3A_340 : vector<1x16xf32> to vector<16xf32>
    %swap3A_342 = vector.shape_cast %scan3A_293#7 : vector<16xf32> to vector<1x16xf32>
    tpu.vector_store %arg8[%swap3A_338, %swap3A_339], %swap3A_342 {strides = array<i32>} : memref<4x128xf32, #tpu.memory_space<vmem>>, vector<1x16xf32>,
    %run_scoped3A = arith.constant 0 : i32
    %run_scoped3A_343 = arith.constant 0 : i32
    "tpu.region"() ({
      %run_scoped3A_350 = tpu.sem_alloc : memref<!tpu.dma_semaphore, #tpu.memory_space<semaphore_mem>>
      %dma_start3A_351 = arith.constant 0 : i32
      %dma_start3A_352 = tpu.memref_slice %arg8[%run_scoped3A, %dma_start3A_351] : memref<4x128xf32, #tpu.memory_space<vmem>> -> memref<1x128xf32, #tpu.memory_space<vmem>>
      %dma_start3A_353 = tpu.memref_squeeze %dma_start3A_352 : memref<1x128xf32, #tpu.memory_space<vmem>> -> memref<128xf32, #tpu.memory_space<vmem>>
      %dma_start3A_354 = arith.constant 0 : i32
      %dma_start3A_355 = tpu.memref_slice %arg6[%run_scoped3A_343, %add3A, %dma_start3A_354] : memref<4x32x128xf32, #tpu.memory_space<hbm>> -> memref<1x1x128xf32, #tpu.memory_space<hbm>>
      %dma_start3A_356 = tpu.memref_squeeze %dma_start3A_355 : memref<1x1x128xf32, #tpu.memory_space<hbm>> -> memref<128xf32, #tpu.memory_space<hbm>>
      %dma_start3A_357 = arith.constant 0 : i32
      %dma_start3A_358 = tpu.memref_slice %arg6[%run_scoped3A_343, %add3A, %dma_start3A_357] : memref<4x32x128xf32, #tpu.memory_space<hbm>> -> memref<1x1x128xf32, #tpu.memory_space<hbm>>
      %dma_start3A_359 = tpu.memref_squeeze %dma_start3A_358 : memref<1x1x128xf32, #tpu.memory_space<hbm>> -> memref<128xf32, #tpu.memory_space<hbm>>
      %dma_start3A_360 = arith.constant 0 : i32
      %dma_start3A_361 = tpu.memref_slice %arg8[%run_scoped3A, %dma_start3A_360] : memref<4x128xf32, #tpu.memory_space<vmem>> -> memref<1x128xf32, #tpu.memory_space<vmem>>
      %dma_start3A_362 = tpu.memref_squeeze %dma_start3A_361 : memref<1x128xf32, #tpu.memory_space<vmem>> -> memref<128xf32, #tpu.memory_space<vmem>>
      tpu.enqueue_dma source(%dma_start3A_362 : memref<128xf32, #tpu.memory_space<vmem>>) target(%dma_start3A_359 : memref<128xf32, #tpu.memory_space<hbm>>) target_semaphore(%run_scoped3A_350 : memref<!tpu.dma_semaphore, #tpu.memory_space<semaphore_mem>>)
      %dma_wait3A = arith.constant 0 : i32
      %dma_wait3A_363 = tpu.memref_slice %arg8[%run_scoped3A, %dma_wait3A] : memref<4x128xf32, #tpu.memory_space<vmem>> -> memref<1x128xf32, #tpu.memory_space<vmem>>
      %dma_wait3A_364 = tpu.memref_squeeze %dma_wait3A_363 : memref<1x128xf32, #tpu.memory_space<vmem>> -> memref<128xf32, #tpu.memory_space<vmem>>
      %dma_wait3A_365 = arith.constant 0 : i32
      %dma_wait3A_366 = tpu.memref_slice %arg6[%run_scoped3A_343, %add3A, %dma_wait3A_365] : memref<4x32x128xf32, #tpu.memory_space<hbm>> -> memref<1x1x128xf32, #tpu.memory_space<hbm>>
      %dma_wait3A_367 = tpu.memref_squeeze %dma_wait3A_366 : memref<1x1x128xf32, #tpu.memory_space<hbm>> -> memref<128xf32, #tpu.memory_space<hbm>>
      %dma_wait3A_368 = arith.constant 0 : i32
      %dma_wait3A_369 = tpu.memref_slice %arg6[%run_scoped3A_343, %add3A, %dma_wait3A_368] : memref<4x32x128xf32, #tpu.memory_space<hbm>> -> memref<1x1x128xf32, #tpu.memory_space<hbm>>
      %dma_wait3A_370 = tpu.memref_squeeze %dma_wait3A_369 : memref<1x1x128xf32, #tpu.memory_space<hbm>> -> memref<128xf32, #tpu.memory_space<hbm>>
      %dma_wait3A_371 = arith.constant 0 : i32
      %dma_wait3A_372 = tpu.memref_slice %arg8[%run_scoped3A, %dma_wait3A_371] : memref<4x128xf32, #tpu.memory_space<vmem>> -> memref<1x128xf32, #tpu.memory_space<vmem>>
      %dma_wait3A_373 = tpu.memref_squeeze %dma_wait3A_372 : memref<1x128xf32, #tpu.memory_space<vmem>> -> memref<128xf32, #tpu.memory_space<vmem>>
      tpu.wait_dma2 semaphore(%run_scoped3A_350 : memref<!tpu.dma_semaphore, #tpu.memory_space<semaphore_mem>>) src(%dma_wait3A_373 : memref<128xf32, #tpu.memory_space<vmem>>) dst(%dma_wait3A_370 : memref<128xf32, #tpu.memory_space<hbm>>)
      tpu.yield
    }) : () -> ()
    %run_scoped3A_344 = arith.constant 1 : i32
    %run_scoped3A_345 = arith.constant 1 : i32
    "tpu.region"() ({
      %run_scoped3A_350 = tpu.sem_alloc : memref<!tpu.dma_semaphore, #tpu.memory_space<semaphore_mem>>
      %dma_start3A_351 = arith.constant 0 : i32
      %dma_start3A_352 = tpu.memref_slice %arg8[%run_scoped3A_344, %dma_start3A_351] : memref<4x128xf32, #tpu.memory_space<vmem>> -> memref<1x128xf32, #tpu.memory_space<vmem>>
      %dma_start3A_353 = tpu.memref_squeeze %dma_start3A_352 : memref<1x128xf32, #tpu.memory_space<vmem>> -> memref<128xf32, #tpu.memory_space<vmem>>
      %dma_start3A_354 = arith.constant 0 : i32
      %dma_start3A_355 = tpu.memref_slice %arg6[%run_scoped3A_345, %add3A, %dma_start3A_354] : memref<4x32x128xf32, #tpu.memory_space<hbm>> -> memref<1x1x128xf32, #tpu.memory_space<hbm>>
      %dma_start3A_356 = tpu.memref_squeeze %dma_start3A_355 : memref<1x1x128xf32, #tpu.memory_space<hbm>> -> memref<128xf32, #tpu.memory_space<hbm>>
      %dma_start3A_357 = arith.constant 0 : i32
      %dma_start3A_358 = tpu.memref_slice %arg6[%run_scoped3A_345, %add3A, %dma_start3A_357] : memref<4x32x128xf32, #tpu.memory_space<hbm>> -> memref<1x1x128xf32, #tpu.memory_space<hbm>>
      %dma_start3A_359 = tpu.memref_squeeze %dma_start3A_358 : memref<1x1x128xf32, #tpu.memory_space<hbm>> -> memref<128xf32, #tpu.memory_space<hbm>>
      %dma_start3A_360 = arith.constant 0 : i32
      %dma_start3A_361 = tpu.memref_slice %arg8[%run_scoped3A_344, %dma_start3A_360] : memref<4x128xf32, #tpu.memory_space<vmem>> -> memref<1x128xf32, #tpu.memory_space<vmem>>
      %dma_start3A_362 = tpu.memref_squeeze %dma_start3A_361 : memref<1x128xf32, #tpu.memory_space<vmem>> -> memref<128xf32, #tpu.memory_space<vmem>>
      tpu.enqueue_dma source(%dma_start3A_362 : memref<128xf32, #tpu.memory_space<vmem>>) target(%dma_start3A_359 : memref<128xf32, #tpu.memory_space<hbm>>) target_semaphore(%run_scoped3A_350 : memref<!tpu.dma_semaphore, #tpu.memory_space<semaphore_mem>>)
      %dma_wait3A = arith.constant 0 : i32
      %dma_wait3A_363 = tpu.memref_slice %arg8[%run_scoped3A_344, %dma_wait3A] : memref<4x128xf32, #tpu.memory_space<vmem>> -> memref<1x128xf32, #tpu.memory_space<vmem>>
      %dma_wait3A_364 = tpu.memref_squeeze %dma_wait3A_363 : memref<1x128xf32, #tpu.memory_space<vmem>> -> memref<128xf32, #tpu.memory_space<vmem>>
      %dma_wait3A_365 = arith.constant 0 : i32
      %dma_wait3A_366 = tpu.memref_slice %arg6[%run_scoped3A_345, %add3A, %dma_wait3A_365] : memref<4x32x128xf32, #tpu.memory_space<hbm>> -> memref<1x1x128xf32, #tpu.memory_space<hbm>>
      %dma_wait3A_367 = tpu.memref_squeeze %dma_wait3A_366 : memref<1x1x128xf32, #tpu.memory_space<hbm>> -> memref<128xf32, #tpu.memory_space<hbm>>
      %dma_wait3A_368 = arith.constant 0 : i32
      %dma_wait3A_369 = tpu.memref_slice %arg6[%run_scoped3A_345, %add3A, %dma_wait3A_368] : memref<4x32x128xf32, #tpu.memory_space<hbm>> -> memref<1x1x128xf32, #tpu.memory_space<hbm>>
      %dma_wait3A_370 = tpu.memref_squeeze %dma_wait3A_369 : memref<1x1x128xf32, #tpu.memory_space<hbm>> -> memref<128xf32, #tpu.memory_space<hbm>>
      %dma_wait3A_371 = arith.constant 0 : i32
      %dma_wait3A_372 = tpu.memref_slice %arg8[%run_scoped3A_344, %dma_wait3A_371] : memref<4x128xf32, #tpu.memory_space<vmem>> -> memref<1x128xf32, #tpu.memory_space<vmem>>
      %dma_wait3A_373 = tpu.memref_squeeze %dma_wait3A_372 : memref<1x128xf32, #tpu.memory_space<vmem>> -> memref<128xf32, #tpu.memory_space<vmem>>
      tpu.wait_dma2 semaphore(%run_scoped3A_350 : memref<!tpu.dma_semaphore, #tpu.memory_space<semaphore_mem>>) src(%dma_wait3A_373 : memref<128xf32, #tpu.memory_space<vmem>>) dst(%dma_wait3A_370 : memref<128xf32, #tpu.memory_space<hbm>>)
      tpu.yield
    }) : () -> ()
    %run_scoped3A_346 = arith.constant 2 : i32
    %run_scoped3A_347 = arith.constant 2 : i32
    "tpu.region"() ({
      %run_scoped3A_350 = tpu.sem_alloc : memref<!tpu.dma_semaphore, #tpu.memory_space<semaphore_mem>>
      %dma_start3A_351 = arith.constant 0 : i32
      %dma_start3A_352 = tpu.memref_slice %arg8[%run_scoped3A_346, %dma_start3A_351] : memref<4x128xf32, #tpu.memory_space<vmem>> -> memref<1x128xf32, #tpu.memory_space<vmem>>
      %dma_start3A_353 = tpu.memref_squeeze %dma_start3A_352 : memref<1x128xf32, #tpu.memory_space<vmem>> -> memref<128xf32, #tpu.memory_space<vmem>>
      %dma_start3A_354 = arith.constant 0 : i32
      %dma_start3A_355 = tpu.memref_slice %arg6[%run_scoped3A_347, %add3A, %dma_start3A_354] : memref<4x32x128xf32, #tpu.memory_space<hbm>> -> memref<1x1x128xf32, #tpu.memory_space<hbm>>
      %dma_start3A_356 = tpu.memref_squeeze %dma_start3A_355 : memref<1x1x128xf32, #tpu.memory_space<hbm>> -> memref<128xf32, #tpu.memory_space<hbm>>
      %dma_start3A_357 = arith.constant 0 : i32
      %dma_start3A_358 = tpu.memref_slice %arg6[%run_scoped3A_347, %add3A, %dma_start3A_357] : memref<4x32x128xf32, #tpu.memory_space<hbm>> -> memref<1x1x128xf32, #tpu.memory_space<hbm>>
      %dma_start3A_359 = tpu.memref_squeeze %dma_start3A_358 : memref<1x1x128xf32, #tpu.memory_space<hbm>> -> memref<128xf32, #tpu.memory_space<hbm>>
      %dma_start3A_360 = arith.constant 0 : i32
      %dma_start3A_361 = tpu.memref_slice %arg8[%run_scoped3A_346, %dma_start3A_360] : memref<4x128xf32, #tpu.memory_space<vmem>> -> memref<1x128xf32, #tpu.memory_space<vmem>>
      %dma_start3A_362 = tpu.memref_squeeze %dma_start3A_361 : memref<1x128xf32, #tpu.memory_space<vmem>> -> memref<128xf32, #tpu.memory_space<vmem>>
      tpu.enqueue_dma source(%dma_start3A_362 : memref<128xf32, #tpu.memory_space<vmem>>) target(%dma_start3A_359 : memref<128xf32, #tpu.memory_space<hbm>>) target_semaphore(%run_scoped3A_350 : memref<!tpu.dma_semaphore, #tpu.memory_space<semaphore_mem>>)
      %dma_wait3A = arith.constant 0 : i32
      %dma_wait3A_363 = tpu.memref_slice %arg8[%run_scoped3A_346, %dma_wait3A] : memref<4x128xf32, #tpu.memory_space<vmem>> -> memref<1x128xf32, #tpu.memory_space<vmem>>
      %dma_wait3A_364 = tpu.memref_squeeze %dma_wait3A_363 : memref<1x128xf32, #tpu.memory_space<vmem>> -> memref<128xf32, #tpu.memory_space<vmem>>
      %dma_wait3A_365 = arith.constant 0 : i32
      %dma_wait3A_366 = tpu.memref_slice %arg6[%run_scoped3A_347, %add3A, %dma_wait3A_365] : memref<4x32x128xf32, #tpu.memory_space<hbm>> -> memref<1x1x128xf32, #tpu.memory_space<hbm>>
      %dma_wait3A_367 = tpu.memref_squeeze %dma_wait3A_366 : memref<1x1x128xf32, #tpu.memory_space<hbm>> -> memref<128xf32, #tpu.memory_space<hbm>>
      %dma_wait3A_368 = arith.constant 0 : i32
      %dma_wait3A_369 = tpu.memref_slice %arg6[%run_scoped3A_347, %add3A, %dma_wait3A_368] : memref<4x32x128xf32, #tpu.memory_space<hbm>> -> memref<1x1x128xf32, #tpu.memory_space<hbm>>
      %dma_wait3A_370 = tpu.memref_squeeze %dma_wait3A_369 : memref<1x1x128xf32, #tpu.memory_space<hbm>> -> memref<128xf32, #tpu.memory_space<hbm>>
      %dma_wait3A_371 = arith.constant 0 : i32
      %dma_wait3A_372 = tpu.memref_slice %arg8[%run_scoped3A_346, %dma_wait3A_371] : memref<4x128xf32, #tpu.memory_space<vmem>> -> memref<1x128xf32, #tpu.memory_space<vmem>>
      %dma_wait3A_373 = tpu.memref_squeeze %dma_wait3A_372 : memref<1x128xf32, #tpu.memory_space<vmem>> -> memref<128xf32, #tpu.memory_space<vmem>>
      tpu.wait_dma2 semaphore(%run_scoped3A_350 : memref<!tpu.dma_semaphore, #tpu.memory_space<semaphore_mem>>) src(%dma_wait3A_373 : memref<128xf32, #tpu.memory_space<vmem>>) dst(%dma_wait3A_370 : memref<128xf32, #tpu.memory_space<hbm>>)
      tpu.yield
    }) : () -> ()
    %run_scoped3A_348 = arith.constant 3 : i32
    %run_scoped3A_349 = arith.constant 3 : i32
    "tpu.region"() ({
      %run_scoped3A_350 = tpu.sem_alloc : memref<!tpu.dma_semaphore, #tpu.memory_space<semaphore_mem>>
      %dma_start3A_351 = arith.constant 0 : i32
      %dma_start3A_352 = tpu.memref_slice %arg8[%run_scoped3A_348, %dma_start3A_351] : memref<4x128xf32, #tpu.memory_space<vmem>> -> memref<1x128xf32, #tpu.memory_space<vmem>>
      %dma_start3A_353 = tpu.memref_squeeze %dma_start3A_352 : memref<1x128xf32, #tpu.memory_space<vmem>> -> memref<128xf32, #tpu.memory_space<vmem>>
      %dma_start3A_354 = arith.constant 0 : i32
      %dma_start3A_355 = tpu.memref_slice %arg6[%run_scoped3A_349, %add3A, %dma_start3A_354] : memref<4x32x128xf32, #tpu.memory_space<hbm>> -> memref<1x1x128xf32, #tpu.memory_space<hbm>>
      %dma_start3A_356 = tpu.memref_squeeze %dma_start3A_355 : memref<1x1x128xf32, #tpu.memory_space<hbm>> -> memref<128xf32, #tpu.memory_space<hbm>>
      %dma_start3A_357 = arith.constant 0 : i32
      %dma_start3A_358 = tpu.memref_slice %arg6[%run_scoped3A_349, %add3A, %dma_start3A_357] : memref<4x32x128xf32, #tpu.memory_space<hbm>> -> memref<1x1x128xf32, #tpu.memory_space<hbm>>
      %dma_start3A_359 = tpu.memref_squeeze %dma_start3A_358 : memref<1x1x128xf32, #tpu.memory_space<hbm>> -> memref<128xf32, #tpu.memory_space<hbm>>
      %dma_start3A_360 = arith.constant 0 : i32
      %dma_start3A_361 = tpu.memref_slice %arg8[%run_scoped3A_348, %dma_start3A_360] : memref<4x128xf32, #tpu.memory_space<vmem>> -> memref<1x128xf32, #tpu.memory_space<vmem>>
      %dma_start3A_362 = tpu.memref_squeeze %dma_start3A_361 : memref<1x128xf32, #tpu.memory_space<vmem>> -> memref<128xf32, #tpu.memory_space<vmem>>
      tpu.enqueue_dma source(%dma_start3A_362 : memref<128xf32, #tpu.memory_space<vmem>>) target(%dma_start3A_359 : memref<128xf32, #tpu.memory_space<hbm>>) target_semaphore(%run_scoped3A_350 : memref<!tpu.dma_semaphore, #tpu.memory_space<semaphore_mem>>)
      %dma_wait3A = arith.constant 0 : i32
      %dma_wait3A_363 = tpu.memref_slice %arg8[%run_scoped3A_348, %dma_wait3A] : memref<4x128xf32, #tpu.memory_space<vmem>> -> memref<1x128xf32, #tpu.memory_space<vmem>>
      %dma_wait3A_364 = tpu.memref_squeeze %dma_wait3A_363 : memref<1x128xf32, #tpu.memory_space<vmem>> -> memref<128xf32, #tpu.memory_space<vmem>>
      %dma_wait3A_365 = arith.constant 0 : i32
      %dma_wait3A_366 = tpu.memref_slice %arg6[%run_scoped3A_349, %add3A, %dma_wait3A_365] : memref<4x32x128xf32, #tpu.memory_space<hbm>> -> memref<1x1x128xf32, #tpu.memory_space<hbm>>
      %dma_wait3A_367 = tpu.memref_squeeze %dma_wait3A_366 : memref<1x1x128xf32, #tpu.memory_space<hbm>> -> memref<128xf32, #tpu.memory_space<hbm>>
      %dma_wait3A_368 = arith.constant 0 : i32
      %dma_wait3A_369 = tpu.memref_slice %arg6[%run_scoped3A_349, %add3A, %dma_wait3A_368] : memref<4x32x128xf32, #tpu.memory_space<hbm>> -> memref<1x1x128xf32, #tpu.memory_space<hbm>>
      %dma_wait3A_370 = tpu.memref_squeeze %dma_wait3A_369 : memref<1x1x128xf32, #tpu.memory_space<hbm>> -> memref<128xf32, #tpu.memory_space<hbm>>
      %dma_wait3A_371 = arith.constant 0 : i32
      %dma_wait3A_372 = tpu.memref_slice %arg8[%run_scoped3A_348, %dma_wait3A_371] : memref<4x128xf32, #tpu.memory_space<vmem>> -> memref<1x128xf32, #tpu.memory_space<vmem>>
      %dma_wait3A_373 = tpu.memref_squeeze %dma_wait3A_372 : memref<1x128xf32, #tpu.memory_space<vmem>> -> memref<128xf32, #tpu.memory_space<vmem>>
      tpu.wait_dma2 semaphore(%run_scoped3A_350 : memref<!tpu.dma_semaphore, #tpu.memory_space<semaphore_mem>>) src(%dma_wait3A_373 : memref<128xf32, #tpu.memory_space<vmem>>) dst(%dma_wait3A_370 : memref<128xf32, #tpu.memory_space<hbm>>)
      tpu.yield
    }) : () -> ()
    return
  }
}

module attributes {stable_mosaic.version = 14 : i64} {
  func.func @_finish_body(%arg0: memref<128x128xf32, #tpu.memory_space<vmem>>, %arg1: memref<4x128xf32, #tpu.memory_space<vmem>>, %arg2: memref<128x128xf32, #tpu.memory_space<vmem>>, %arg3: memref<1x1xf32, #tpu.memory_space<vmem>>, %arg4: memref<1x1xf32, #tpu.memory_space<vmem>>) attributes {dimension_semantics = [], scalar_prefetch = 0 : i64, scratch_operands = 0 : i64, tpu.core_type = #tpu.core_type<tc>} {
    %get3A = arith.constant 0 : index
    %get3A_0 = arith.constant 0 : index
    %get3A_1 = vector.load %arg0[%get3A, %get3A_0] : memref<128x128xf32, #tpu.memory_space<vmem>>, vector<128x128xf32>
    %get3A_2 = arith.constant 0 : index
    %get3A_3 = arith.constant 0 : index
    %get3A_4 = vector.load %arg1[%get3A_2, %get3A_3] : memref<4x128xf32, #tpu.memory_space<vmem>>, vector<4x128xf32>
    %slice3A = vector.extract_strided_slice %get3A_1 {offsets = [0, 0], sizes = [32, 128], strides = [1, 1]} : vector<128x128xf32> to vector<32x128xf32>
    %reduce_sum3A = arith.constant dense<0.000000e+00> : vector<128xf32>
    %reduce_sum3A_5 = vector.multi_reduction <add>, %slice3A, %reduce_sum3A [0] : vector<32x128xf32> to vector<128xf32>
    %broadcast_in_dim3A = vector.shape_cast %reduce_sum3A_5 : vector<128xf32> to vector<1x128xf32>
    %slice3A_6 = vector.extract_strided_slice %get3A_4 {offsets = [0, 0], sizes = [1, 128], strides = [1, 1]} : vector<4x128xf32> to vector<1x128xf32>
    %sub3A = arith.subf %broadcast_in_dim3A, %slice3A_6 : vector<1x128xf32>
    %slice3A_7 = vector.extract_strided_slice %get3A_1 {offsets = [32, 0], sizes = [32, 128], strides = [1, 1]} : vector<128x128xf32> to vector<32x128xf32>
    %reduce_sum3A_8 = arith.constant dense<0.000000e+00> : vector<128xf32>
    %reduce_sum3A_9 = vector.multi_reduction <add>, %slice3A_7, %reduce_sum3A_8 [0] : vector<32x128xf32> to vector<128xf32>
    %broadcast_in_dim3A_10 = vector.shape_cast %reduce_sum3A_9 : vector<128xf32> to vector<1x128xf32>
    %slice3A_11 = vector.extract_strided_slice %get3A_4 {offsets = [1, 0], sizes = [1, 128], strides = [1, 1]} : vector<4x128xf32> to vector<1x128xf32>
    %sub3A_12 = arith.subf %broadcast_in_dim3A_10, %slice3A_11 : vector<1x128xf32>
    %slice3A_13 = vector.extract_strided_slice %get3A_1 {offsets = [64, 0], sizes = [32, 128], strides = [1, 1]} : vector<128x128xf32> to vector<32x128xf32>
    %reduce_sum3A_14 = arith.constant dense<0.000000e+00> : vector<128xf32>
    %reduce_sum3A_15 = vector.multi_reduction <add>, %slice3A_13, %reduce_sum3A_14 [0] : vector<32x128xf32> to vector<128xf32>
    %broadcast_in_dim3A_16 = vector.shape_cast %reduce_sum3A_15 : vector<128xf32> to vector<1x128xf32>
    %slice3A_17 = vector.extract_strided_slice %get3A_4 {offsets = [2, 0], sizes = [1, 128], strides = [1, 1]} : vector<4x128xf32> to vector<1x128xf32>
    %sub3A_18 = arith.subf %broadcast_in_dim3A_16, %slice3A_17 : vector<1x128xf32>
    %slice3A_19 = vector.extract_strided_slice %get3A_1 {offsets = [96, 0], sizes = [32, 128], strides = [1, 1]} : vector<128x128xf32> to vector<32x128xf32>
    %reduce_sum3A_20 = arith.constant dense<0.000000e+00> : vector<128xf32>
    %reduce_sum3A_21 = vector.multi_reduction <add>, %slice3A_19, %reduce_sum3A_20 [0] : vector<32x128xf32> to vector<128xf32>
    %broadcast_in_dim3A_22 = vector.shape_cast %reduce_sum3A_21 : vector<128xf32> to vector<1x128xf32>
    %slice3A_23 = vector.extract_strided_slice %get3A_4 {offsets = [3, 0], sizes = [1, 128], strides = [1, 1]} : vector<4x128xf32> to vector<1x128xf32>
    %sub3A_24 = arith.subf %broadcast_in_dim3A_22, %slice3A_23 : vector<1x128xf32>
    %sub3A_25 = arith.subf %sub3A, %sub3A_18 : vector<1x128xf32>
    %mul3A = arith.constant 1.000010e-05 : f32
    %mul3A_26 = vector.broadcast %mul3A : f32 to vector<1x128xf32>
    %mul3A_27 = arith.mulf %sub3A_25, %mul3A_26 : vector<1x128xf32>
    %sub3A_28 = arith.subf %sub3A_12, %sub3A_24 : vector<1x128xf32>
    %mul3A_29 = arith.constant 1.000010e-05 : f32
    %mul3A_30 = vector.broadcast %mul3A_29 : f32 to vector<1x128xf32>
    %mul3A_31 = arith.mulf %sub3A_28, %mul3A_30 : vector<1x128xf32>
    %mul3A_32 = arith.mulf %mul3A_27, %mul3A_27 : vector<1x128xf32>
    %mul3A_33 = arith.mulf %mul3A_31, %mul3A_31 : vector<1x128xf32>
    %add3A = arith.addf %mul3A_32, %mul3A_33 : vector<1x128xf32>
    %reduce_sum3A_34 = vector.shape_cast %add3A : vector<1x128xf32> to vector<1x1x128xf32>
    %reduce_sum3A_35 = arith.constant dense<0.000000e+00> : vector<1xf32>
    %reduce_sum3A_36 = vector.multi_reduction <add>, %reduce_sum3A_34, %reduce_sum3A_35 [1, 2] : vector<1x1x128xf32> to vector<1xf32>
    %reduce_sum3A_37 = vector.shape_cast %reduce_sum3A_36 : vector<1xf32> to vector<1x1x1xf32>
    %reduce_sum3A_38 = vector.extract %reduce_sum3A_37[0, 0, 0] : f32 from vector<1x1x1xf32>
    %get3A_39 = arith.constant 0 : index
    %get3A_40 = arith.constant 0 : index
    %get3A_41 = vector.load %arg2[%get3A_39, %get3A_40] : memref<128x128xf32, #tpu.memory_space<vmem>>, vector<128x128xf32>
    %iota3A = tpu.iota {dimensions = array<i32: 0>} : vector<128x128xi32>
    %iota3A_42 = tpu.iota {dimensions = array<i32: 1>} : vector<128x128xi32>
    %eq3A = arith.cmpi eq, %iota3A, %iota3A_42 : vector<128x128xi32>
    %convert_element_type3A = arith.extui %eq3A : vector<128x128xi1> to vector<128x128xi32>
    %convert_element_type3A_43 = arith.sitofp %convert_element_type3A : vector<128x128xi32> to vector<128x128xf32>
    %sub3A_44 = arith.subf %get3A_41, %convert_element_type3A_43 : vector<128x128xf32>
    %mul3A_45 = arith.mulf %sub3A_44, %sub3A_44 : vector<128x128xf32>
    %reduce_sum3A_46 = vector.shape_cast %mul3A_45 : vector<128x128xf32> to vector<1x128x128xf32>
    %reduce_sum3A_47 = arith.constant dense<0.000000e+00> : vector<1xf32>
    %reduce_sum3A_48 = vector.multi_reduction <add>, %reduce_sum3A_46, %reduce_sum3A_47 [1, 2] : vector<1x128x128xf32> to vector<1xf32>
    %reduce_sum3A_49 = vector.shape_cast %reduce_sum3A_48 : vector<1xf32> to vector<1x1x1xf32>
    %reduce_sum3A_50 = vector.extract %reduce_sum3A_49[0, 0, 0] : f32 from vector<1x1x1xf32>
    %get3A_51 = arith.constant 0 : index
    %get3A_52 = arith.constant 0 : index
    %get3A_53 = vector.load %arg3[%get3A_51, %get3A_52] : memref<1x1xf32, #tpu.memory_space<vmem>>, vector<1x1xf32>
    %get3A_54 = vector.extract %get3A_53[0, 0] : f32 from vector<1x1xf32>
    %mul3A_55 = arith.constant 1.280000e+02 : f32
    %mul3A_56 = arith.mulf %mul3A_55, %get3A_54 : f32
    %mul3A_57 = arith.mulf %mul3A_56, %reduce_sum3A_38 : f32
    %add3A_58 = arith.addf %reduce_sum3A_50, %mul3A_57 : f32
    %broadcast_in_dim3A_59 = vector.broadcast %add3A_58 : f32 to vector<1x1xf32>
    %swap3A = arith.constant 0 : index
    %swap3A_60 = arith.constant 0 : index
    %swap3A_61 = vector.load %arg4[%swap3A, %swap3A_60] : memref<1x1xf32, #tpu.memory_space<vmem>>, vector<1x1xf32>
    tpu.vector_store %arg4[%swap3A, %swap3A_60], %broadcast_in_dim3A_59 {strides = array<i32>} : memref<1x1xf32, #tpu.memory_space<vmem>>, vector<1x1xf32>,
    return
  }
}

</mosaic_0001>

<sc_bundles>
// kernel: kernel.4.cloned.1.call-start
scs
__scs_entry_jumppad:
0x0: {  	(pc) =	sbr.rel $0x88, $3  }
0x1: {  	(tag) =	ssettag $0x0;
	lr =	simm.s32 $0x1  }
0x2: {  	[smem:$0x3F9B] =	sst lr;
	_ =	strace $0xD0000000  }
0x3: {  	_ = 	snop  }
0x4: {  	_ = 	snop  }
0x5: {  	_ = 	snop  }
0x6: {  	_ = 	snop  }
0x7: {  	_ = 	snop  }
__scs_overlays_trampoline_lowered:
0x8: {  	[smem:$0x3FAA] =	sst s0  }
0x9: {  	[smem:$0x3FAB] =	sst s1  }
0xa: {  	[smem:$0x3FAC] =	sst s2  }
0xb: {  	[smem:$0x3FAD] =	sst s3  }
0xc: {  	[smem:$0x3FAE] =	sst s4  }
0xd: {  	[smem:$0x3FAF] =	sst s5  }
0xe: {  	[smem:$0x3FB0] =	sst s6  }
0xf: {  	[smem:$0x3FB1] =	sst s7  }
0x10: {  	[smem:$0x3FB2] =	sst s8  }
0x11: {  	[smem:$0x3FB3] =	sst s9;
	s0 =	simm.s32 @!p0 $0x0  }
0x12: {  	s1 =	sld [smem:$0x3F99];
	s0 =	simm.s32 @p0 $0x1  }
0x13: {  	[smem:$0x3FB4] =	sst s0;
	s0 =	simm.s32 @!p1 $0x0  }
0x14: {  	s2 =	sld [smem:$0x3F98];
	s0 =	simm.s32 @p1 $0x1  }
0x15: {  	[smem:$0x3FB5] =	sst s0;
	s0 =	simm.s32 @!p2 $0x0  }
0x16: {  	s3 =	sld [smem:$0x3FDB];
	s0 =	simm.s32 @p2 $0x1  }
0x17: {  	s4 =	simm.s32 $0x1BF5;
	[smem:$0x3FB7] =	sst s0  }
0x18: {  	s0 =	sld [smem:$0x3F9A];
	_ =	swait.ge [sflag:s4], $0x0  }
0x19: {  	s7 =	sld [smem:$0x3F9B]  }
0x1a: {  	s8 =	sadd.s32 $0xFFFFE003, lr  }
0x1b: {  	s9 =	sadd.s32 $0xFFFFFEF7, lr;
	s5 =	simm.s32 $0xFFFFFFFF;
	p2 =	slt.u32 s8, $0xFFFFF086  }
0x1c: {  	p1 =	slt.u32 s9, $0xF7A;
	s5 =	simm.s32 @!p2 $0x0  }
0x1d: {  	s5 =	simm.s32 @p1 $0x1;
	p0 =	seq.s32 s7, s2  }
0x1e: {  	s7 =	smul.u32 @!p0 $0xF7A, s2;
	p2 =	seq.s32 @!p0 s5, $0x0  }
0x1f: {  	s9 =	smul.u32 $0xF7A, s1;
	s8 =	simm.s32 @!p0 $0x1BF5;
	p2 =	por !p2, p0  }
0x20: {  	[sflag:s8] =	ssyncset.s32 @!p0 $0xFFFFF086;
	s6 =	sadd.s32 @!p0 s3, s7;
	s7 =	simm.s32 @!p0 $0x108  }
0x21: {  	s3 =	sadd.s32 s3, s9;
	s6 =	sadd.s32 @!p0 $0x88, s6;
	s7 =	simm.s32 @p2 $0x1082  }
0x22: {  	[simem:s7], [sflag:s8] =	dma.local @!p0 [hbm:s6], $0xF7A  }
0x23: {  	s9 =	sor.u32 $0xD0000000, s2;
	s6 =	simm.s32 $0x108;
	_ =	swait.ge @!p0 [sflag:s8], $0x0  }
0x24: {  	s3 =	sadd.s32 $0x88, s3;
	s6 =	simm.s32 @!p1 $0x1082;
	[sflag:s4] =	ssyncset.s32 $0xFFFFF086  }
0x25: {  	[simem:s6], [sflag:s4] =	dma.local [hbm:s3], $0xF7A  }
0x26: {  	[smem:$0x3F9B] =	sst s1;
	(tag) =	ssettag s2;
	_ =	strace s9  }
0x27: {  	s1 =	sld [smem:$0x3FAB]  }
0x28: {  	s2 =	sld [smem:$0x3FAC]  }
0x29: {  	s4 =	sld [smem:$0x3FAE]  }
0x2a: {  	p0 =	seq.s32 s5, $0x0;
	s5 =	sld [smem:$0x3FAF]  }
0x2b: {  	s6 =	sld [smem:$0x3FB0]  }
0x2c: {  	s7 =	sld [smem:$0x3FB1]  }
0x2d: {  	s3 =	simm.s32 $0x108;
	s8 =	sld [smem:$0x3FB2]  }
0x2e: {  	s3 =	simm.s32 @!p0 $0x1082;
	s9 =	sld [smem:$0x3FB3]  }
0x2f: {  	lr =	sadd.s32 s0, s3;
	s0 =	sld [smem:$0x3FAA]  }
0x30: {  	s3 =	sld [smem:$0x3FAD]  }
0x31: {  	[smem:$0x3FB6] =	sst s10  }
0x32: {  	s10 =	sld [smem:$0x3FB4];
	_ =	sdelay $0x3  }
0x33: {  	p0 =	seq.s32 s10, $0x1;
	s10 =	sld [smem:$0x3FB6];
	_ =	sdelay $0x3  }
0x34: {  	[smem:$0x3FB6] =	sst s10  }
0x35: {  	s10 =	sld [smem:$0x3FB5];
	_ =	sdelay $0x3  }
0x36: {  	p1 =	seq.s32 s10, $0x1;
	s10 =	sld [smem:$0x3FB6];
	_ =	sdelay $0x3  }
0x37: {  	[smem:$0x3FB6] =	sst s10  }
0x38: {  	s10 =	sld [smem:$0x3FB7]  }
0x39: {  	_ = 	snop;
	(pc) =	sbr.ind lr, $3  }
0x3a: {  	_ = 	snop  }
0x3b: {  	_ = 	snop  }
0x3c: {  	p2 =	seq.s32 s10, $0x1;
	s10 =	sld [smem:$0x3FB6]  }
0x3d: {  	_ =	shalt  }
0x3e: {  	_ =	shalt  }
0x3f: {  	_ =	shalt  }
0x40: {  	_ =	shalt  }
0x41: {  	_ =	shalt  }
0x42: {  	_ =	shalt  }
0x43: {  	_ =	shalt  }
0x44: {  	_ =	shalt  }
0x45: {  	_ =	shalt  }
0x46: {  	_ =	shalt  }
0x47: {  	_ =	shalt  }
0x48: {  	_ =	shalt  }
0x49: {  	_ =	shalt  }
0x4a: {  	_ =	shalt  }
0x4b: {  	_ =	shalt  }
0x4c: {  	_ =	shalt  }
0x4d: {  	_ =	shalt  }
0x4e: {  	_ =	shalt  }
0x4f: {  	_ =	shalt  }
0x50: {  	_ =	shalt  }
0x51: {  	_ =	shalt  }
0x52: {  	_ =	shalt  }
0x53: {  	_ =	shalt  }
0x54: {  	_ =	shalt  }
0x55: {  	_ =	shalt  }
0x56: {  	_ =	shalt  }
0x57: {  	_ =	shalt  }
0x58: {  	_ =	shalt  }
0x59: {  	_ =	shalt  }
0x5a: {  	_ =	shalt  }
0x5b: {  	_ =	shalt  }
0x5c: {  	_ =	shalt  }
0x5d: {  	_ =	shalt  }
0x5e: {  	_ =	shalt  }
0x5f: {  	_ =	shalt  }
0x60: {  	_ =	shalt  }
0x61: {  	_ =	shalt  }
0x62: {  	_ =	shalt  }
0x63: {  	_ =	shalt  }
0x64: {  	_ =	shalt  }
0x65: {  	_ =	shalt  }
0x66: {  	_ =	shalt  }
0x67: {  	_ =	shalt  }
0x68: {  	_ =	shalt  }
0x69: {  	_ =	shalt  }
0x6a: {  	_ =	shalt  }
0x6b: {  	_ =	shalt  }
0x6c: {  	_ =	shalt  }
0x6d: {  	_ =	shalt  }
0x6e: {  	_ =	shalt  }
0x6f: {  	_ =	shalt  }
0x70: {  	_ =	shalt  }
0x71: {  	_ =	shalt  }
0x72: {  	_ =	shalt  }
0x73: {  	_ =	shalt  }
0x74: {  	_ =	shalt  }
0x75: {  	_ =	shalt  }
0x76: {  	_ =	shalt  }
0x77: {  	_ =	shalt  }
0x78: {  	_ =	shalt  }
0x79: {  	_ =	shalt  }
0x7a: {  	_ =	shalt  }
0x7b: {  	_ =	shalt  }
0x7c: {  	_ =	shalt  }
0x7d: {  	_ =	shalt  }
0x7e: {  	_ =	shalt  }
0x7f: {  	_ =	shalt  }
0x80: {  	_ =	shalt  }
0x81: {  	_ =	shalt  }
0x82: {  	_ =	shalt  }
0x83: {  	_ =	shalt  }
0x84: {  	_ =	shalt  }
0x85: {  	_ =	shalt  }
0x86: {  	_ =	shalt  }
0x87: {  	_ =	shalt  }
.Lfunc_end0:
.L_simem_size_0:
called_computation_lowered:
.L_overlay_start_0:
0x88: {  	s2 =	sld [smem:$0x3FD9]  }
0x89: {  	s3 =	sld [smem:$0x3FFE];
	_ =	sdelay $0x1  }
0x8a: {  	s1 =	srdreg.scid  }
0x8b: {  	s0 =	sand.u32 $0x1, s1  }
0x8c: {  	s17 =	sshll.u32 s0, $0xA;
	s2 =	sadd.s32 s3, s2  }
0x8d: {  	s2 =	sadd.s32 s2, s17  }
0x8e: {  	[smem:$0x3FC2] =	sst s2  }
0x8f: {  	_ = 	snop  }
0x90: {  	s2 =	sld [smem:$0x3FC9]  }
0x91: {  	s18 =	sld [smem:$0x3FC8]  }
0x92: {  	s4 =	sld [smem:$0x3FC7]  }
0x93: {  	s5 =	sld [smem:$0x3FC6];
	(tm) =	ssettm $0x1  }
0x94: {  	s6 =	sld [smem:$0x3FFB];
	_ =	sdelay $0x3  }
0x95: {  	_ =	strace s6  }
0x96: {  	s6 =	sld [smem:$0x3FFC];
	_ =	sdelay $0x3  }
0x97: {  	_ =	strace s6  }
0x98: {  	s6 =	sld [smem:$0x3FFD];
	_ =	sdelay $0x3  }
0x99: {  	_ =	strace s6  }
0x9a: {  	_ =	strace $0x8FFFFFFF  }
0x9b: {  	s19 =	sld [smem:$0x3FDB];
	_ =	sdelay $0x1  }
0x9c: {  	s7 =	simm.s32 $_scs_section_size  }
0x9d: {  	s8 =	simm.s32 $_size__tile_overlayer_lowered;
	s9 =	simm.s32 $_tile_overlayer_lowered  }
0x9e: {  	s22 =	simm.s32 $0x1BFF;
	s21 =	sshll.u32 s9, $0x1;
	s6 =	sadd.s32 s7, s19  }
0x9f: {  	s10 =	simm.s32 $0x0;
	s20 =	sshll.u32 s8, $0x1;
	s8 =	sadd.s32 s21, s6  }
0xa0: {  	[timem:s10], [sflag:s22] =	dma.local [hbm:s8], s20  }
0xa1: {  	_ =	swait.ge [sflag:s22], s20  }
0xa2: {  	s7 =	ssub.s32 $0x0, s20;
	[sflag:s22] =	ssyncset.done $0x0  }
0xa3: {  	[sflag:s22] =	ssyncadd.s32 s7;
	_ =	sdelay $0x1  }
0xa4: {  	s23 =	simm.s32 $0x1B8B  }
0xa5: {  	_ =	swait.ge [sflag:s23], $0x1  }
0xa6: {  	[sflag:s23] =	ssyncset.done $0x0  }
0xa7: {  	s25 =	simm.s32 $0x1B8E;
	s24 =	sld [smem:$0x3FFE];
	[sflag:s23] =	ssyncadd.s32 $0xFFFFFFFF  }
0xa8: {  	s26 =	simm.s32 $execute0_lowered;
	[smem:$0x3FD2] =	sst s25  }
0xa9: {  	s8 =	sshll.u32 s26, $0x1;
	_ =	strace $0x80000046;
	[dreg:$0x1] =	wrdreg $0xFFFFFFFF  }
0xaa: {  	s28 =	simm.s32 $_size_execute0_lowered;
	s6 =	sadd.s32 s6, s8;
	[dreg:$0x0] =	wrdreg $0x0  }
0xab: {  	s8 =	sshll.u32 s28, $0x1;
	[dreg:$0x2] =	wrdreg s6  }
0xac: {  	[dreg:$0x3] =	wrdreg s8  }
0xad: {  	[dreg:$0x4] =	wrdreg $0xC0  }
0xae: {  	_ =	task [dreg:s10], $0x5FFFF  }
0xaf: {  	[dreg:$0x1] =	wrdreg $0xFFFFFFFF  }
0xb0: {  	[dreg:$0x0] =	wrdreg $0x60  }
0xb1: {  	[dreg:$0x2] =	wrdreg s2  }
0xb2: {  	[dreg:$0x3] =	wrdreg s18  }
0xb3: {  	[dreg:$0x4] =	wrdreg s4  }
0xb4: {  	[dreg:$0x5] =	wrdreg s5  }
0xb5: {  	[dreg:$0x6] =	wrdreg s24  }
0xb6: {  	[dreg:$0x7] =	wrdreg $0x9  }
0xb7: {  	_ =	task.clear_ibuf [dreg:s10], $0x8FFFF;
	_ =	strace $0x90000046  }
0xb8: {  	s29 =	simm.s32 $0x9;
	_ =	strace $0x80000048  }
0xb9: {  	_ =	swait.ge [sflag:s29], $0x1  }
0xba: {  	[sflag:s29] =	ssyncadd.s32 $0xFFFFFFFF  }
0xbb: {  	_ =	strace $0x90000048  }
0xbc: {  	_ =	sfence  }
0xbd: {  	s30 =	sld [smem:$0x0];
	_ =	sdelay $0x2  }
0xbe: {  	s31 =	sshll.u32 s1, $0xD;
	s1 =	sshrl.u32 s1, $0x2  }
0xbf: {  	s3 =	sand.u32 $0x4000, s31;
	s1 =	sadd.s32 s1, s30  }
0xc0: {  	s0 =	sor.u32 s3, s0;
	s1 =	sshll.u32 s1, $0x11  }
0xc1: {  	s0 =	sor.u32 s1, s0  }
0xc2: {  	s0 =	sadd.s32 $0x8F2B, s0  }
0xc3: {  	[sflag:s0] =	ssyncadd.remote.s32 $0x1  }
0xc4: {  	_ =	sfence.sel $0xFFFF  }
0xc5: {  	[dreg:$0x0] =	wrdreg $0xFFFFFFFF;
	(pc) =	sbr.abs _section_cstart, $3  }
0xc6: {  	[dreg:$0x1] =	wrdreg $0xFFFFFFFF  }
0xc7: {  	_ =	task.clear_ibuf [dreg:s10], $0x2FFFF;
	_ =	strace $0x9FFFFFFF  }
0xc8: {  	(tm) =	ssettm $0x7FFFFFFF  }
0xc9: {  	_ =	shalt  }
tec
execute0_lowered:
.L_overlay_start_1:
0x0: {  	(tag) =	ssettag $0x1  }
0x1: {  	s1 =	rddreg [dreg:$0x0]  }
0x2: {  	s2 =	rddreg [dreg:$0x1]  }
0x3: {  	s3 =	rddreg [dreg:$0x2]  }
0x4: {  	s4 =	rddreg [dreg:$0x3]  }
0x5: {  	s7 =	rddreg [dreg:$0x4]  }
0x6: {  	s0 =	rddreg [dreg:$0x5]  }
0x7: {  	s6 =	simm.s32 $0x0;
	s8 =	srdreg.scid;
	s5 =	stileid.u32  }
0x8: {  	s17 =	simm.s32 $0x7D00;
	s18 =	simm.s32 $0x3;
	s19 =	simm.s32 $0x7D80  }
0x9: {  	s20 =	simm.s32 $0x7E00;
	s21 =	simm.s32 $0x7E80;
	s22 =	simm.s32 $0x0  }
0xa: {  	[smem:$0x7FF] =	sst s6;
	s8 =	sand.u32 $0x1, s8;
	s9 =	sshll.u32 s5, $0x1  }
0xb: {  	_ =	strace $0x80000047;
	s9 =	sor.u32 s8, s9;
	s8 =	ssub.s32 $0x2, s8  }
0xc: {  	s10 =	sshll.u32 s9, $0x4;
	s11 =	sshrl.u32 s8, $0x1;
	s12 =	smul.u32 $0xC350, s9  }
0xd: {  	s15 =	sadd.s32 s10, s7;
	s16 =	ssub.s32 s8, s11;
	s7 =	smul.u32 $0xC35, s9  }
0xe: {  	s8 =	sadd.s32 s1, s12;
	s9 =	sadd.s32 s2, s12;
	s10 =	sadd.s32 s3, s12  }
0xf: {  	s11 =	sadd.s32 s4, s12;
	s12 =	sadd.s32 $0x800, s15;
	s13 =	sadd.s32 $0xA00, s15  }
0x10: {  	s14 =	sadd.s32 $0xC00, s15;
	s15 =	sadd.s32 $0xE00, s15;
	s16 =	smax.u32 s16, $0x1  }
.LBB2_1:
0x11: {  	v0 =	vimm.f32 $0.0e+00;
	v2 =	vimm.f32 $0.0e+00  }
0x12: {  	[tilespmem:s6], [sflag:$0x1] =	stream.linear.gather [hbm4b:s8+s6], $0x3E80, $0x38;
	v3 =	vimm.f32 $0.0e+00;
	v4 =	vimm.f32 $0.0e+00;
	v19 =	vimm.f32 $0.0e+00;
	[tilespmem:$0x7F00] =	vst v63  }
0x13: {  	p0 =	por $0x0, $0x0;
	v20 =	vimm.f32 $0.0e+00;
	v21 =	vimm.f32 $0.0e+00;
	v22 =	vimm.f32 $0.0e+00;
	s23 =	simm.s32 $0x0  }
.LBB2_3:
0x14: {  	s24 =	simm.s32 $0x1  }
0x15: {  	s25 =	smov.u32 s23;
	s24 =	simm.s32 @!p0 $0x0  }
0x16: {  	s23 =	sadd.s32 $0x1, s23;
	p1 =	seq.s32 s25, $0x18;
	s24 =	smul.u32 $0xFA00, s24  }
0x17: {  	s25 =	sand.u32 $0x1, s25;
	s26 =	smul.u32 @!p1 $0x7D, s23  }
0x18: {  	s28 =	sadd.s32 $0x1, s25;
	s25 =	sxor.u32 @!p1 $0x1, s25  }
0x19: {  	_ =	swait.ge [sflag:s28], $0x3E80;
	s24 =	sshrl.u32 s24, $0x2;
	s26 =	sadd.s32 @!p1 s7, s26  }
0x1a: {  	s29 =	smul.u32 @!p1 $0xFA00, s25;
	[sflag:s28] =	ssyncset.done $0x0;
	s26 =	sshll.u32 @!p1 s26, $0x4;
	v1 =	vmov s24  }
0x1b: {  	s25 =	sadd.s32 @!p1 $0x1, s25;
	[sflag:s28] =	ssyncadd.s32 $0xFFFFC180;
	s26 =	sand.u32 @!p1 $0x1FFFFFF0, s26  }
0x1c: {  	s24 =	sshrl.u32 @!p1 s29, $0x2;
	s28 =	simm.s32 @!p1 $0x0;
	s26 =	sadd.s32 @!p1 s1, s26  }
0x1d: {  	[tilespmem:s24], [sflag:s25] =	stream.linear.gather @!p1 [hbm4b:s26+s28], $0x3E80, $0x38;
	[tilespmem:$0x7F00] =	vst v63  }
0x1e: {  	s24 =	simm.s32 $0x0  }
0x1f: {  	v9 =	vld.idx.msk [tilespmem:v1+s24+$0x200 ss:$0x1], $0xffff  }
0x20: {  	v10 =	vld.idx.msk [tilespmem:v1+s24+$0x210 ss:$0x1], $0xffff  }
0x21: {  	v11 =	vld.idx.msk [tilespmem:v1+s24+$0x220 ss:$0x1], $0xffff  }
0x22: {  	v12 =	vld.idx.msk [tilespmem:v1+s24+$0x230 ss:$0x1], $0xffff  }
0x23: {  	v5 =	vld.idx.msk [tilespmem:v1+s24+$0x240 ss:$0x1], $0xffff  }
0x24: {  	v6 =	vld.idx.msk [tilespmem:v1+s24+$0x250 ss:$0x1], $0xffff  }
0x25: {  	v16 =	vld.idx.msk [tilespmem:v1+s24+$0x180 ss:$0x1], $0xffff  }
0x26: {  	v18 =	vld.idx.msk [tilespmem:v1+s24+$0x190 ss:$0x1], $0xffff  }
0x27: {  	v15 =	vld.idx.msk [tilespmem:v1+s24+$0x1A0 ss:$0x1], $0xffff  }
0x28: {  	v17 =	vld.idx.msk [tilespmem:v1+s24+$0x1B0 ss:$0x1], $0xffff  }
0x29: {  	v7 =	vld.idx.msk [tilespmem:v1+s24+$0x1C0 ss:$0x1], $0xffff  }
0x2a: {  	v8 =	vld.idx.msk [tilespmem:v1+s24+$0x1D0 ss:$0x1], $0xffff  }
0x2b: {  	v30 =	vld.idx.msk [tilespmem:v1+s24+$0x100 ss:$0x1], $0xffff  }
0x2c: {  	v31 =	vld.idx.msk [tilespmem:v1+s24+$0x110 ss:$0x1], $0xffff  }
0x2d: {  	v25 =	vld.idx.msk [tilespmem:v1+s24+$0x120 ss:$0x1], $0xffff  }
0x2e: {  	v26 =	vld.idx.msk [tilespmem:v1+s24+$0x130 ss:$0x1], $0xffff  }
0x2f: {  	v28 =	vld.idx.msk [tilespmem:v1+s24+$0x80 ss:$0x1], $0xffff  }
0x30: {  	v29 =	vld.idx.msk [tilespmem:v1+s24+$0x90 ss:$0x1], $0xffff  }
0x31: {  	v23 =	vld.idx.msk [tilespmem:v1+s24+$0x0 ss:$0x1], $0xffff  }
0x32: {  	v24 =	vld.idx.msk [tilespmem:v1+s24+$0x10 ss:$0x1], $0xffff  }
0x33: {  	v27 =	vld.idx.msk [tilespmem:v1+s24+$0x20 ss:$0x1], $0xffff  }
0x34: {  	v32 =	vld.idx.msk [tilespmem:v1+s24+$0x30 ss:$0x1], $0xffff  }
0x35: {  	v33 =	vld.idx.msk [tilespmem:v1+s24+$0xA0 ss:$0x1], $0xffff  }
0x36: {  	v34 =	vld.idx.msk [tilespmem:v1+s24+$0xB0 ss:$0x1], $0xffff  }
0x37: {  	v13 =	vld.idx.msk [tilespmem:v1+s24+$0x140 ss:$0x1], $0xffff  }
0x38: {  	v14 =	vld.idx.msk [tilespmem:v1+s24+$0x150 ss:$0x1], $0xffff  }
0x39: {  	v22 =	vadd.f32 v23, v22;
	v21 =	vadd.f32 v24, v21;
	v23 =	vld.idx.msk [tilespmem:v1+s24+$0xC0 ss:$0x1], $0xffff  }
0x3a: {  	v20 =	vadd.f32 v27, v20;
	v32 =	vadd.f32 v32, v19;
	v24 =	vld.idx.msk [tilespmem:v1+s24+$0xD0 ss:$0x1], $0xffff  }
0x3b: {  	v27 =	vld.idx.msk [tilespmem:v1+s24+$0x40 ss:$0x1], $0xffff;
	v22 =	vadd.f32 v28, v22;
	v35 =	vadd.f32 v29, v21  }
0x3c: {  	v28 =	vld.idx.msk [tilespmem:v1+s24+$0x50 ss:$0x1], $0xffff;
	v19 =	vadd.f32 v33, v20;
	v20 =	vadd.f32 v34, v32  }
0x3d: {  	s25 =	simm.s32 $0xA00;
	v29 =	vld.idx.msk [tilespmem:v1+s24+$0x60 ss:$0x1], $0xffff;
	v21 =	vadd.f32 v30, v22;
	v22 =	vadd.f32 v31, v35  }
.LBB2_4:
0x3e: {  	p1 =	seq.s32 s25, $0xF000;
	v30 =	vld.idx.msk [tilespmem:v1+s24+$0x70 ss:$0x1], $0xffff;
	v19 =	vadd.f32 v25, v19;
	v20 =	vadd.f32 v26, v20  }
0x3f: {  	v25 =	vld.idx.msk [tilespmem:v1+s24+$0xE0 ss:$0x1], $0xffff;
	v16 =	vadd.f32 v16, v21;
	v18 =	vadd.f32 v18, v22  }
0x40: {  	v21 =	vld.idx.msk [tilespmem:v1+s24+$0xF0 ss:$0x1], $0xffff;
	v15 =	vadd.f32 v15, v19;
	v17 =	vadd.f32 v17, v20  }
0x41: {  	v19 =	vld.idx.msk [tilespmem:v1+s24+$0x160 ss:$0x1], $0xffff;
	v20 =	vadd.f32 v9, v16;
	v22 =	vadd.f32 v10, v18  }
0x42: {  	v16 =	vld.idx.msk [tilespmem:v1+s24+$0x170 ss:$0x1], $0xffff;
	v31 =	vadd.f32 v11, v15;
	v32 =	vadd.f32 v12, v17  }
0x43: {  	v4 =	vadd.f32 v27, v4;
	v3 =	vadd.f32 v28, v3;
	v15 =	vld.idx.msk [tilespmem:v1+s24+$0x1E0 ss:$0x1], $0xffff  }
0x44: {  	v2 =	vadd.f32 v29, v2;
	v0 =	vadd.f32 v30, v0;
	v17 =	vld.idx.msk [tilespmem:v1+s24+$0x1F0 ss:$0x1], $0xffff  }
0x45: {  	v4 =	vadd.f32 v23, v4;
	v3 =	vadd.f32 v24, v3;
	v18 =	vld.idx.msk [tilespmem:v1+s24+$0x260 ss:$0x1], $0xffff  }
0x46: {  	v2 =	vadd.f32 v25, v2;
	v0 =	vadd.f32 v21, v0;
	v21 =	vld.idx.msk [tilespmem:v1+s24+$0x270 ss:$0x1], $0xffff;
	s24 =	sshra.s32 s25, $0x2  }
0x47: {  	v4 =	vadd.f32 v13, v4;
	v3 =	vadd.f32 v14, v3;
	v9 =	vld.idx.msk [tilespmem:v1+s24+$0x200 ss:$0x1], $0xffff  }
0x48: {  	v2 =	vadd.f32 v19, v2;
	v0 =	vadd.f32 v16, v0;
	v10 =	vld.idx.msk [tilespmem:v1+s24+$0x210 ss:$0x1], $0xffff  }
0x49: {  	v4 =	vadd.f32 v7, v4;
	v3 =	vadd.f32 v8, v3;
	v11 =	vld.idx.msk [tilespmem:v1+s24+$0x220 ss:$0x1], $0xffff  }
0x4a: {  	v2 =	vadd.f32 v15, v2;
	v0 =	vadd.f32 v17, v0;
	v12 =	vld.idx.msk [tilespmem:v1+s24+$0x230 ss:$0x1], $0xffff  }
0x4b: {  	v4 =	vadd.f32 v5, v4;
	v3 =	vadd.f32 v6, v3;
	v5 =	vld.idx.msk [tilespmem:v1+s24+$0x240 ss:$0x1], $0xffff  }
0x4c: {  	v2 =	vadd.f32 v18, v2;
	v0 =	vadd.f32 v21, v0;
	v6 =	vld.idx.msk [tilespmem:v1+s24+$0x250 ss:$0x1], $0xffff  }
0x4d: {  	v16 =	vld.idx.msk [tilespmem:v1+s24+$0x180 ss:$0x1], $0xffff  }
0x4e: {  	v18 =	vld.idx.msk [tilespmem:v1+s24+$0x190 ss:$0x1], $0xffff  }
0x4f: {  	v15 =	vld.idx.msk [tilespmem:v1+s24+$0x1A0 ss:$0x1], $0xffff  }
0x50: {  	v17 =	vld.idx.msk [tilespmem:v1+s24+$0x1B0 ss:$0x1], $0xffff  }
0x51: {  	v7 =	vld.idx.msk [tilespmem:v1+s24+$0x1C0 ss:$0x1], $0xffff  }
0x52: {  	v8 =	vld.idx.msk [tilespmem:v1+s24+$0x1D0 ss:$0x1], $0xffff  }
0x53: {  	v21 =	vld.idx.msk [tilespmem:v1+s24+$0x100 ss:$0x1], $0xffff  }
0x54: {  	v30 =	vld.idx.msk [tilespmem:v1+s24+$0x110 ss:$0x1], $0xffff  }
0x55: {  	v25 =	vld.idx.msk [tilespmem:v1+s24+$0x120 ss:$0x1], $0xffff  }
0x56: {  	v26 =	vld.idx.msk [tilespmem:v1+s24+$0x130 ss:$0x1], $0xffff  }
0x57: {  	v19 =	vld.idx.msk [tilespmem:v1+s24+$0x80 ss:$0x1], $0xffff  }
0x58: {  	v28 =	vld.idx.msk [tilespmem:v1+s24+$0x90 ss:$0x1], $0xffff  }
0x59: {  	v23 =	vld.idx.msk [tilespmem:v1+s24+$0x0 ss:$0x1], $0xffff  }
0x5a: {  	v24 =	vld.idx.msk [tilespmem:v1+s24+$0x10 ss:$0x1], $0xffff  }
0x5b: {  	v27 =	vld.idx.msk [tilespmem:v1+s24+$0x20 ss:$0x1], $0xffff  }
0x5c: {  	v29 =	vld.idx.msk [tilespmem:v1+s24+$0x30 ss:$0x1], $0xffff  }
0x5d: {  	v33 =	vld.idx.msk [tilespmem:v1+s24+$0xA0 ss:$0x1], $0xffff  }
0x5e: {  	v34 =	vld.idx.msk [tilespmem:v1+s24+$0xB0 ss:$0x1], $0xffff  }
0x5f: {  	v13 =	vld.idx.msk [tilespmem:v1+s24+$0x140 ss:$0x1], $0xffff  }
0x60: {  	v14 =	vld.idx.msk [tilespmem:v1+s24+$0x150 ss:$0x1], $0xffff  }
.Ltmp0:
0x61: {  	v20 =	vadd.f32 v23, v20;
	v22 =	vadd.f32 v24, v22;
	v23 =	vld.idx.msk [tilespmem:v1+s24+$0xC0 ss:$0x1], $0xffff;
	(pc) =	sbr.rel @!p1 .LBB2_4-.Ltmp0, $4  }
0x62: {  	v31 =	vadd.f32 v27, v31;
	v29 =	vadd.f32 v29, v32;
	v24 =	vld.idx.msk [tilespmem:v1+s24+$0xD0 ss:$0x1], $0xffff  }
0x63: {  	v32 =	vadd.f32 v19, v20;
	v22 =	vadd.f32 v28, v22;
	v27 =	vld.idx.msk [tilespmem:v1+s24+$0x40 ss:$0x1], $0xffff  }
0x64: {  	v19 =	vadd.f32 v33, v31;
	v20 =	vadd.f32 v34, v29;
	v28 =	vld.idx.msk [tilespmem:v1+s24+$0x50 ss:$0x1], $0xffff  }
0x65: {  	s25 =	sadd.s32 $0xA00, s25;
	v21 =	vadd.f32 v21, v32;
	v22 =	vadd.f32 v30, v22;
	v29 =	vld.idx.msk [tilespmem:v1+s24+$0x60 ss:$0x1], $0xffff  }
0x66: {  	_ =	sdelay $0x2  }
0x67: {  	v19 =	vadd.f32 v25, v19;
	v20 =	vadd.f32 v26, v20  }
0x68: {  	v57 =	vld.idx.msk [tilespmem:v1+s24+$0x70 ss:$0x1], $0xffff;
	v16 =	vadd.f32 v16, v21;
	v18 =	vadd.f32 v18, v22  }
0x69: {  	v58 =	vld.idx.msk [tilespmem:v1+s24+$0xE0 ss:$0x1], $0xffff;
	v15 =	vadd.f32 v15, v19;
	v17 =	vadd.f32 v17, v20  }
0x6a: {  	v30 =	vld.idx.msk [tilespmem:v1+s24+$0xF0 ss:$0x1], $0xffff;
	v4 =	vadd.f32 v27, v4;
	v22 =	vadd.f32 v9, v16  }
0x6b: {  	v59 =	vld.idx.msk [tilespmem:v1+s24+$0x160 ss:$0x1], $0xffff;
	v21 =	vadd.f32 v10, v18;
	v3 =	vadd.f32 v28, v3  }
0x6c: {  	v60 =	vld.idx.msk [tilespmem:v1+s24+$0x170 ss:$0x1], $0xffff;
	v20 =	vadd.f32 v11, v15;
	v19 =	vadd.f32 v12, v17  }
0x6d: {  	v61 =	vld.idx.msk [tilespmem:v1+s24+$0x1E0 ss:$0x1], $0xffff;
	v2 =	vadd.f32 v29, v2;
	v0 =	vadd.f32 v57, v0  }
0x6e: {  	v62 =	vld.idx.msk [tilespmem:v1+s24+$0x1F0 ss:$0x1], $0xffff;
	v4 =	vadd.f32 v23, v4;
	v3 =	vadd.f32 v24, v3  }
0x6f: {  	v63 =	vld.idx.msk [tilespmem:v1+s24+$0x260 ss:$0x1], $0xffff;
	v2 =	vadd.f32 v58, v2;
	v0 =	vadd.f32 v30, v0  }
0x70: {  	v1 =	vld.idx.msk [tilespmem:v1+s24+$0x270 ss:$0x1], $0xffff;
	v4 =	vadd.f32 v13, v4;
	v3 =	vadd.f32 v14, v3  }
0x71: {  	v2 =	vadd.f32 v59, v2;
	v0 =	vadd.f32 v60, v0  }
0x72: {  	v4 =	vadd.f32 v7, v4;
	v3 =	vadd.f32 v8, v3  }
0x73: {  	v2 =	vadd.f32 v61, v2;
	v0 =	vadd.f32 v62, v0  }
0x74: {  	v4 =	vadd.f32 v5, v4;
	v3 =	vadd.f32 v6, v3  }
0x75: {  	v2 =	vadd.f32 v63, v2;
	v0 =	vadd.f32 v1, v0  }
0x76: {  	p1 =	seq.s32 s23, $0x19  }
.Ltmp1:
0x77: {  	_ = 	snop;
	(pc) =	sbr.rel @!p1 .LBB2_3-.Ltmp1, $2  }
0x78: {  	_ =	sdelay $0x2  }
0x79: {  	p0 =	por !p0, !p0  }
0x7a: {  	[tilespmem:$0x7D00] =	vst v22  }
0x7b: {  	[tilespmem:$0x7D10] =	vst v21  }
0x7c: {  	[tilespmem:$0x7D20] =	vst v20  }
0x7d: {  	[tilespmem:$0x7D30] =	vst v19  }
0x7e: {  	[tilespmem:$0x7D40] =	vst v4  }
0x7f: {  	[tilespmem:$0x7D60] =	vst v2  }
0x80: {  	[tilespmem:$0x7D70] =	vst v0;
	v0 =	vimm.f32 $0.0e+00;
	v2 =	vimm.f32 $0.0e+00  }
0x81: {  	[tilespmem:$0x7D50] =	vst v3;
	s23 =	simm.s32 $0x0;
	v3 =	vimm.f32 $0.0e+00;
	v4 =	vimm.f32 $0.0e+00;
	v19 =	vimm.f32 $0.0e+00;
	p0 =	por $0x0, $0x0  }
0x82: {  	v20 =	vimm.f32 $0.0e+00;
	v21 =	vimm.f32 $0.0e+00;
	v22 =	vimm.f32 $0.0e+00;
	[tilespmem:s23], [sflag:$0x1] =	stream.linear.gather [hbm4b:s9+s23], $0x3E80, $0x38;
	[tilespmem:$0x7F00] =	vst v63  }
.LBB2_8:
0x83: {  	s24 =	simm.s32 $0x1  }
0x84: {  	s25 =	smov.u32 s23;
	s24 =	simm.s32 @!p0 $0x0  }
0x85: {  	s23 =	sadd.s32 $0x1, s23;
	p1 =	seq.s32 s25, $0x18;
	s24 =	smul.u32 $0xFA00, s24  }
0x86: {  	s25 =	sand.u32 $0x1, s25;
	s26 =	smul.u32 @!p1 $0x7D, s23  }
0x87: {  	s28 =	sadd.s32 $0x1, s25;
	s25 =	sxor.u32 @!p1 $0x1, s25  }
0x88: {  	_ =	swait.ge [sflag:s28], $0x3E80;
	s24 =	sshrl.u32 s24, $0x2;
	s26 =	sadd.s32 @!p1 s7, s26  }
0x89: {  	s29 =	smul.u32 @!p1 $0xFA00, s25;
	[sflag:s28] =	ssyncset.done $0x0;
	s26 =	sshll.u32 @!p1 s26, $0x4;
	v1 =	vmov s24  }
0x8a: {  	s25 =	sadd.s32 @!p1 $0x1, s25;
	[sflag:s28] =	ssyncadd.s32 $0xFFFFC180;
	s26 =	sand.u32 @!p1 $0x1FFFFFF0, s26  }
0x8b: {  	s24 =	sshrl.u32 @!p1 s29, $0x2;
	s28 =	simm.s32 @!p1 $0x0;
	s26 =	sadd.s32 @!p1 s2, s26  }
0x8c: {  	[tilespmem:s24], [sflag:s25] =	stream.linear.gather @!p1 [hbm4b:s26+s28], $0x3E80, $0x38;
	[tilespmem:$0x7F00] =	vst v63  }
0x8d: {  	s24 =	simm.s32 $0x0  }
0x8e: {  	v9 =	vld.idx.msk [tilespmem:v1+s24+$0x200 ss:$0x1], $0xffff  }
0x8f: {  	v10 =	vld.idx.msk [tilespmem:v1+s24+$0x210 ss:$0x1], $0xffff  }
0x90: {  	v11 =	vld.idx.msk [tilespmem:v1+s24+$0x220 ss:$0x1], $0xffff  }
0x91: {  	v12 =	vld.idx.msk [tilespmem:v1+s24+$0x230 ss:$0x1], $0xffff  }
0x92: {  	v5 =	vld.idx.msk [tilespmem:v1+s24+$0x240 ss:$0x1], $0xffff  }
0x93: {  	v6 =	vld.idx.msk [tilespmem:v1+s24+$0x250 ss:$0x1], $0xffff  }
0x94: {  	v16 =	vld.idx.msk [tilespmem:v1+s24+$0x180 ss:$0x1], $0xffff  }
0x95: {  	v18 =	vld.idx.msk [tilespmem:v1+s24+$0x190 ss:$0x1], $0xffff  }
0x96: {  	v15 =	vld.idx.msk [tilespmem:v1+s24+$0x1A0 ss:$0x1], $0xffff  }
0x97: {  	v17 =	vld.idx.msk [tilespmem:v1+s24+$0x1B0 ss:$0x1], $0xffff  }
0x98: {  	v7 =	vld.idx.msk [tilespmem:v1+s24+$0x1C0 ss:$0x1], $0xffff  }
0x99: {  	v8 =	vld.idx.msk [tilespmem:v1+s24+$0x1D0 ss:$0x1], $0xffff  }
0x9a: {  	v30 =	vld.idx.msk [tilespmem:v1+s24+$0x100 ss:$0x1], $0xffff  }
0x9b: {  	v31 =	vld.idx.msk [tilespmem:v1+s24+$0x110 ss:$0x1], $0xffff  }
0x9c: {  	v25 =	vld.idx.msk [tilespmem:v1+s24+$0x120 ss:$0x1], $0xffff  }
0x9d: {  	v26 =	vld.idx.msk [tilespmem:v1+s24+$0x130 ss:$0x1], $0xffff  }
0x9e: {  	v28 =	vld.idx.msk [tilespmem:v1+s24+$0x80 ss:$0x1], $0xffff  }
0x9f: {  	v29 =	vld.idx.msk [tilespmem:v1+s24+$0x90 ss:$0x1], $0xffff  }
0xa0: {  	v23 =	vld.idx.msk [tilespmem:v1+s24+$0x0 ss:$0x1], $0xffff  }
0xa1: {  	v24 =	vld.idx.msk [tilespmem:v1+s24+$0x10 ss:$0x1], $0xffff  }
0xa2: {  	v27 =	vld.idx.msk [tilespmem:v1+s24+$0x20 ss:$0x1], $0xffff  }
0xa3: {  	v32 =	vld.idx.msk [tilespmem:v1+s24+$0x30 ss:$0x1], $0xffff  }
0xa4: {  	v33 =	vld.idx.msk [tilespmem:v1+s24+$0xA0 ss:$0x1], $0xffff  }
0xa5: {  	v34 =	vld.idx.msk [tilespmem:v1+s24+$0xB0 ss:$0x1], $0xffff  }
0xa6: {  	v13 =	vld.idx.msk [tilespmem:v1+s24+$0x140 ss:$0x1], $0xffff  }
0xa7: {  	v14 =	vld.idx.msk [tilespmem:v1+s24+$0x150 ss:$0x1], $0xffff  }
0xa8: {  	v22 =	vadd.f32 v23, v22;
	v21 =	vadd.f32 v24, v21;
	v23 =	vld.idx.msk [tilespmem:v1+s24+$0xC0 ss:$0x1], $0xffff  }
0xa9: {  	v20 =	vadd.f32 v27, v20;
	v32 =	vadd.f32 v32, v19;
	v24 =	vld.idx.msk [tilespmem:v1+s24+$0xD0 ss:$0x1], $0xffff  }
0xaa: {  	v27 =	vld.idx.msk [tilespmem:v1+s24+$0x40 ss:$0x1], $0xffff;
	v22 =	vadd.f32 v28, v22;
	v35 =	vadd.f32 v29, v21  }
0xab: {  	v28 =	vld.idx.msk [tilespmem:v1+s24+$0x50 ss:$0x1], $0xffff;
	v19 =	vadd.f32 v33, v20;
	v20 =	vadd.f32 v34, v32  }
0xac: {  	s25 =	simm.s32 $0xA00;
	v29 =	vld.idx.msk [tilespmem:v1+s24+$0x60 ss:$0x1], $0xffff;
	v21 =	vadd.f32 v30, v22;
	v22 =	vadd.f32 v31, v35  }
.LBB2_9:
0xad: {  	p1 =	seq.s32 s25, $0xF000;
	v30 =	vld.idx.msk [tilespmem:v1+s24+$0x70 ss:$0x1], $0xffff;
	v19 =	vadd.f32 v25, v19;
	v20 =	vadd.f32 v26, v20  }
0xae: {  	v25 =	vld.idx.msk [tilespmem:v1+s24+$0xE0 ss:$0x1], $0xffff;
	v16 =	vadd.f32 v16, v21;
	v18 =	vadd.f32 v18, v22  }
0xaf: {  	v21 =	vld.idx.msk [tilespmem:v1+s24+$0xF0 ss:$0x1], $0xffff;
	v15 =	vadd.f32 v15, v19;
	v17 =	vadd.f32 v17, v20  }
0xb0: {  	v19 =	vld.idx.msk [tilespmem:v1+s24+$0x160 ss:$0x1], $0xffff;
	v20 =	vadd.f32 v9, v16;
	v22 =	vadd.f32 v10, v18  }
0xb1: {  	v16 =	vld.idx.msk [tilespmem:v1+s24+$0x170 ss:$0x1], $0xffff;
	v31 =	vadd.f32 v11, v15;
	v32 =	vadd.f32 v12, v17  }
0xb2: {  	v4 =	vadd.f32 v27, v4;
	v3 =	vadd.f32 v28, v3;
	v15 =	vld.idx.msk [tilespmem:v1+s24+$0x1E0 ss:$0x1], $0xffff  }
0xb3: {  	v2 =	vadd.f32 v29, v2;
	v0 =	vadd.f32 v30, v0;
	v17 =	vld.idx.msk [tilespmem:v1+s24+$0x1F0 ss:$0x1], $0xffff  }
0xb4: {  	v4 =	vadd.f32 v23, v4;
	v3 =	vadd.f32 v24, v3;
	v18 =	vld.idx.msk [tilespmem:v1+s24+$0x260 ss:$0x1], $0xffff  }
0xb5: {  	v2 =	vadd.f32 v25, v2;
	v0 =	vadd.f32 v21, v0;
	v21 =	vld.idx.msk [tilespmem:v1+s24+$0x270 ss:$0x1], $0xffff;
	s24 =	sshra.s32 s25, $0x2  }
0xb6: {  	v4 =	vadd.f32 v13, v4;
	v3 =	vadd.f32 v14, v3;
	v9 =	vld.idx.msk [tilespmem:v1+s24+$0x200 ss:$0x1], $0xffff  }
0xb7: {  	v2 =	vadd.f32 v19, v2;
	v0 =	vadd.f32 v16, v0;
	v10 =	vld.idx.msk [tilespmem:v1+s24+$0x210 ss:$0x1], $0xffff  }
0xb8: {  	v4 =	vadd.f32 v7, v4;
	v3 =	vadd.f32 v8, v3;
	v11 =	vld.idx.msk [tilespmem:v1+s24+$0x220 ss:$0x1], $0xffff  }
0xb9: {  	v2 =	vadd.f32 v15, v2;
	v0 =	vadd.f32 v17, v0;
	v12 =	vld.idx.msk [tilespmem:v1+s24+$0x230 ss:$0x1], $0xffff  }
0xba: {  	v4 =	vadd.f32 v5, v4;
	v3 =	vadd.f32 v6, v3;
	v5 =	vld.idx.msk [tilespmem:v1+s24+$0x240 ss:$0x1], $0xffff  }
0xbb: {  	v2 =	vadd.f32 v18, v2;
	v0 =	vadd.f32 v21, v0;
	v6 =	vld.idx.msk [tilespmem:v1+s24+$0x250 ss:$0x1], $0xffff  }
0xbc: {  	v16 =	vld.idx.msk [tilespmem:v1+s24+$0x180 ss:$0x1], $0xffff  }
0xbd: {  	v18 =	vld.idx.msk [tilespmem:v1+s24+$0x190 ss:$0x1], $0xffff  }
0xbe: {  	v15 =	vld.idx.msk [tilespmem:v1+s24+$0x1A0 ss:$0x1], $0xffff  }
0xbf: {  	v17 =	vld.idx.msk [tilespmem:v1+s24+$0x1B0 ss:$0x1], $0xffff  }
0xc0: {  	v7 =	vld.idx.msk [tilespmem:v1+s24+$0x1C0 ss:$0x1], $0xffff  }
0xc1: {  	v8 =	vld.idx.msk [tilespmem:v1+s24+$0x1D0 ss:$0x1], $0xffff  }
0xc2: {  	v21 =	vld.idx.msk [tilespmem:v1+s24+$0x100 ss:$0x1], $0xffff  }
0xc3: {  	v30 =	vld.idx.msk [tilespmem:v1+s24+$0x110 ss:$0x1], $0xffff  }
0xc4: {  	v25 =	vld.idx.msk [tilespmem:v1+s24+$0x120 ss:$0x1], $0xffff  }
0xc5: {  	v26 =	vld.idx.msk [tilespmem:v1+s24+$0x130 ss:$0x1], $0xffff  }
0xc6: {  	v19 =	vld.idx.msk [tilespmem:v1+s24+$0x80 ss:$0x1], $0xffff  }
0xc7: {  	v28 =	vld.idx.msk [tilespmem:v1+s24+$0x90 ss:$0x1], $0xffff  }
0xc8: {  	v23 =	vld.idx.msk [tilespmem:v1+s24+$0x0 ss:$0x1], $0xffff  }
0xc9: {  	v24 =	vld.idx.msk [tilespmem:v1+s24+$0x10 ss:$0x1], $0xffff  }
0xca: {  	v27 =	vld.idx.msk [tilespmem:v1+s24+$0x20 ss:$0x1], $0xffff  }
0xcb: {  	v29 =	vld.idx.msk [tilespmem:v1+s24+$0x30 ss:$0x1], $0xffff  }
0xcc: {  	v33 =	vld.idx.msk [tilespmem:v1+s24+$0xA0 ss:$0x1], $0xffff  }
0xcd: {  	v34 =	vld.idx.msk [tilespmem:v1+s24+$0xB0 ss:$0x1], $0xffff  }
0xce: {  	v13 =	vld.idx.msk [tilespmem:v1+s24+$0x140 ss:$0x1], $0xffff  }
0xcf: {  	v14 =	vld.idx.msk [tilespmem:v1+s24+$0x150 ss:$0x1], $0xffff  }
.Ltmp2:
0xd0: {  	v20 =	vadd.f32 v23, v20;
	v22 =	vadd.f32 v24, v22;
	v23 =	vld.idx.msk [tilespmem:v1+s24+$0xC0 ss:$0x1], $0xffff;
	(pc) =	sbr.rel @!p1 .LBB2_9-.Ltmp2, $4  }
0xd1: {  	v31 =	vadd.f32 v27, v31;
	v29 =	vadd.f32 v29, v32;
	v24 =	vld.idx.msk [tilespmem:v1+s24+$0xD0 ss:$0x1], $0xffff  }
0xd2: {  	v32 =	vadd.f32 v19, v20;
	v22 =	vadd.f32 v28, v22;
	v27 =	vld.idx.msk [tilespmem:v1+s24+$0x40 ss:$0x1], $0xffff  }
0xd3: {  	v19 =	vadd.f32 v33, v31;
	v20 =	vadd.f32 v34, v29;
	v28 =	vld.idx.msk [tilespmem:v1+s24+$0x50 ss:$0x1], $0xffff  }
0xd4: {  	s25 =	sadd.s32 $0xA00, s25;
	v21 =	vadd.f32 v21, v32;
	v22 =	vadd.f32 v30, v22;
	v29 =	vld.idx.msk [tilespmem:v1+s24+$0x60 ss:$0x1], $0xffff  }
0xd5: {  	_ =	sdelay $0x2  }
0xd6: {  	v19 =	vadd.f32 v25, v19;
	v20 =	vadd.f32 v26, v20  }
0xd7: {  	v57 =	vld.idx.msk [tilespmem:v1+s24+$0x70 ss:$0x1], $0xffff;
	v16 =	vadd.f32 v16, v21;
	v18 =	vadd.f32 v18, v22  }
0xd8: {  	v58 =	vld.idx.msk [tilespmem:v1+s24+$0xE0 ss:$0x1], $0xffff;
	v15 =	vadd.f32 v15, v19;
	v17 =	vadd.f32 v17, v20  }
0xd9: {  	v30 =	vld.idx.msk [tilespmem:v1+s24+$0xF0 ss:$0x1], $0xffff;
	v4 =	vadd.f32 v27, v4;
	v22 =	vadd.f32 v9, v16  }
0xda: {  	v59 =	vld.idx.msk [tilespmem:v1+s24+$0x160 ss:$0x1], $0xffff;
	v21 =	vadd.f32 v10, v18;
	v3 =	vadd.f32 v28, v3  }
0xdb: {  	v60 =	vld.idx.msk [tilespmem:v1+s24+$0x170 ss:$0x1], $0xffff;
	v20 =	vadd.f32 v11, v15;
	v19 =	vadd.f32 v12, v17  }
0xdc: {  	v61 =	vld.idx.msk [tilespmem:v1+s24+$0x1E0 ss:$0x1], $0xffff;
	v2 =	vadd.f32 v29, v2;
	v0 =	vadd.f32 v57, v0  }
0xdd: {  	v62 =	vld.idx.msk [tilespmem:v1+s24+$0x1F0 ss:$0x1], $0xffff;
	v4 =	vadd.f32 v23, v4;
	v3 =	vadd.f32 v24, v3  }
0xde: {  	v63 =	vld.idx.msk [tilespmem:v1+s24+$0x260 ss:$0x1], $0xffff;
	v2 =	vadd.f32 v58, v2;
	v0 =	vadd.f32 v30, v0  }
0xdf: {  	v1 =	vld.idx.msk [tilespmem:v1+s24+$0x270 ss:$0x1], $0xffff;
	v4 =	vadd.f32 v13, v4;
	v3 =	vadd.f32 v14, v3  }
0xe0: {  	v2 =	vadd.f32 v59, v2;
	v0 =	vadd.f32 v60, v0  }
0xe1: {  	v4 =	vadd.f32 v7, v4;
	v3 =	vadd.f32 v8, v3  }
0xe2: {  	v2 =	vadd.f32 v61, v2;
	v0 =	vadd.f32 v62, v0  }
0xe3: {  	v4 =	vadd.f32 v5, v4;
	v3 =	vadd.f32 v6, v3  }
0xe4: {  	v2 =	vadd.f32 v63, v2;
	v0 =	vadd.f32 v1, v0  }
0xe5: {  	p1 =	seq.s32 s23, $0x19  }
.Ltmp3:
0xe6: {  	_ = 	snop;
	(pc) =	sbr.rel @!p1 .LBB2_8-.Ltmp3, $2  }
0xe7: {  	_ =	sdelay $0x2  }
0xe8: {  	p0 =	por !p0, !p0  }
0xe9: {  	[tilespmem:$0x7D80] =	vst v22  }
0xea: {  	[tilespmem:$0x7D90] =	vst v21  }
0xeb: {  	[tilespmem:$0x7DA0] =	vst v20  }
0xec: {  	[tilespmem:$0x7DB0] =	vst v19  }
0xed: {  	[tilespmem:$0x7DC0] =	vst v4  }
0xee: {  	[tilespmem:$0x7DE0] =	vst v2  }
0xef: {  	[tilespmem:$0x7DF0] =	vst v0;
	v0 =	vimm.f32 $0.0e+00;
	v2 =	vimm.f32 $0.0e+00  }
0xf0: {  	[tilespmem:$0x7DD0] =	vst v3;
	s23 =	simm.s32 $0x0;
	v3 =	vimm.f32 $0.0e+00;
	v4 =	vimm.f32 $0.0e+00;
	v19 =	vimm.f32 $0.0e+00;
	p0 =	por $0x0, $0x0  }
0xf1: {  	v20 =	vimm.f32 $0.0e+00;
	v21 =	vimm.f32 $0.0e+00;
	v22 =	vimm.f32 $0.0e+00;
	[tilespmem:s23], [sflag:$0x1] =	stream.linear.gather [hbm4b:s10+s23], $0x3E80, $0x38;
	[tilespmem:$0x7F00] =	vst v63  }
.LBB2_13:
0xf2: {  	s24 =	simm.s32 $0x1  }
0xf3: {  	s25 =	smov.u32 s23;
	s24 =	simm.s32 @!p0 $0x0  }
0xf4: {  	s23 =	sadd.s32 $0x1, s23;
	p1 =	seq.s32 s25, $0x18;
	s24 =	smul.u32 $0xFA00, s24  }
0xf5: {  	s25 =	sand.u32 $0x1, s25;
	s26 =	smul.u32 @!p1 $0x7D, s23  }
0xf6: {  	s28 =	sadd.s32 $0x1, s25;
	s25 =	sxor.u32 @!p1 $0x1, s25  }
0xf7: {  	_ =	swait.ge [sflag:s28], $0x3E80;
	s24 =	sshrl.u32 s24, $0x2;
	s26 =	sadd.s32 @!p1 s7, s26  }
0xf8: {  	s29 =	smul.u32 @!p1 $0xFA00, s25;
	[sflag:s28] =	ssyncset.done $0x0;
	s26 =	sshll.u32 @!p1 s26, $0x4;
	v1 =	vmov s24  }
0xf9: {  	s25 =	sadd.s32 @!p1 $0x1, s25;
	[sflag:s28] =	ssyncadd.s32 $0xFFFFC180;
	s26 =	sand.u32 @!p1 $0x1FFFFFF0, s26  }
0xfa: {  	s24 =	sshrl.u32 @!p1 s29, $0x2;
	s28 =	simm.s32 @!p1 $0x0;
	s26 =	sadd.s32 @!p1 s3, s26  }
0xfb: {  	[tilespmem:s24], [sflag:s25] =	stream.linear.gather @!p1 [hbm4b:s26+s28], $0x3E80, $0x38;
	[tilespmem:$0x7F00] =	vst v63  }
0xfc: {  	s24 =	simm.s32 $0x0  }
0xfd: {  	v9 =	vld.idx.msk [tilespmem:v1+s24+$0x200 ss:$0x1], $0xffff  }
0xfe: {  	v10 =	vld.idx.msk [tilespmem:v1+s24+$0x210 ss:$0x1], $0xffff  }
0xff: {  	v11 =	vld.idx.msk [tilespmem:v1+s24+$0x220 ss:$0x1], $0xffff  }
0x100: {  	v12 =	vld.idx.msk [tilespmem:v1+s24+$0x230 ss:$0x1], $0xffff  }
0x101: {  	v5 =	vld.idx.msk [tilespmem:v1+s24+$0x240 ss:$0x1], $0xffff  }
0x102: {  	v6 =	vld.idx.msk [tilespmem:v1+s24+$0x250 ss:$0x1], $0xffff  }
0x103: {  	v16 =	vld.idx.msk [tilespmem:v1+s24+$0x180 ss:$0x1], $0xffff  }
0x104: {  	v18 =	vld.idx.msk [tilespmem:v1+s24+$0x190 ss:$0x1], $0xffff  }
0x105: {  	v15 =	vld.idx.msk [tilespmem:v1+s24+$0x1A0 ss:$0x1], $0xffff  }
0x106: {  	v17 =	vld.idx.msk [tilespmem:v1+s24+$0x1B0 ss:$0x1], $0xffff  }
0x107: {  	v7 =	vld.idx.msk [tilespmem:v1+s24+$0x1C0 ss:$0x1], $0xffff  }
0x108: {  	v8 =	vld.idx.msk [tilespmem:v1+s24+$0x1D0 ss:$0x1], $0xffff  }
0x109: {  	v30 =	vld.idx.msk [tilespmem:v1+s24+$0x100 ss:$0x1], $0xffff  }
0x10a: {  	v31 =	vld.idx.msk [tilespmem:v1+s24+$0x110 ss:$0x1], $0xffff  }
0x10b: {  	v25 =	vld.idx.msk [tilespmem:v1+s24+$0x120 ss:$0x1], $0xffff  }
0x10c: {  	v26 =	vld.idx.msk [tilespmem:v1+s24+$0x130 ss:$0x1], $0xffff  }
0x10d: {  	v28 =	vld.idx.msk [tilespmem:v1+s24+$0x80 ss:$0x1], $0xffff  }
0x10e: {  	v29 =	vld.idx.msk [tilespmem:v1+s24+$0x90 ss:$0x1], $0xffff  }
0x10f: {  	v23 =	vld.idx.msk [tilespmem:v1+s24+$0x0 ss:$0x1], $0xffff  }
0x110: {  	v24 =	vld.idx.msk [tilespmem:v1+s24+$0x10 ss:$0x1], $0xffff  }
0x111: {  	v27 =	vld.idx.msk [tilespmem:v1+s24+$0x20 ss:$0x1], $0xffff  }
0x112: {  	v32 =	vld.idx.msk [tilespmem:v1+s24+$0x30 ss:$0x1], $0xffff  }
0x113: {  	v33 =	vld.idx.msk [tilespmem:v1+s24+$0xA0 ss:$0x1], $0xffff  }
0x114: {  	v34 =	vld.idx.msk [tilespmem:v1+s24+$0xB0 ss:$0x1], $0xffff  }
0x115: {  	v13 =	vld.idx.msk [tilespmem:v1+s24+$0x140 ss:$0x1], $0xffff  }
0x116: {  	v14 =	vld.idx.msk [tilespmem:v1+s24+$0x150 ss:$0x1], $0xffff  }
0x117: {  	v22 =	vadd.f32 v23, v22;
	v21 =	vadd.f32 v24, v21;
	v23 =	vld.idx.msk [tilespmem:v1+s24+$0xC0 ss:$0x1], $0xffff  }
0x118: {  	v20 =	vadd.f32 v27, v20;
	v32 =	vadd.f32 v32, v19;
	v24 =	vld.idx.msk [tilespmem:v1+s24+$0xD0 ss:$0x1], $0xffff  }
0x119: {  	v27 =	vld.idx.msk [tilespmem:v1+s24+$0x40 ss:$0x1], $0xffff;
	v22 =	vadd.f32 v28, v22;
	v35 =	vadd.f32 v29, v21  }
0x11a: {  	v28 =	vld.idx.msk [tilespmem:v1+s24+$0x50 ss:$0x1], $0xffff;
	v19 =	vadd.f32 v33, v20;
	v20 =	vadd.f32 v34, v32  }
0x11b: {  	s25 =	simm.s32 $0xA00;
	v29 =	vld.idx.msk [tilespmem:v1+s24+$0x60 ss:$0x1], $0xffff;
	v21 =	vadd.f32 v30, v22;
	v22 =	vadd.f32 v31, v35  }
.LBB2_14:
0x11c: {  	p1 =	seq.s32 s25, $0xF000;
	v30 =	vld.idx.msk [tilespmem:v1+s24+$0x70 ss:$0x1], $0xffff;
	v19 =	vadd.f32 v25, v19;
	v20 =	vadd.f32 v26, v20  }
0x11d: {  	v25 =	vld.idx.msk [tilespmem:v1+s24+$0xE0 ss:$0x1], $0xffff;
	v16 =	vadd.f32 v16, v21;
	v18 =	vadd.f32 v18, v22  }
0x11e: {  	v21 =	vld.idx.msk [tilespmem:v1+s24+$0xF0 ss:$0x1], $0xffff;
	v15 =	vadd.f32 v15, v19;
	v17 =	vadd.f32 v17, v20  }
0x11f: {  	v19 =	vld.idx.msk [tilespmem:v1+s24+$0x160 ss:$0x1], $0xffff;
	v20 =	vadd.f32 v9, v16;
	v22 =	vadd.f32 v10, v18  }
0x120: {  	v16 =	vld.idx.msk [tilespmem:v1+s24+$0x170 ss:$0x1], $0xffff;
	v31 =	vadd.f32 v11, v15;
	v32 =	vadd.f32 v12, v17  }
0x121: {  	v4 =	vadd.f32 v27, v4;
	v3 =	vadd.f32 v28, v3;
	v15 =	vld.idx.msk [tilespmem:v1+s24+$0x1E0 ss:$0x1], $0xffff  }
0x122: {  	v2 =	vadd.f32 v29, v2;
	v0 =	vadd.f32 v30, v0;
	v17 =	vld.idx.msk [tilespmem:v1+s24+$0x1F0 ss:$0x1], $0xffff  }
0x123: {  	v4 =	vadd.f32 v23, v4;
	v3 =	vadd.f32 v24, v3;
	v18 =	vld.idx.msk [tilespmem:v1+s24+$0x260 ss:$0x1], $0xffff  }
0x124: {  	v2 =	vadd.f32 v25, v2;
	v0 =	vadd.f32 v21, v0;
	v21 =	vld.idx.msk [tilespmem:v1+s24+$0x270 ss:$0x1], $0xffff;
	s24 =	sshra.s32 s25, $0x2  }
0x125: {  	v4 =	vadd.f32 v13, v4;
	v3 =	vadd.f32 v14, v3;
	v9 =	vld.idx.msk [tilespmem:v1+s24+$0x200 ss:$0x1], $0xffff  }
0x126: {  	v2 =	vadd.f32 v19, v2;
	v0 =	vadd.f32 v16, v0;
	v10 =	vld.idx.msk [tilespmem:v1+s24+$0x210 ss:$0x1], $0xffff  }
0x127: {  	v4 =	vadd.f32 v7, v4;
	v3 =	vadd.f32 v8, v3;
	v11 =	vld.idx.msk [tilespmem:v1+s24+$0x220 ss:$0x1], $0xffff  }
0x128: {  	v2 =	vadd.f32 v15, v2;
	v0 =	vadd.f32 v17, v0;
	v12 =	vld.idx.msk [tilespmem:v1+s24+$0x230 ss:$0x1], $0xffff  }
0x129: {  	v4 =	vadd.f32 v5, v4;
	v3 =	vadd.f32 v6, v3;
	v5 =	vld.idx.msk [tilespmem:v1+s24+$0x240 ss:$0x1], $0xffff  }
0x12a: {  	v2 =	vadd.f32 v18, v2;
	v0 =	vadd.f32 v21, v0;
	v6 =	vld.idx.msk [tilespmem:v1+s24+$0x250 ss:$0x1], $0xffff  }
0x12b: {  	v16 =	vld.idx.msk [tilespmem:v1+s24+$0x180 ss:$0x1], $0xffff  }
0x12c: {  	v18 =	vld.idx.msk [tilespmem:v1+s24+$0x190 ss:$0x1], $0xffff  }
0x12d: {  	v15 =	vld.idx.msk [tilespmem:v1+s24+$0x1A0 ss:$0x1], $0xffff  }
0x12e: {  	v17 =	vld.idx.msk [tilespmem:v1+s24+$0x1B0 ss:$0x1], $0xffff  }
0x12f: {  	v7 =	vld.idx.msk [tilespmem:v1+s24+$0x1C0 ss:$0x1], $0xffff  }
0x130: {  	v8 =	vld.idx.msk [tilespmem:v1+s24+$0x1D0 ss:$0x1], $0xffff  }
0x131: {  	v21 =	vld.idx.msk [tilespmem:v1+s24+$0x100 ss:$0x1], $0xffff  }
0x132: {  	v30 =	vld.idx.msk [tilespmem:v1+s24+$0x110 ss:$0x1], $0xffff  }
0x133: {  	v25 =	vld.idx.msk [tilespmem:v1+s24+$0x120 ss:$0x1], $0xffff  }
0x134: {  	v26 =	vld.idx.msk [tilespmem:v1+s24+$0x130 ss:$0x1], $0xffff  }
0x135: {  	v19 =	vld.idx.msk [tilespmem:v1+s24+$0x80 ss:$0x1], $0xffff  }
0x136: {  	v28 =	vld.idx.msk [tilespmem:v1+s24+$0x90 ss:$0x1], $0xffff  }
0x137: {  	v23 =	vld.idx.msk [tilespmem:v1+s24+$0x0 ss:$0x1], $0xffff  }
0x138: {  	v24 =	vld.idx.msk [tilespmem:v1+s24+$0x10 ss:$0x1], $0xffff  }
0x139: {  	v27 =	vld.idx.msk [tilespmem:v1+s24+$0x20 ss:$0x1], $0xffff  }
0x13a: {  	v29 =	vld.idx.msk [tilespmem:v1+s24+$0x30 ss:$0x1], $0xffff  }
0x13b: {  	v33 =	vld.idx.msk [tilespmem:v1+s24+$0xA0 ss:$0x1], $0xffff  }
0x13c: {  	v34 =	vld.idx.msk [tilespmem:v1+s24+$0xB0 ss:$0x1], $0xffff  }
0x13d: {  	v13 =	vld.idx.msk [tilespmem:v1+s24+$0x140 ss:$0x1], $0xffff  }
0x13e: {  	v14 =	vld.idx.msk [tilespmem:v1+s24+$0x150 ss:$0x1], $0xffff  }
.Ltmp4:
0x13f: {  	v20 =	vadd.f32 v23, v20;
	v22 =	vadd.f32 v24, v22;
	v23 =	vld.idx.msk [tilespmem:v1+s24+$0xC0 ss:$0x1], $0xffff;
	(pc) =	sbr.rel @!p1 .LBB2_14-.Ltmp4, $4  }
0x140: {  	v31 =	vadd.f32 v27, v31;
	v29 =	vadd.f32 v29, v32;
	v24 =	vld.idx.msk [tilespmem:v1+s24+$0xD0 ss:$0x1], $0xffff  }
0x141: {  	v32 =	vadd.f32 v19, v20;
	v22 =	vadd.f32 v28, v22;
	v27 =	vld.idx.msk [tilespmem:v1+s24+$0x40 ss:$0x1], $0xffff  }
0x142: {  	v19 =	vadd.f32 v33, v31;
	v20 =	vadd.f32 v34, v29;
	v28 =	vld.idx.msk [tilespmem:v1+s24+$0x50 ss:$0x1], $0xffff  }
0x143: {  	s25 =	sadd.s32 $0xA00, s25;
	v21 =	vadd.f32 v21, v32;
	v22 =	vadd.f32 v30, v22;
	v29 =	vld.idx.msk [tilespmem:v1+s24+$0x60 ss:$0x1], $0xffff  }
0x144: {  	_ =	sdelay $0x2  }
0x145: {  	v19 =	vadd.f32 v25, v19;
	v20 =	vadd.f32 v26, v20  }
0x146: {  	v57 =	vld.idx.msk [tilespmem:v1+s24+$0x70 ss:$0x1], $0xffff;
	v16 =	vadd.f32 v16, v21;
	v18 =	vadd.f32 v18, v22  }
0x147: {  	v58 =	vld.idx.msk [tilespmem:v1+s24+$0xE0 ss:$0x1], $0xffff;
	v15 =	vadd.f32 v15, v19;
	v17 =	vadd.f32 v17, v20  }
0x148: {  	v30 =	vld.idx.msk [tilespmem:v1+s24+$0xF0 ss:$0x1], $0xffff;
	v4 =	vadd.f32 v27, v4;
	v22 =	vadd.f32 v9, v16  }
0x149: {  	v59 =	vld.idx.msk [tilespmem:v1+s24+$0x160 ss:$0x1], $0xffff;
	v21 =	vadd.f32 v10, v18;
	v3 =	vadd.f32 v28, v3  }
0x14a: {  	v60 =	vld.idx.msk [tilespmem:v1+s24+$0x170 ss:$0x1], $0xffff;
	v20 =	vadd.f32 v11, v15;
	v19 =	vadd.f32 v12, v17  }
0x14b: {  	v61 =	vld.idx.msk [tilespmem:v1+s24+$0x1E0 ss:$0x1], $0xffff;
	v2 =	vadd.f32 v29, v2;
	v0 =	vadd.f32 v57, v0  }
0x14c: {  	v62 =	vld.idx.msk [tilespmem:v1+s24+$0x1F0 ss:$0x1], $0xffff;
	v4 =	vadd.f32 v23, v4;
	v3 =	vadd.f32 v24, v3  }
0x14d: {  	v63 =	vld.idx.msk [tilespmem:v1+s24+$0x260 ss:$0x1], $0xffff;
	v2 =	vadd.f32 v58, v2;
	v0 =	vadd.f32 v30, v0  }
0x14e: {  	v1 =	vld.idx.msk [tilespmem:v1+s24+$0x270 ss:$0x1], $0xffff;
	v4 =	vadd.f32 v13, v4;
	v3 =	vadd.f32 v14, v3  }
0x14f: {  	v2 =	vadd.f32 v59, v2;
	v0 =	vadd.f32 v60, v0  }
0x150: {  	v4 =	vadd.f32 v7, v4;
	v3 =	vadd.f32 v8, v3  }
0x151: {  	v2 =	vadd.f32 v61, v2;
	v0 =	vadd.f32 v62, v0  }
0x152: {  	v4 =	vadd.f32 v5, v4;
	v3 =	vadd.f32 v6, v3  }
0x153: {  	v2 =	vadd.f32 v63, v2;
	v0 =	vadd.f32 v1, v0  }
0x154: {  	p1 =	seq.s32 s23, $0x19  }
.Ltmp5:
0x155: {  	_ = 	snop;
	(pc) =	sbr.rel @!p1 .LBB2_13-.Ltmp5, $2  }
0x156: {  	_ =	sdelay $0x2  }
0x157: {  	p0 =	por !p0, !p0  }
0x158: {  	[tilespmem:$0x7E00] =	vst v22  }
0x159: {  	[tilespmem:$0x7E10] =	vst v21  }
0x15a: {  	[tilespmem:$0x7E20] =	vst v20  }
0x15b: {  	[tilespmem:$0x7E30] =	vst v19  }
0x15c: {  	[tilespmem:$0x7E40] =	vst v4  }
0x15d: {  	[tilespmem:$0x7E60] =	vst v2  }
0x15e: {  	[tilespmem:$0x7E70] =	vst v0;
	v0 =	vimm.f32 $0.0e+00;
	v2 =	vimm.f32 $0.0e+00  }
0x15f: {  	[tilespmem:$0x7E50] =	vst v3;
	s23 =	simm.s32 $0x0;
	v3 =	vimm.f32 $0.0e+00;
	v4 =	vimm.f32 $0.0e+00;
	v19 =	vimm.f32 $0.0e+00;
	p0 =	por $0x0, $0x0  }
0x160: {  	v20 =	vimm.f32 $0.0e+00;
	v21 =	vimm.f32 $0.0e+00;
	v22 =	vimm.f32 $0.0e+00;
	[tilespmem:s23], [sflag:$0x1] =	stream.linear.gather [hbm4b:s11+s23], $0x3E80, $0x38;
	[tilespmem:$0x7F00] =	vst v63  }
.LBB2_18:
0x161: {  	s24 =	simm.s32 $0x1  }
0x162: {  	s25 =	smov.u32 s23;
	s24 =	simm.s32 @!p0 $0x0  }
0x163: {  	s23 =	sadd.s32 $0x1, s23;
	p1 =	seq.s32 s25, $0x18;
	s24 =	smul.u32 $0xFA00, s24  }
0x164: {  	s25 =	sand.u32 $0x1, s25;
	s26 =	smul.u32 @!p1 $0x7D, s23  }
0x165: {  	s28 =	sadd.s32 $0x1, s25;
	s25 =	sxor.u32 @!p1 $0x1, s25  }
0x166: {  	_ =	swait.ge [sflag:s28], $0x3E80;
	s24 =	sshrl.u32 s24, $0x2;
	s26 =	sadd.s32 @!p1 s7, s26  }
0x167: {  	s29 =	smul.u32 @!p1 $0xFA00, s25;
	[sflag:s28] =	ssyncset.done $0x0;
	s26 =	sshll.u32 @!p1 s26, $0x4;
	v1 =	vmov s24  }
0x168: {  	s25 =	sadd.s32 @!p1 $0x1, s25;
	[sflag:s28] =	ssyncadd.s32 $0xFFFFC180;
	s26 =	sand.u32 @!p1 $0x1FFFFFF0, s26  }
0x169: {  	s24 =	sshrl.u32 @!p1 s29, $0x2;
	s28 =	simm.s32 @!p1 $0x0;
	s26 =	sadd.s32 @!p1 s4, s26  }
0x16a: {  	[tilespmem:s24], [sflag:s25] =	stream.linear.gather @!p1 [hbm4b:s26+s28], $0x3E80, $0x38;
	[tilespmem:$0x7F00] =	vst v63  }
0x16b: {  	s24 =	simm.s32 $0x0  }
0x16c: {  	v9 =	vld.idx.msk [tilespmem:v1+s24+$0x200 ss:$0x1], $0xffff  }
0x16d: {  	v10 =	vld.idx.msk [tilespmem:v1+s24+$0x210 ss:$0x1], $0xffff  }
0x16e: {  	v11 =	vld.idx.msk [tilespmem:v1+s24+$0x220 ss:$0x1], $0xffff  }
0x16f: {  	v12 =	vld.idx.msk [tilespmem:v1+s24+$0x230 ss:$0x1], $0xffff  }
0x170: {  	v5 =	vld.idx.msk [tilespmem:v1+s24+$0x240 ss:$0x1], $0xffff  }
0x171: {  	v6 =	vld.idx.msk [tilespmem:v1+s24+$0x250 ss:$0x1], $0xffff  }
0x172: {  	v16 =	vld.idx.msk [tilespmem:v1+s24+$0x180 ss:$0x1], $0xffff  }
0x173: {  	v18 =	vld.idx.msk [tilespmem:v1+s24+$0x190 ss:$0x1], $0xffff  }
0x174: {  	v15 =	vld.idx.msk [tilespmem:v1+s24+$0x1A0 ss:$0x1], $0xffff  }
0x175: {  	v17 =	vld.idx.msk [tilespmem:v1+s24+$0x1B0 ss:$0x1], $0xffff  }
0x176: {  	v7 =	vld.idx.msk [tilespmem:v1+s24+$0x1C0 ss:$0x1], $0xffff  }
0x177: {  	v8 =	vld.idx.msk [tilespmem:v1+s24+$0x1D0 ss:$0x1], $0xffff  }
0x178: {  	v30 =	vld.idx.msk [tilespmem:v1+s24+$0x100 ss:$0x1], $0xffff  }
0x179: {  	v31 =	vld.idx.msk [tilespmem:v1+s24+$0x110 ss:$0x1], $0xffff  }
0x17a: {  	v25 =	vld.idx.msk [tilespmem:v1+s24+$0x120 ss:$0x1], $0xffff  }
0x17b: {  	v26 =	vld.idx.msk [tilespmem:v1+s24+$0x130 ss:$0x1], $0xffff  }
0x17c: {  	v28 =	vld.idx.msk [tilespmem:v1+s24+$0x80 ss:$0x1], $0xffff  }
0x17d: {  	v29 =	vld.idx.msk [tilespmem:v1+s24+$0x90 ss:$0x1], $0xffff  }
0x17e: {  	v23 =	vld.idx.msk [tilespmem:v1+s24+$0x0 ss:$0x1], $0xffff  }
0x17f: {  	v24 =	vld.idx.msk [tilespmem:v1+s24+$0x10 ss:$0x1], $0xffff  }
0x180: {  	v27 =	vld.idx.msk [tilespmem:v1+s24+$0x20 ss:$0x1], $0xffff  }
0x181: {  	v32 =	vld.idx.msk [tilespmem:v1+s24+$0x30 ss:$0x1], $0xffff  }
0x182: {  	v33 =	vld.idx.msk [tilespmem:v1+s24+$0xA0 ss:$0x1], $0xffff  }
0x183: {  	v34 =	vld.idx.msk [tilespmem:v1+s24+$0xB0 ss:$0x1], $0xffff  }
0x184: {  	v13 =	vld.idx.msk [tilespmem:v1+s24+$0x140 ss:$0x1], $0xffff  }
0x185: {  	v14 =	vld.idx.msk [tilespmem:v1+s24+$0x150 ss:$0x1], $0xffff  }
0x186: {  	v22 =	vadd.f32 v23, v22;
	v21 =	vadd.f32 v24, v21;
	v23 =	vld.idx.msk [tilespmem:v1+s24+$0xC0 ss:$0x1], $0xffff  }
0x187: {  	v20 =	vadd.f32 v27, v20;
	v32 =	vadd.f32 v32, v19;
	v24 =	vld.idx.msk [tilespmem:v1+s24+$0xD0 ss:$0x1], $0xffff  }
0x188: {  	v27 =	vld.idx.msk [tilespmem:v1+s24+$0x40 ss:$0x1], $0xffff;
	v22 =	vadd.f32 v28, v22;
	v35 =	vadd.f32 v29, v21  }
0x189: {  	v28 =	vld.idx.msk [tilespmem:v1+s24+$0x50 ss:$0x1], $0xffff;
	v19 =	vadd.f32 v33, v20;
	v20 =	vadd.f32 v34, v32  }
0x18a: {  	s25 =	simm.s32 $0xA00;
	v29 =	vld.idx.msk [tilespmem:v1+s24+$0x60 ss:$0x1], $0xffff;
	v21 =	vadd.f32 v30, v22;
	v22 =	vadd.f32 v31, v35  }
.LBB2_19:
0x18b: {  	p1 =	seq.s32 s25, $0xF000;
	v30 =	vld.idx.msk [tilespmem:v1+s24+$0x70 ss:$0x1], $0xffff;
	v19 =	vadd.f32 v25, v19;
	v20 =	vadd.f32 v26, v20  }
0x18c: {  	v25 =	vld.idx.msk [tilespmem:v1+s24+$0xE0 ss:$0x1], $0xffff;
	v16 =	vadd.f32 v16, v21;
	v18 =	vadd.f32 v18, v22  }
0x18d: {  	v21 =	vld.idx.msk [tilespmem:v1+s24+$0xF0 ss:$0x1], $0xffff;
	v15 =	vadd.f32 v15, v19;
	v17 =	vadd.f32 v17, v20  }
0x18e: {  	v19 =	vld.idx.msk [tilespmem:v1+s24+$0x160 ss:$0x1], $0xffff;
	v20 =	vadd.f32 v9, v16;
	v22 =	vadd.f32 v10, v18  }
0x18f: {  	v16 =	vld.idx.msk [tilespmem:v1+s24+$0x170 ss:$0x1], $0xffff;
	v31 =	vadd.f32 v11, v15;
	v32 =	vadd.f32 v12, v17  }
0x190: {  	v4 =	vadd.f32 v27, v4;
	v3 =	vadd.f32 v28, v3;
	v15 =	vld.idx.msk [tilespmem:v1+s24+$0x1E0 ss:$0x1], $0xffff  }
0x191: {  	v2 =	vadd.f32 v29, v2;
	v0 =	vadd.f32 v30, v0;
	v17 =	vld.idx.msk [tilespmem:v1+s24+$0x1F0 ss:$0x1], $0xffff  }
0x192: {  	v4 =	vadd.f32 v23, v4;
	v3 =	vadd.f32 v24, v3;
	v18 =	vld.idx.msk [tilespmem:v1+s24+$0x260 ss:$0x1], $0xffff  }
0x193: {  	v2 =	vadd.f32 v25, v2;
	v0 =	vadd.f32 v21, v0;
	v21 =	vld.idx.msk [tilespmem:v1+s24+$0x270 ss:$0x1], $0xffff;
	s24 =	sshra.s32 s25, $0x2  }
0x194: {  	v4 =	vadd.f32 v13, v4;
	v3 =	vadd.f32 v14, v3;
	v9 =	vld.idx.msk [tilespmem:v1+s24+$0x200 ss:$0x1], $0xffff  }
0x195: {  	v2 =	vadd.f32 v19, v2;
	v0 =	vadd.f32 v16, v0;
	v10 =	vld.idx.msk [tilespmem:v1+s24+$0x210 ss:$0x1], $0xffff  }
0x196: {  	v4 =	vadd.f32 v7, v4;
	v3 =	vadd.f32 v8, v3;
	v11 =	vld.idx.msk [tilespmem:v1+s24+$0x220 ss:$0x1], $0xffff  }
0x197: {  	v2 =	vadd.f32 v15, v2;
	v0 =	vadd.f32 v17, v0;
	v12 =	vld.idx.msk [tilespmem:v1+s24+$0x230 ss:$0x1], $0xffff  }
0x198: {  	v4 =	vadd.f32 v5, v4;
	v3 =	vadd.f32 v6, v3;
	v5 =	vld.idx.msk [tilespmem:v1+s24+$0x240 ss:$0x1], $0xffff  }
0x199: {  	v2 =	vadd.f32 v18, v2;
	v0 =	vadd.f32 v21, v0;
	v6 =	vld.idx.msk [tilespmem:v1+s24+$0x250 ss:$0x1], $0xffff  }
0x19a: {  	v16 =	vld.idx.msk [tilespmem:v1+s24+$0x180 ss:$0x1], $0xffff  }
0x19b: {  	v18 =	vld.idx.msk [tilespmem:v1+s24+$0x190 ss:$0x1], $0xffff  }
0x19c: {  	v15 =	vld.idx.msk [tilespmem:v1+s24+$0x1A0 ss:$0x1], $0xffff  }
0x19d: {  	v17 =	vld.idx.msk [tilespmem:v1+s24+$0x1B0 ss:$0x1], $0xffff  }
0x19e: {  	v7 =	vld.idx.msk [tilespmem:v1+s24+$0x1C0 ss:$0x1], $0xffff  }
0x19f: {  	v8 =	vld.idx.msk [tilespmem:v1+s24+$0x1D0 ss:$0x1], $0xffff  }
0x1a0: {  	v21 =	vld.idx.msk [tilespmem:v1+s24+$0x100 ss:$0x1], $0xffff  }
0x1a1: {  	v30 =	vld.idx.msk [tilespmem:v1+s24+$0x110 ss:$0x1], $0xffff  }
0x1a2: {  	v25 =	vld.idx.msk [tilespmem:v1+s24+$0x120 ss:$0x1], $0xffff  }
0x1a3: {  	v26 =	vld.idx.msk [tilespmem:v1+s24+$0x130 ss:$0x1], $0xffff  }
0x1a4: {  	v19 =	vld.idx.msk [tilespmem:v1+s24+$0x80 ss:$0x1], $0xffff  }
0x1a5: {  	v28 =	vld.idx.msk [tilespmem:v1+s24+$0x90 ss:$0x1], $0xffff  }
0x1a6: {  	v23 =	vld.idx.msk [tilespmem:v1+s24+$0x0 ss:$0x1], $0xffff  }
0x1a7: {  	v24 =	vld.idx.msk [tilespmem:v1+s24+$0x10 ss:$0x1], $0xffff  }
0x1a8: {  	v27 =	vld.idx.msk [tilespmem:v1+s24+$0x20 ss:$0x1], $0xffff  }
0x1a9: {  	v29 =	vld.idx.msk [tilespmem:v1+s24+$0x30 ss:$0x1], $0xffff  }
0x1aa: {  	v33 =	vld.idx.msk [tilespmem:v1+s24+$0xA0 ss:$0x1], $0xffff  }
0x1ab: {  	v34 =	vld.idx.msk [tilespmem:v1+s24+$0xB0 ss:$0x1], $0xffff  }
0x1ac: {  	v13 =	vld.idx.msk [tilespmem:v1+s24+$0x140 ss:$0x1], $0xffff  }
0x1ad: {  	v14 =	vld.idx.msk [tilespmem:v1+s24+$0x150 ss:$0x1], $0xffff  }
.Ltmp6:
0x1ae: {  	v20 =	vadd.f32 v23, v20;
	v22 =	vadd.f32 v24, v22;
	v23 =	vld.idx.msk [tilespmem:v1+s24+$0xC0 ss:$0x1], $0xffff;
	(pc) =	sbr.rel @!p1 .LBB2_19-.Ltmp6, $4  }
0x1af: {  	v31 =	vadd.f32 v27, v31;
	v29 =	vadd.f32 v29, v32;
	v24 =	vld.idx.msk [tilespmem:v1+s24+$0xD0 ss:$0x1], $0xffff  }
0x1b0: {  	v32 =	vadd.f32 v19, v20;
	v22 =	vadd.f32 v28, v22;
	v27 =	vld.idx.msk [tilespmem:v1+s24+$0x40 ss:$0x1], $0xffff  }
0x1b1: {  	v19 =	vadd.f32 v33, v31;
	v20 =	vadd.f32 v34, v29;
	v28 =	vld.idx.msk [tilespmem:v1+s24+$0x50 ss:$0x1], $0xffff  }
0x1b2: {  	s25 =	sadd.s32 $0xA00, s25;
	v21 =	vadd.f32 v21, v32;
	v22 =	vadd.f32 v30, v22;
	v29 =	vld.idx.msk [tilespmem:v1+s24+$0x60 ss:$0x1], $0xffff  }
0x1b3: {  	_ =	sdelay $0x2  }
0x1b4: {  	v19 =	vadd.f32 v25, v19;
	v20 =	vadd.f32 v26, v20  }
0x1b5: {  	v57 =	vld.idx.msk [tilespmem:v1+s24+$0x70 ss:$0x1], $0xffff;
	v16 =	vadd.f32 v16, v21;
	v18 =	vadd.f32 v18, v22  }
0x1b6: {  	v58 =	vld.idx.msk [tilespmem:v1+s24+$0xE0 ss:$0x1], $0xffff;
	v15 =	vadd.f32 v15, v19;
	v17 =	vadd.f32 v17, v20  }
0x1b7: {  	v30 =	vld.idx.msk [tilespmem:v1+s24+$0xF0 ss:$0x1], $0xffff;
	v4 =	vadd.f32 v27, v4;
	v22 =	vadd.f32 v9, v16  }
0x1b8: {  	v59 =	vld.idx.msk [tilespmem:v1+s24+$0x160 ss:$0x1], $0xffff;
	v21 =	vadd.f32 v10, v18;
	v3 =	vadd.f32 v28, v3  }
0x1b9: {  	v60 =	vld.idx.msk [tilespmem:v1+s24+$0x170 ss:$0x1], $0xffff;
	v20 =	vadd.f32 v11, v15;
	v19 =	vadd.f32 v12, v17  }
0x1ba: {  	v61 =	vld.idx.msk [tilespmem:v1+s24+$0x1E0 ss:$0x1], $0xffff;
	v2 =	vadd.f32 v29, v2;
	v0 =	vadd.f32 v57, v0  }
0x1bb: {  	v62 =	vld.idx.msk [tilespmem:v1+s24+$0x1F0 ss:$0x1], $0xffff;
	v4 =	vadd.f32 v23, v4;
	v3 =	vadd.f32 v24, v3  }
0x1bc: {  	v63 =	vld.idx.msk [tilespmem:v1+s24+$0x260 ss:$0x1], $0xffff;
	v2 =	vadd.f32 v58, v2;
	v0 =	vadd.f32 v30, v0  }
0x1bd: {  	v1 =	vld.idx.msk [tilespmem:v1+s24+$0x270 ss:$0x1], $0xffff;
	v4 =	vadd.f32 v13, v4;
	v3 =	vadd.f32 v14, v3  }
0x1be: {  	v2 =	vadd.f32 v59, v2;
	v0 =	vadd.f32 v60, v0  }
0x1bf: {  	v4 =	vadd.f32 v7, v4;
	v3 =	vadd.f32 v8, v3  }
0x1c0: {  	v2 =	vadd.f32 v61, v2;
	v0 =	vadd.f32 v62, v0  }
0x1c1: {  	v4 =	vadd.f32 v5, v4;
	v3 =	vadd.f32 v6, v3  }
0x1c2: {  	v2 =	vadd.f32 v63, v2;
	v0 =	vadd.f32 v1, v0  }
0x1c3: {  	p1 =	seq.s32 s23, $0x19  }
.Ltmp7:
0x1c4: {  	_ = 	snop;
	(pc) =	sbr.rel @!p1 .LBB2_18-.Ltmp7, $2  }
0x1c5: {  	_ =	sdelay $0x2  }
0x1c6: {  	p0 =	por !p0, !p0  }
0x1c7: {  	[tilespmem:$0x7E80] =	vst v22  }
0x1c8: {  	[tilespmem:$0x7E90] =	vst v21  }
0x1c9: {  	[tilespmem:$0x7EA0] =	vst v20  }
0x1ca: {  	[tilespmem:$0x7EB0] =	vst v19  }
0x1cb: {  	[tilespmem:$0x7EC0] =	vst v4  }
0x1cc: {  	[tilespmem:$0x7ED0] =	vst v3  }
0x1cd: {  	[tilespmem:$0x7EE0] =	vst v2  }
0x1ce: {  	[tilespmem:$0x7EF0] =	vst v0  }
0x1cf: {  	[hbm4b:s12+s6] =	stream.linear.scatter [tilespmem:s17], [sflag:$0x3], $0x80, $0x38;
	[tilespmem:$0x7F00] =	vst v63  }
0x1d0: {  	_ =	swait.ge [sflag:s18], $0x80  }
0x1d1: {  	[sflag:s18] =	ssyncset.done $0x0  }
0x1d2: {  	[sflag:s18] =	ssyncadd.s32 $0xFFFFFF80  }
0x1d3: {  	[hbm4b:s13+s6] =	stream.linear.scatter [tilespmem:s19], [sflag:$0x3], $0x80, $0x38;
	[tilespmem:$0x7F00] =	vst v63  }
0x1d4: {  	_ =	swait.ge [sflag:s18], $0x80  }
0x1d5: {  	[sflag:s18] =	ssyncset.done $0x0  }
0x1d6: {  	[sflag:s18] =	ssyncadd.s32 $0xFFFFFF80  }
0x1d7: {  	[hbm4b:s14+s6] =	stream.linear.scatter [tilespmem:s20], [sflag:$0x3], $0x80, $0x38;
	[tilespmem:$0x7F00] =	vst v63  }
0x1d8: {  	s22 =	sadd.s32 $0x1, s22;
	_ =	swait.ge [sflag:s18], $0x80  }
0x1d9: {  	p0 =	sne.s32 s22, s16;
	[sflag:s18] =	ssyncset.done $0x0  }
.Ltmp8:
0x1da: {  	[sflag:s18] =	ssyncadd.s32 $0xFFFFFF80;
	(pc) =	sbr.rel @p0 .LBB2_1-.Ltmp8, $4  }
0x1db: {  	[hbm4b:s15+s6] =	stream.linear.scatter [tilespmem:s21], [sflag:$0x3], $0x80, $0x38;
	[tilespmem:$0x7F00] =	vst v63  }
0x1dc: {  	_ =	swait.ge [sflag:s18], $0x80  }
0x1dd: {  	[sflag:s18] =	ssyncset.done $0x0  }
0x1de: {  	[sflag:s18] =	ssyncadd.s32 $0xFFFFFF80  }
0x1df: {  	_ =	sfence.sel $0x180000  }
0x1e0: {  	[bflag:$0x0] =	sbarrier.arrive $0xFFFF  }
0x1e1: {  	p0 =	sne.s32 s5, $0x0;
	_ =	strace $0x90000047  }
0x1e2: {  	s0 =	sadd.s32 @!p0 $0x100000, s0;
	[bflag:$0x2] =	sbarrier.arrive $0xFFFF  }
0x1e3: {  	[sflag:s0] =	ssyncadd.tile.s32 @!p0 $0x1;
	_ =	shalt  }
.Lfunc_end2:
_tile_overlayer_lowered:
.L_overlay_start_2:
0x1e4: {  	(tag) =	ssettag $0x2  }
0x1e5: {  	s0 =	rddreg [dreg:$0x0];
	s2 =	stileid.u32  }
0x1e6: {  	s1 =	rddreg [dreg:$0x1];
	p0 =	sne.s32 s2, $0x0  }
0x1e7: {  	s3 =	rddreg [dreg:$0x2];
	[bflag:$0x3] =	sbarrier.arrive $0xFFFF;
	s2 =	simm.s32 @!p0 $0x1C03  }
0x1e8: {  	[timem:s3], [sflag:s2] =	dma.local @!p0 [hbm:s0], s1  }
0x1e9: {  	s0 =	simm.s32 @!p0 $0x3  }
0x1ea: {  	_ =	swait.ge @!p0 [sflag:s0], s1  }
0x1eb: {  	s1 =	ssub.s32 @!p0 $0x0, s1;
	[sflag:s0] =	ssyncset.done @!p0 $0x0  }
0x1ec: {  	[sflag:s0] =	ssyncadd.s32 @!p0 s1  }
0x1ed: {  	[bflag:$0x3] =	sbarrier.arrive $0xFFFF  }
0x1ee: {  	_ =	shalt  }

</sc_bundles>
